<compile_context>
chip_gen: v7x
topology: tpu7x:2x2x1
jax: 0.10.2.dev20260603
libtpu: 0.0.44.dev20260713+nightly
codegen_flags: <defaults>
</compile_context>

<pallas_src>
import functools

import jax
import jax.numpy as jnp
from jax import lax
from jax.experimental import pallas as pl
from jax.experimental.pallas import tpu as pltpu
from jax.experimental.pallas import tpu_sc as plsc

_N = 10000
_D_IN = 128
_D_EDGE = 16
_D_M = 128
_D_OUT = 256
_EPS = 1e-5

_NC = 2
_NS = 16
_L = 16
_G = 128
_DH = _D_M // _NC

_ROWS_PER_TILE = ((_N + 1 + _NS - 1) // _NS + 7) // 8 * 8
_R_PAD = _ROWS_PER_TILE * _NS
_TRASH = _N


def _sc_edge_kernel(xwh, ew0, ew1, src2, dst1, zrow, groups_per_tile, e_pad):
  chunks = groups_per_tile
  mesh = plsc.VectorSubcoreMesh(core_axis_name="c", subcore_axis_name="s")

  @functools.partial(
      pl.kernel,
      mesh=mesh,
      compiler_params=pltpu.CompilerParams(use_tc_tiling_on_sc=False),
      out_type=jax.ShapeDtypeStruct((_NC * _R_PAD, _DH), jnp.float32),
      scratch_types=[
          pltpu.VMEM((groups_per_tile, _G), jnp.int32),
          pltpu.VMEM((2, _G), jnp.int32),
          pltpu.VMEM((2, _G, _DH), jnp.float32),
          pltpu.VMEM((2, _G // 2, _D_M), jnp.float32),
          pltpu.VMEM((2, _G, _DH), jnp.float32),
          pltpu.VMEM_SHARED((_R_PAD, _DH), jnp.float32),
          pltpu.SemaphoreType.DMA,
          pltpu.SemaphoreType.DMA,
          pltpu.SemaphoreType.DMA,
          pltpu.SemaphoreType.DMA,
      ],
  )
  def body(xw_hbm, ew0_hbm, ew1_hbm, src_hbm, dst_hbm, z_hbm, out_hbm,
           sidx, didxb, rows, ews, msgs, agg, sem0, sem1, sems0, sems1):
    c = lax.axis_index("c")
    s = lax.axis_index("s")

    row_off = pl.multiple_of(s * _ROWS_PER_TILE, 8)
    pltpu.sync_copy(z_hbm, agg.at[pl.ds(row_off, _ROWS_PER_TILE)])
    g0 = pl.multiple_of(s * groups_per_tile, 8)
    pltpu.sync_copy(src_hbm.at[pl.ds(g0, groups_per_tile)], sidx)
    base = c * _N

    @plsc.parallel_loop(0, groups_per_tile, 1, unroll=4)
    def _(r):
      for cc in range(_G // _L):
        sl = pl.ds(cc * _L, _L)
        sidx[r, sl] = sidx[r, sl] + base

    plsc.subcore_barrier()

    ebase = pl.multiple_of(s * groups_per_tile * _G, 8)

    def start(g, b, sem):
      eoff = pl.multiple_of(ebase + g * _G, 8)
      eoff2 = pl.multiple_of((ebase + g * _G) // 2, 8)
      pltpu.async_copy(xw_hbm.at[sidx.at[g]], rows.at[b], sem)

      @pl.when(c == 0)
      def _():
        pltpu.async_copy(ew0_hbm.at[pl.ds(eoff2, _G // 2)], ews.at[b], sem)

      @pl.when(c == 1)
      def _():
        pltpu.async_copy(ew1_hbm.at[pl.ds(eoff2, _G // 2)], ews.at[b], sem)

      pltpu.async_copy(dst_hbm.at[pl.ds(eoff, _G)], didxb.at[b], sem)

    def wait(b, sem):
      pltpu.make_async_copy(ew0_hbm.at[pl.ds(0, _G // 2)], ews.at[b],
                            sem).wait()
      pltpu.make_async_copy(dst_hbm.at[pl.ds(0, _G)], didxb.at[b], sem).wait()
      pltpu.make_async_copy(xw_hbm.at[pl.ds(0, _G)], rows.at[b], sem).wait()

    def compute(b):
      @plsc.parallel_loop(0, _G // 2, 1, unroll=4)
      def _(r):
        for half in range(2):
          for cc in range(_DH // _L):
            sl = pl.ds(cc * _L, _L)
            esl = pl.ds(half * _DH + cc * _L, _L)
            eidx = half * (_G // 2) + r
            msgs[b, eidx, sl] = jnp.maximum(
                rows[b, eidx, sl] + ews[b, r, esl], 0.0)

    def scatter(b, sems):
      pltpu.async_copy(msgs.at[b], agg.at[didxb.at[b]], sems, add=True)

    def drain_scatter(b, sems):
      pltpu.make_async_copy(msgs.at[b], agg.at[didxb.at[b]], sems).wait()

    start(0, 0, sem0)

    def pair(h, carry):
      ga = 2 * h
      gb = 2 * h + 1

      @pl.when(h > 0)
      def _():
        drain_scatter(1, sems1)

      start(gb, 1, sem1)
      wait(0, sem0)
      compute(0)
      scatter(0, sems0)
      wait(1, sem1)
      compute(1)
      drain_scatter(0, sems0)

      @pl.when(gb + 1 < chunks)
      def _():
        start(gb + 1, 0, sem0)

      scatter(1, sems1)
      return carry

    lax.fori_loop(0, chunks // 2, pair, 0)
    drain_scatter(1, sems1)
    plsc.subcore_barrier()

    off = pl.multiple_of(c * _R_PAD + s * _ROWS_PER_TILE, 8)
    pltpu.sync_copy(agg.at[pl.ds(row_off, _ROWS_PER_TILE)],
                    out_hbm.at[pl.ds(off, _ROWS_PER_TILE)])

  return body(xwh, ew0, ew1, src2, dst1, zrow)


def _xw_body(x_ref, w_ref, o_ref):
  xw = jnp.dot(x_ref[...], w_ref[...], preferred_element_type=jnp.float32)
  o_ref[0:_N, :] = xw[:, :_DH]
  o_ref[_N:, :] = xw[:, _DH:]


def _ew_body(ef_ref, w_ref, b_ref, o0_ref, o1_ref):
  ew = jnp.dot(ef_ref[...], w_ref[...],
               preferred_element_type=jnp.float32) + b_ref[...]
  be = ef_ref.shape[0]
  for k in range(be // _G):
    a = ew[k * _G:k * _G + _G // 2]
    b = ew[k * _G + _G // 2:(k + 1) * _G]
    h = _G // 2
    o0_ref[k * h:(k + 1) * h, :] = jnp.concatenate(
        [a[:, :_DH], b[:, :_DH]], axis=1)
    o1_ref[k * h:(k + 1) * h, :] = jnp.concatenate(
        [a[:, _DH:], b[:, _DH:]], axis=1)


def _pass1_body(x_ref, a0_ref, a1_ref, w_ref, b_ref, pre_ref, st_ref):
  i = pl.program_id(0)
  z = jnp.concatenate([x_ref[...], a0_ref[0], a1_ref[0]], axis=1)
  pre = jnp.dot(z, w_ref[...], preferred_element_type=jnp.float32)
  pre = pre + b_ref[...] + z
  pre_ref[...] = pre

  @pl.when(i == 0)
  def _():
    st_ref[...] = jnp.zeros_like(st_ref)

  s1 = jnp.sum(pre, axis=0, keepdims=True)
  s2 = jnp.sum(pre * pre, axis=0, keepdims=True)
  st_ref[...] += jnp.concatenate([s1, s2], axis=0)


def _pass2_body(pre_ref, st_ref, g_ref, b_ref, o_ref):
  mean = st_ref[0:1, :] * (1.0 / _N)
  var = st_ref[1:2, :] * (1.0 / _N) - mean * mean
  inv = lax.rsqrt(var + _EPS)
  o_ref[...] = (pre_ref[...] - mean) * (inv * g_ref[...]) + b_ref[...]


def kernel(x, edge_features, edge_idx, batch_idx, W_M, b_M, W_U, b_U,
           gamma, beta):
  del batch_idx
  n = x.shape[0]
  e = edge_features.shape[0]
  assert n == _N

  e_quant = 8 * _NS * _G
  e_pad = ((e + e_quant - 1) // e_quant) * e_quant
  groups_per_tile = e_pad // (_NS * _G)
  src = jnp.pad(edge_idx[0], (0, e_pad - e))
  dst = jnp.pad(edge_idx[1], (0, e_pad - e), constant_values=_TRASH)
  src2 = src.reshape(e_pad // _G, _G)
  w_mx_t = W_M[:, :_D_IN].T
  w_me_t = W_M[:, _D_IN:].T
  b_m = b_M.reshape(1, _D_M)
  w_u_t = W_U.T
  b_u = b_U.reshape(1, _D_OUT)
  gamma2 = gamma.reshape(1, _D_OUT)
  beta2 = beta.reshape(1, _D_OUT)
  zrow = jnp.zeros((_ROWS_PER_TILE, _DH), jnp.float32)

  xwh2 = pl.pallas_call(
      _xw_body,
      out_shape=jax.ShapeDtypeStruct((_NC * n, _DH), jnp.float32),
  )(x, w_mx_t)

  be = 4096
  ge = (e + be - 1) // be
  ew0, ew1 = pl.pallas_call(
      _ew_body,
      grid=(ge,),
      in_specs=[
          pl.BlockSpec((be, _D_EDGE), lambda i: (i, 0)),
          pl.BlockSpec((_D_EDGE, _D_M), lambda i: (0, 0)),
          pl.BlockSpec((1, _D_M), lambda i: (0, 0)),
      ],
      out_specs=[
          pl.BlockSpec((be // 2, _D_M), lambda i: (i, 0)),
          pl.BlockSpec((be // 2, _D_M), lambda i: (i, 0)),
      ],
      out_shape=[
          jax.ShapeDtypeStruct((e_pad // 2, _D_M), jnp.float32),
          jax.ShapeDtypeStruct((e_pad // 2, _D_M), jnp.float32),
      ],
  )(edge_features, w_me_t, b_m)

  parts_flat = _sc_edge_kernel(xwh2, ew0, ew1, src2, dst, zrow,
                               groups_per_tile, e_pad)
  parts = parts_flat.reshape(_NC, _R_PAD, _DH)

  bn = 1000
  gn = n // bn
  pre, stats = pl.pallas_call(
      _pass1_body,
      grid=(gn,),
      in_specs=[
          pl.BlockSpec((bn, _D_IN), lambda i: (i, 0)),
          pl.BlockSpec((1, bn, _DH), lambda i: (0, i, 0)),
          pl.BlockSpec((1, bn, _DH), lambda i: (1, i, 0)),
          pl.BlockSpec((_D_OUT, _D_OUT), lambda i: (0, 0)),
          pl.BlockSpec((1, _D_OUT), lambda i: (0, 0)),
      ],
      out_specs=[
          pl.BlockSpec((bn, _D_OUT), lambda i: (i, 0)),
          pl.BlockSpec((2, _D_OUT), lambda i: (0, 0)),
      ],
      out_shape=[
          jax.ShapeDtypeStruct((n, _D_OUT), jnp.float32),
          jax.ShapeDtypeStruct((2, _D_OUT), jnp.float32),
      ],
  )(x, parts, parts, w_u_t, b_u)

  out = pl.pallas_call(
      _pass2_body,
      grid=(gn,),
      in_specs=[
          pl.BlockSpec((bn, _D_OUT), lambda i: (i, 0)),
          pl.BlockSpec((2, _D_OUT), lambda i: (0, 0)),
          pl.BlockSpec((1, _D_OUT), lambda i: (0, 0)),
          pl.BlockSpec((1, _D_OUT), lambda i: (0, 0)),
      ],
      out_specs=pl.BlockSpec((bn, _D_OUT), lambda i: (i, 0)),
      out_shape=jax.ShapeDtypeStruct((n, _D_OUT), jnp.float32),
  )(pre, stats, gamma2, beta2)
  return out

# --- scband reference (transcript-rebuilt; emitter-appended) ---
"""Pipeline reference for scband-gnn-layer-79508434583745 (READ-ONLY COPY).

The authoritative reference and input builder live on the scoring server;
editing this copy changes nothing except your own understanding.
"""

import jax, jax.numpy as jnp
import numpy as np

N = 10000
E = 320000
D_IN = 128
D_EDGE = 16
D_M = 128
D_OUT = 256  # dim_in + dim_M == dim_out, so residual adds without projection
EPS = 1e-5


def setup_inputs(seed: int = 0) -> dict:
    key = jax.random.key(seed)
    ks = jax.random.split(key, 10)
    x = jax.random.normal(ks[0], (N, D_IN), dtype=jnp.float32)
    edge_features = jax.random.normal(ks[1], (E, D_EDGE), dtype=jnp.float32)
    edge_idx = jax.random.randint(ks[2], (2, E), 0, N, dtype=jnp.int32)
    batch_idx = jnp.zeros((N,), dtype=jnp.int32)
    # M_input: Linear(dim_in + dim_edge, dim_M)
    W_M = jax.random.normal(ks[3], (D_M, D_IN + D_EDGE), dtype=jnp.float32) * 0.05
    b_M = jnp.zeros((D_M,), dtype=jnp.float32)
    # U_output: Linear(dim_in + dim_M, dim_out)  (n_U_layers=1 -> no hidden U layers)
    W_U = jax.random.normal(ks[4], (D_OUT, D_IN + D_M), dtype=jnp.float32) * 0.05
    b_U = jnp.zeros((D_OUT,), dtype=jnp.float32)
    # BatchNorm1d(dim_out) affine params
    gamma = jnp.ones((D_OUT,), dtype=jnp.float32)
    beta = jnp.zeros((D_OUT,), dtype=jnp.float32)
    return {"x": x, "edge_features": edge_features, "edge_idx": edge_idx,
            "batch_idx": batch_idx, "W_M": W_M, "b_M": b_M,
            "W_U": W_U, "b_U": b_U, "gamma": gamma, "beta": beta}


def reference(x, edge_features, edge_idx, batch_idx, W_M, b_M, W_U, b_U, gamma, beta):
    # message: gather source node features, concat edge features
    y = jnp.concatenate([x[edge_idx[0]], edge_features], axis=-1)
    # M_input linear + relu (n_M_layers=1 -> no hidden M layers)
    y = jax.nn.relu(y @ W_M.T + b_M)
    # scatter-sum aggregation onto destination nodes
    agg = jax.ops.segment_sum(y, edge_idx[1], num_segments=x.shape[0])
    z = jnp.concatenate([x, agg], axis=-1)
    res = z  # residual (dim_in + dim_M == dim_out, no projection)
    out = z @ W_U.T + b_U + res
    # BatchNorm1d in training mode: batch statistics (biased variance)
    mean = jnp.mean(out, axis=0)
    var = jnp.mean((out - mean) ** 2, axis=0)
    out = (out - mean) / jnp.sqrt(var + EPS) * gamma + beta
    return out

if __name__ == "__main__":
    import jax
    _d = setup_inputs()
    print(jax.jit(kernel)(*tuple(_d.values())))

</pallas_src>

<mosaic_0001>
#map = affine_map<(d0, d1) -> (0, 0)>
#map1 = affine_map<(d0, d1) -> (0)>
module attributes {stable_mosaic.version = 14 : i64} {
  func.func @body(%arg0: i32, %arg1: i32, %arg2: memref<20000x64xf32, #tpu.memory_space<hbm>>, %arg3: memref<163840x128xf32, #tpu.memory_space<hbm>>, %arg4: memref<163840x128xf32, #tpu.memory_space<hbm>>, %arg5: memref<2560x128xi32, #tpu.memory_space<hbm>>, %arg6: memref<327680xi32, #tpu.memory_space<hbm>>, %arg7: memref<632x64xf32, #tpu.memory_space<hbm>>, %arg8: memref<20224x64xf32, #tpu.memory_space<hbm>>, %arg9: memref<160x128xi32, #tpu.memory_space<vmem>>, %arg10: memref<2x128xi32, #tpu.memory_space<vmem>>, %arg11: memref<2x128x64xf32, #tpu.memory_space<vmem>>, %arg12: memref<2x64x128xf32, #tpu.memory_space<vmem>>, %arg13: memref<2x128x64xf32, #tpu.memory_space<vmem>>, %arg14: memref<10112x64xf32, #tpu.memory_space<vmem_shared>>, %arg15: memref<!tpu.dma_semaphore, #tpu.memory_space<semaphore_mem>>, %arg16: memref<!tpu.dma_semaphore, #tpu.memory_space<semaphore_mem>>, %arg17: memref<!tpu.dma_semaphore, #tpu.memory_space<semaphore_mem>>, %arg18: memref<!tpu.dma_semaphore, #tpu.memory_space<semaphore_mem>>) attributes {dimension_semantics = [#tpu.dimension_semantics<core_parallel>, #tpu.dimension_semantics<subcore_parallel>], iteration_bounds = array<i64: 2, 16>, scalar_prefetch = 0 : i64, scratch_operands = 10 : i64, tpu.core_type = #tpu.core_type<sc_vector_subcore>, window_params = [{transform_indices = #map}, {transform_indices = #map}, {transform_indices = #map}, {transform_indices = #map}, {transform_indices = #map1}, {transform_indices = #map}, {transform_indices = #map}]} {
    %mul3A = arith.constant 632 : i32
    %mul3A_0 = arith.muli %arg1, %mul3A : i32
    %multiple_of3A = tpu.assume_multiple %mul3A_0, 8 : i32
    "tpu.region"() ({
      %run_scoped3A = tpu.sem_alloc : memref<!tpu.dma_semaphore, #tpu.memory_space<semaphore_mem>>
      %dma_start3A_84 = arith.constant 0 : i32
      %dma_start3A_85 = tpu.memref_slice %arg14[%multiple_of3A, %dma_start3A_84] : memref<10112x64xf32, #tpu.memory_space<vmem_shared>> -> memref<632x64xf32, #tpu.memory_space<vmem_shared>>
      tpu.enqueue_dma source(%arg7 : memref<632x64xf32, #tpu.memory_space<hbm>>) target(%dma_start3A_85 : memref<632x64xf32, #tpu.memory_space<vmem_shared>>) target_semaphore(%run_scoped3A : memref<!tpu.dma_semaphore, #tpu.memory_space<semaphore_mem>>)
      %dma_wait3A_86 = arith.constant 0 : i32
      %dma_wait3A_87 = tpu.memref_slice %arg14[%multiple_of3A, %dma_wait3A_86] : memref<10112x64xf32, #tpu.memory_space<vmem_shared>> -> memref<632x64xf32, #tpu.memory_space<vmem_shared>>
      tpu.wait_dma2 semaphore(%run_scoped3A : memref<!tpu.dma_semaphore, #tpu.memory_space<semaphore_mem>>) src(%arg7 : memref<632x64xf32, #tpu.memory_space<hbm>>) dst(%dma_wait3A_87 : memref<632x64xf32, #tpu.memory_space<vmem_shared>>)
      tpu.yield
    }) : () -> ()
    %mul3A_1 = arith.constant 160 : i32
    %mul3A_2 = arith.muli %arg1, %mul3A_1 : i32
    %multiple_of3A_3 = tpu.assume_multiple %mul3A_2, 8 : i32
    "tpu.region"() ({
      %run_scoped3A = tpu.sem_alloc : memref<!tpu.dma_semaphore, #tpu.memory_space<semaphore_mem>>
      %dma_start3A_84 = arith.constant 0 : i32
      %dma_start3A_85 = tpu.memref_slice %arg5[%multiple_of3A_3, %dma_start3A_84] : memref<2560x128xi32, #tpu.memory_space<hbm>> -> memref<160x128xi32, #tpu.memory_space<hbm>>
      %dma_start3A_86 = arith.constant 0 : i32
      %dma_start3A_87 = tpu.memref_slice %arg5[%multiple_of3A_3, %dma_start3A_86] : memref<2560x128xi32, #tpu.memory_space<hbm>> -> memref<160x128xi32, #tpu.memory_space<hbm>>
      tpu.enqueue_dma source(%dma_start3A_87 : memref<160x128xi32, #tpu.memory_space<hbm>>) target(%arg9 : memref<160x128xi32, #tpu.memory_space<vmem>>) target_semaphore(%run_scoped3A : memref<!tpu.dma_semaphore, #tpu.memory_space<semaphore_mem>>)
      %dma_wait3A_88 = arith.constant 0 : i32
      %dma_wait3A_89 = tpu.memref_slice %arg5[%multiple_of3A_3, %dma_wait3A_88] : memref<2560x128xi32, #tpu.memory_space<hbm>> -> memref<160x128xi32, #tpu.memory_space<hbm>>
      %dma_wait3A_90 = arith.constant 0 : i32
      %dma_wait3A_91 = tpu.memref_slice %arg5[%multiple_of3A_3, %dma_wait3A_90] : memref<2560x128xi32, #tpu.memory_space<hbm>> -> memref<160x128xi32, #tpu.memory_space<hbm>>
      tpu.wait_dma2 semaphore(%run_scoped3A : memref<!tpu.dma_semaphore, #tpu.memory_space<semaphore_mem>>) src(%dma_wait3A_91 : memref<160x128xi32, #tpu.memory_space<hbm>>) dst(%arg9 : memref<160x128xi32, #tpu.memory_space<vmem>>)
      tpu.yield
    }) : () -> ()
    %mul3A_4 = arith.constant 10000 : i32
    %mul3A_5 = arith.muli %arg0, %mul3A_4 : i32
    %parallel_loop3A = arith.constant 0 : i32
    %parallel_loop3A_6 = arith.constant 160 : i32
    %parallel_loop3A_7 = arith.constant 1 : i32
    scf.for %parallel_loop3A_84 = %parallel_loop3A to %parallel_loop3A_6 step %parallel_loop3A_7  : i32 {
      %parallel_loop3A_85 = arith.index_cast %parallel_loop3A_84 : i32 to index
      %parallel_loop3A_86 = arith.constant 0 : index
      %parallel_loop3A_87 = tpu.vector_load %arg9[%parallel_loop3A_85, %parallel_loop3A_86] {strides = array<i32>} : memref<160x128xi32, #tpu.memory_space<vmem>>, vector<1x16xi32>,
      %parallel_loop3A_88 = vector.shape_cast %parallel_loop3A_87 : vector<1x16xi32> to vector<16xi32>
      %parallel_loop3A_89 = vector.broadcast %mul3A_5 : i32 to vector<16xi32>
      %parallel_loop3A_90 = arith.addi %parallel_loop3A_88, %parallel_loop3A_89 : vector<16xi32>
      %parallel_loop3A_91 = arith.index_cast %parallel_loop3A_84 : i32 to index
      %parallel_loop3A_92 = arith.constant 0 : index
      %parallel_loop3A_93 = tpu.vector_load %arg9[%parallel_loop3A_91, %parallel_loop3A_92] {strides = array<i32>} : memref<160x128xi32, #tpu.memory_space<vmem>>, vector<1x16xi32>,
      %parallel_loop3A_94 = vector.shape_cast %parallel_loop3A_93 : vector<1x16xi32> to vector<16xi32>
      %parallel_loop3A_95 = vector.shape_cast %parallel_loop3A_90 : vector<16xi32> to vector<1x16xi32>
      tpu.vector_store %arg9[%parallel_loop3A_91, %parallel_loop3A_92], %parallel_loop3A_95 {strides = array<i32>} : memref<160x128xi32, #tpu.memory_space<vmem>>, vector<1x16xi32>,
      %parallel_loop3A_96 = arith.index_cast %parallel_loop3A_84 : i32 to index
      %parallel_loop3A_97 = arith.constant 16 : index
      %parallel_loop3A_98 = tpu.vector_load %arg9[%parallel_loop3A_96, %parallel_loop3A_97] {strides = array<i32>} : memref<160x128xi32, #tpu.memory_space<vmem>>, vector<1x16xi32>,
      %parallel_loop3A_99 = vector.shape_cast %parallel_loop3A_98 : vector<1x16xi32> to vector<16xi32>
      %parallel_loop3A_100 = vector.broadcast %mul3A_5 : i32 to vector<16xi32>
      %parallel_loop3A_101 = arith.addi %parallel_loop3A_99, %parallel_loop3A_100 : vector<16xi32>
      %parallel_loop3A_102 = arith.index_cast %parallel_loop3A_84 : i32 to index
      %parallel_loop3A_103 = arith.constant 16 : index
      %parallel_loop3A_104 = tpu.vector_load %arg9[%parallel_loop3A_102, %parallel_loop3A_103] {strides = array<i32>} : memref<160x128xi32, #tpu.memory_space<vmem>>, vector<1x16xi32>,
      %parallel_loop3A_105 = vector.shape_cast %parallel_loop3A_104 : vector<1x16xi32> to vector<16xi32>
      %parallel_loop3A_106 = vector.shape_cast %parallel_loop3A_101 : vector<16xi32> to vector<1x16xi32>
      tpu.vector_store %arg9[%parallel_loop3A_102, %parallel_loop3A_103], %parallel_loop3A_106 {strides = array<i32>} : memref<160x128xi32, #tpu.memory_space<vmem>>, vector<1x16xi32>,
      %parallel_loop3A_107 = arith.index_cast %parallel_loop3A_84 : i32 to index
      %parallel_loop3A_108 = arith.constant 32 : index
      %parallel_loop3A_109 = tpu.vector_load %arg9[%parallel_loop3A_107, %parallel_loop3A_108] {strides = array<i32>} : memref<160x128xi32, #tpu.memory_space<vmem>>, vector<1x16xi32>,
      %parallel_loop3A_110 = vector.shape_cast %parallel_loop3A_109 : vector<1x16xi32> to vector<16xi32>
      %parallel_loop3A_111 = vector.broadcast %mul3A_5 : i32 to vector<16xi32>
      %parallel_loop3A_112 = arith.addi %parallel_loop3A_110, %parallel_loop3A_111 : vector<16xi32>
      %parallel_loop3A_113 = arith.index_cast %parallel_loop3A_84 : i32 to index
      %parallel_loop3A_114 = arith.constant 32 : index
      %parallel_loop3A_115 = tpu.vector_load %arg9[%parallel_loop3A_113, %parallel_loop3A_114] {strides = array<i32>} : memref<160x128xi32, #tpu.memory_space<vmem>>, vector<1x16xi32>,
      %parallel_loop3A_116 = vector.shape_cast %parallel_loop3A_115 : vector<1x16xi32> to vector<16xi32>
      %parallel_loop3A_117 = vector.shape_cast %parallel_loop3A_112 : vector<16xi32> to vector<1x16xi32>
      tpu.vector_store %arg9[%parallel_loop3A_113, %parallel_loop3A_114], %parallel_loop3A_117 {strides = array<i32>} : memref<160x128xi32, #tpu.memory_space<vmem>>, vector<1x16xi32>,
      %parallel_loop3A_118 = arith.index_cast %parallel_loop3A_84 : i32 to index
      %parallel_loop3A_119 = arith.constant 48 : index
      %parallel_loop3A_120 = tpu.vector_load %arg9[%parallel_loop3A_118, %parallel_loop3A_119] {strides = array<i32>} : memref<160x128xi32, #tpu.memory_space<vmem>>, vector<1x16xi32>,
      %parallel_loop3A_121 = vector.shape_cast %parallel_loop3A_120 : vector<1x16xi32> to vector<16xi32>
      %parallel_loop3A_122 = vector.broadcast %mul3A_5 : i32 to vector<16xi32>
      %parallel_loop3A_123 = arith.addi %parallel_loop3A_121, %parallel_loop3A_122 : vector<16xi32>
      %parallel_loop3A_124 = arith.index_cast %parallel_loop3A_84 : i32 to index
      %parallel_loop3A_125 = arith.constant 48 : index
      %parallel_loop3A_126 = tpu.vector_load %arg9[%parallel_loop3A_124, %parallel_loop3A_125] {strides = array<i32>} : memref<160x128xi32, #tpu.memory_space<vmem>>, vector<1x16xi32>,
      %parallel_loop3A_127 = vector.shape_cast %parallel_loop3A_126 : vector<1x16xi32> to vector<16xi32>
      %parallel_loop3A_128 = vector.shape_cast %parallel_loop3A_123 : vector<16xi32> to vector<1x16xi32>
      tpu.vector_store %arg9[%parallel_loop3A_124, %parallel_loop3A_125], %parallel_loop3A_128 {strides = array<i32>} : memref<160x128xi32, #tpu.memory_space<vmem>>, vector<1x16xi32>,
      %parallel_loop3A_129 = arith.index_cast %parallel_loop3A_84 : i32 to index
      %parallel_loop3A_130 = arith.constant 64 : index
      %parallel_loop3A_131 = tpu.vector_load %arg9[%parallel_loop3A_129, %parallel_loop3A_130] {strides = array<i32>} : memref<160x128xi32, #tpu.memory_space<vmem>>, vector<1x16xi32>,
      %parallel_loop3A_132 = vector.shape_cast %parallel_loop3A_131 : vector<1x16xi32> to vector<16xi32>
      %parallel_loop3A_133 = vector.broadcast %mul3A_5 : i32 to vector<16xi32>
      %parallel_loop3A_134 = arith.addi %parallel_loop3A_132, %parallel_loop3A_133 : vector<16xi32>
      %parallel_loop3A_135 = arith.index_cast %parallel_loop3A_84 : i32 to index
      %parallel_loop3A_136 = arith.constant 64 : index
      %parallel_loop3A_137 = tpu.vector_load %arg9[%parallel_loop3A_135, %parallel_loop3A_136] {strides = array<i32>} : memref<160x128xi32, #tpu.memory_space<vmem>>, vector<1x16xi32>,
      %parallel_loop3A_138 = vector.shape_cast %parallel_loop3A_137 : vector<1x16xi32> to vector<16xi32>
      %parallel_loop3A_139 = vector.shape_cast %parallel_loop3A_134 : vector<16xi32> to vector<1x16xi32>
      tpu.vector_store %arg9[%parallel_loop3A_135, %parallel_loop3A_136], %parallel_loop3A_139 {strides = array<i32>} : memref<160x128xi32, #tpu.memory_space<vmem>>, vector<1x16xi32>,
      %parallel_loop3A_140 = arith.index_cast %parallel_loop3A_84 : i32 to index
      %parallel_loop3A_141 = arith.constant 80 : index
      %parallel_loop3A_142 = tpu.vector_load %arg9[%parallel_loop3A_140, %parallel_loop3A_141] {strides = array<i32>} : memref<160x128xi32, #tpu.memory_space<vmem>>, vector<1x16xi32>,
      %parallel_loop3A_143 = vector.shape_cast %parallel_loop3A_142 : vector<1x16xi32> to vector<16xi32>
      %parallel_loop3A_144 = vector.broadcast %mul3A_5 : i32 to vector<16xi32>
      %parallel_loop3A_145 = arith.addi %parallel_loop3A_143, %parallel_loop3A_144 : vector<16xi32>
      %parallel_loop3A_146 = arith.index_cast %parallel_loop3A_84 : i32 to index
      %parallel_loop3A_147 = arith.constant 80 : index
      %parallel_loop3A_148 = tpu.vector_load %arg9[%parallel_loop3A_146, %parallel_loop3A_147] {strides = array<i32>} : memref<160x128xi32, #tpu.memory_space<vmem>>, vector<1x16xi32>,
      %parallel_loop3A_149 = vector.shape_cast %parallel_loop3A_148 : vector<1x16xi32> to vector<16xi32>
      %parallel_loop3A_150 = vector.shape_cast %parallel_loop3A_145 : vector<16xi32> to vector<1x16xi32>
      tpu.vector_store %arg9[%parallel_loop3A_146, %parallel_loop3A_147], %parallel_loop3A_150 {strides = array<i32>} : memref<160x128xi32, #tpu.memory_space<vmem>>, vector<1x16xi32>,
      %parallel_loop3A_151 = arith.index_cast %parallel_loop3A_84 : i32 to index
      %parallel_loop3A_152 = arith.constant 96 : index
      %parallel_loop3A_153 = tpu.vector_load %arg9[%parallel_loop3A_151, %parallel_loop3A_152] {strides = array<i32>} : memref<160x128xi32, #tpu.memory_space<vmem>>, vector<1x16xi32>,
      %parallel_loop3A_154 = vector.shape_cast %parallel_loop3A_153 : vector<1x16xi32> to vector<16xi32>
      %parallel_loop3A_155 = vector.broadcast %mul3A_5 : i32 to vector<16xi32>
      %parallel_loop3A_156 = arith.addi %parallel_loop3A_154, %parallel_loop3A_155 : vector<16xi32>
      %parallel_loop3A_157 = arith.index_cast %parallel_loop3A_84 : i32 to index
      %parallel_loop3A_158 = arith.constant 96 : index
      %parallel_loop3A_159 = tpu.vector_load %arg9[%parallel_loop3A_157, %parallel_loop3A_158] {strides = array<i32>} : memref<160x128xi32, #tpu.memory_space<vmem>>, vector<1x16xi32>,
      %parallel_loop3A_160 = vector.shape_cast %parallel_loop3A_159 : vector<1x16xi32> to vector<16xi32>
      %parallel_loop3A_161 = vector.shape_cast %parallel_loop3A_156 : vector<16xi32> to vector<1x16xi32>
      tpu.vector_store %arg9[%parallel_loop3A_157, %parallel_loop3A_158], %parallel_loop3A_161 {strides = array<i32>} : memref<160x128xi32, #tpu.memory_space<vmem>>, vector<1x16xi32>,
      %parallel_loop3A_162 = arith.index_cast %parallel_loop3A_84 : i32 to index
      %parallel_loop3A_163 = arith.constant 112 : index
      %parallel_loop3A_164 = tpu.vector_load %arg9[%parallel_loop3A_162, %parallel_loop3A_163] {strides = array<i32>} : memref<160x128xi32, #tpu.memory_space<vmem>>, vector<1x16xi32>,
      %parallel_loop3A_165 = vector.shape_cast %parallel_loop3A_164 : vector<1x16xi32> to vector<16xi32>
      %parallel_loop3A_166 = vector.broadcast %mul3A_5 : i32 to vector<16xi32>
      %parallel_loop3A_167 = arith.addi %parallel_loop3A_165, %parallel_loop3A_166 : vector<16xi32>
      %parallel_loop3A_168 = arith.index_cast %parallel_loop3A_84 : i32 to index
      %parallel_loop3A_169 = arith.constant 112 : index
      %parallel_loop3A_170 = tpu.vector_load %arg9[%parallel_loop3A_168, %parallel_loop3A_169] {strides = array<i32>} : memref<160x128xi32, #tpu.memory_space<vmem>>, vector<1x16xi32>,
      %parallel_loop3A_171 = vector.shape_cast %parallel_loop3A_170 : vector<1x16xi32> to vector<16xi32>
      %parallel_loop3A_172 = vector.shape_cast %parallel_loop3A_167 : vector<16xi32> to vector<1x16xi32>
      tpu.vector_store %arg9[%parallel_loop3A_168, %parallel_loop3A_169], %parallel_loop3A_172 {strides = array<i32>} : memref<160x128xi32, #tpu.memory_space<vmem>>, vector<1x16xi32>,
    } {sc.loop_unroll_factor = 4 : i64, sc.parallel_access}
    %barrier3A = arith.constant 0 : index
    tpu.barrier barrier_id(%barrier3A)
    %mul3A_8 = arith.constant 160 : i32
    %mul3A_9 = arith.muli %arg1, %mul3A_8 : i32
    %mul3A_10 = arith.constant 128 : i32
    %mul3A_11 = arith.muli %mul3A_9, %mul3A_10 : i32
    %multiple_of3A_12 = tpu.assume_multiple %mul3A_11, 8 : i32
    %add3A = arith.constant 0 : i32
    %add3A_13 = arith.addi %multiple_of3A_12, %add3A : i32
    %multiple_of3A_14 = tpu.assume_multiple %add3A_13, 8 : i32
    %add3A_15 = arith.constant 0 : i32
    %add3A_16 = arith.addi %multiple_of3A_12, %add3A_15 : i32
    %jit3A = arith.constant 2 : i32
    %div3A = arith.divsi %add3A_16, %jit3A : i32
    %sign3A = arith.constant 0 : i32
    %sign3A_17 = arith.cmpi sgt, %add3A_16, %sign3A : i32
    %sign3A_18 = arith.extui %sign3A_17 : i1 to i32
    %sign3A_19 = arith.constant 0 : i32
    %sign3A_20 = arith.cmpi slt, %add3A_16, %sign3A_19 : i32
    %sign3A_21 = arith.extui %sign3A_20 : i1 to i32
    %sign3A_22 = arith.subi %sign3A_18, %sign3A_21 : i32
    %sign3A_23 = arith.constant 0 : i32
    %sign3A_24 = arith.cmpi sgt, %jit3A, %sign3A_23 : i32
    %sign3A_25 = arith.extui %sign3A_24 : i1 to i32
    %sign3A_26 = arith.constant 0 : i32
    %sign3A_27 = arith.cmpi slt, %jit3A, %sign3A_26 : i32
    %sign3A_28 = arith.extui %sign3A_27 : i1 to i32
    %sign3A_29 = arith.subi %sign3A_25, %sign3A_28 : i32
    %ne3A = arith.cmpi ne, %sign3A_22, %sign3A_29 : i32
    %rem3A = arith.remsi %add3A_16, %jit3A : i32
    %ne3A_30 = arith.constant 0 : i32
    %ne3A_31 = arith.cmpi ne, %rem3A, %ne3A_30 : i32
    %and3A = arith.andi %ne3A, %ne3A_31 : i1
    %sub3A = arith.constant 1 : i32
    %sub3A_32 = arith.subi %div3A, %sub3A : i32
    %select_n3A = arith.select %and3A, %sub3A_32, %div3A : i32
    %multiple_of3A_33 = tpu.assume_multiple %select_n3A, 8 : i32
    %dma_start3A = arith.constant 0 : i32
    %dma_start3A_34 = arith.constant 0 : i32
    %dma_start3A_35 = arith.constant 0 : i32
    %dma_start3A_36 = arith.constant 0 : i32
    %dma_start3A_37 = tpu.memref_slice %arg11[%dma_start3A_34, %dma_start3A_35, %dma_start3A_36] : memref<2x128x64xf32, #tpu.memory_space<vmem>> -> memref<1x128x64xf32, #tpu.memory_space<vmem>>
    %dma_start3A_38 = tpu.memref_squeeze %dma_start3A_37 : memref<1x128x64xf32, #tpu.memory_space<vmem>> -> memref<128x64xf32, #tpu.memory_space<vmem>>
    %dma_start3A_39 = arith.constant 0 : i32
    %dma_start3A_40 = tpu.memref_slice %arg9[%dma_start3A, %dma_start3A_39] : memref<160x128xi32, #tpu.memory_space<vmem>> -> memref<1x128xi32, #tpu.memory_space<vmem>>
    %dma_start3A_41 = tpu.memref_squeeze %dma_start3A_40 : memref<1x128xi32, #tpu.memory_space<vmem>> -> memref<128xi32, #tpu.memory_space<vmem>>
    %dma_start3A_42 = arith.constant 0 : i32
    %dma_start3A_43 = arith.constant 0 : i32
    %dma_start3A_44 = tpu.memref_slice %arg2[%dma_start3A_42, %dma_start3A_43] : memref<20000x64xf32, #tpu.memory_space<hbm>> -> memref<20000x64xf32, #tpu.memory_space<hbm>>
    tpu.enqueue_indirect_dma source(%dma_start3A_44 : memref<20000x64xf32, #tpu.memory_space<hbm>>) target(%dma_start3A_38 : memref<128x64xf32, #tpu.memory_space<vmem>>) offsets(%dma_start3A_41 : memref<128xi32, #tpu.memory_space<vmem>>) semaphore(%arg15 : memref<!tpu.dma_semaphore, #tpu.memory_space<semaphore_mem>>)
    %eq3A = arith.constant 0 : i32
    %eq3A_45 = arith.cmpi eq, %arg0, %eq3A : i32
    %convert_element_type3A = arith.extui %eq3A_45 : i1 to i32
    %cond3A = arith.constant 0 : i32
    %cond3A_46 = arith.cmpi ne, %convert_element_type3A, %cond3A : i32
    scf.if %cond3A_46 {
      %dma_start3A_84 = arith.constant 0 : i32
      %dma_start3A_85 = arith.constant 0 : i32
      %dma_start3A_86 = arith.constant 0 : i32
      %dma_start3A_87 = tpu.memref_slice %arg12[%dma_start3A_84, %dma_start3A_85, %dma_start3A_86] : memref<2x64x128xf32, #tpu.memory_space<vmem>> -> memref<1x64x128xf32, #tpu.memory_space<vmem>>
      %dma_start3A_88 = tpu.memref_squeeze %dma_start3A_87 : memref<1x64x128xf32, #tpu.memory_space<vmem>> -> memref<64x128xf32, #tpu.memory_space<vmem>>
      %dma_start3A_89 = arith.constant 0 : i32
      %dma_start3A_90 = tpu.memref_slice %arg3[%multiple_of3A_33, %dma_start3A_89] : memref<163840x128xf32, #tpu.memory_space<hbm>> -> memref<64x128xf32, #tpu.memory_space<hbm>>
      %dma_start3A_91 = arith.constant 0 : i32
      %dma_start3A_92 = arith.constant 0 : i32
      %dma_start3A_93 = tpu.memref_slice %arg12[%dma_start3A_84, %dma_start3A_91, %dma_start3A_92] : memref<2x64x128xf32, #tpu.memory_space<vmem>> -> memref<1x64x128xf32, #tpu.memory_space<vmem>>
      %dma_start3A_94 = tpu.memref_squeeze %dma_start3A_93 : memref<1x64x128xf32, #tpu.memory_space<vmem>> -> memref<64x128xf32, #tpu.memory_space<vmem>>
      %dma_start3A_95 = arith.constant 0 : i32
      %dma_start3A_96 = tpu.memref_slice %arg3[%multiple_of3A_33, %dma_start3A_95] : memref<163840x128xf32, #tpu.memory_space<hbm>> -> memref<64x128xf32, #tpu.memory_space<hbm>>
      tpu.enqueue_dma source(%dma_start3A_96 : memref<64x128xf32, #tpu.memory_space<hbm>>) target(%dma_start3A_94 : memref<64x128xf32, #tpu.memory_space<vmem>>) target_semaphore(%arg15 : memref<!tpu.dma_semaphore, #tpu.memory_space<semaphore_mem>>)
    } else {
    }
    %eq3A_47 = arith.constant 1 : i32
    %eq3A_48 = arith.cmpi eq, %arg0, %eq3A_47 : i32
    %convert_element_type3A_49 = arith.extui %eq3A_48 : i1 to i32
    %cond3A_50 = arith.constant 0 : i32
    %cond3A_51 = arith.cmpi ne, %convert_element_type3A_49, %cond3A_50 : i32
    scf.if %cond3A_51 {
      %dma_start3A_84 = arith.constant 0 : i32
      %dma_start3A_85 = arith.constant 0 : i32
      %dma_start3A_86 = arith.constant 0 : i32
      %dma_start3A_87 = tpu.memref_slice %arg12[%dma_start3A_84, %dma_start3A_85, %dma_start3A_86] : memref<2x64x128xf32, #tpu.memory_space<vmem>> -> memref<1x64x128xf32, #tpu.memory_space<vmem>>
      %dma_start3A_88 = tpu.memref_squeeze %dma_start3A_87 : memref<1x64x128xf32, #tpu.memory_space<vmem>> -> memref<64x128xf32, #tpu.memory_space<vmem>>
      %dma_start3A_89 = arith.constant 0 : i32
      %dma_start3A_90 = tpu.memref_slice %arg4[%multiple_of3A_33, %dma_start3A_89] : memref<163840x128xf32, #tpu.memory_space<hbm>> -> memref<64x128xf32, #tpu.memory_space<hbm>>
      %dma_start3A_91 = arith.constant 0 : i32
      %dma_start3A_92 = arith.constant 0 : i32
      %dma_start3A_93 = tpu.memref_slice %arg12[%dma_start3A_84, %dma_start3A_91, %dma_start3A_92] : memref<2x64x128xf32, #tpu.memory_space<vmem>> -> memref<1x64x128xf32, #tpu.memory_space<vmem>>
      %dma_start3A_94 = tpu.memref_squeeze %dma_start3A_93 : memref<1x64x128xf32, #tpu.memory_space<vmem>> -> memref<64x128xf32, #tpu.memory_space<vmem>>
      %dma_start3A_95 = arith.constant 0 : i32
      %dma_start3A_96 = tpu.memref_slice %arg4[%multiple_of3A_33, %dma_start3A_95] : memref<163840x128xf32, #tpu.memory_space<hbm>> -> memref<64x128xf32, #tpu.memory_space<hbm>>
      tpu.enqueue_dma source(%dma_start3A_96 : memref<64x128xf32, #tpu.memory_space<hbm>>) target(%dma_start3A_94 : memref<64x128xf32, #tpu.memory_space<vmem>>) target_semaphore(%arg15 : memref<!tpu.dma_semaphore, #tpu.memory_space<semaphore_mem>>)
    } else {
    }
    %dma_start3A_52 = arith.constant 0 : i32
    %dma_start3A_53 = arith.constant 0 : i32
    %dma_start3A_54 = tpu.memref_slice %arg10[%dma_start3A_52, %dma_start3A_53] : memref<2x128xi32, #tpu.memory_space<vmem>> -> memref<1x128xi32, #tpu.memory_space<vmem>>
    %dma_start3A_55 = tpu.memref_squeeze %dma_start3A_54 : memref<1x128xi32, #tpu.memory_space<vmem>> -> memref<128xi32, #tpu.memory_space<vmem>>
    %dma_start3A_56 = tpu.memref_slice %arg6[%multiple_of3A_14] : memref<327680xi32, #tpu.memory_space<hbm>> -> memref<128xi32, #tpu.memory_space<hbm>>
    %dma_start3A_57 = arith.constant 0 : i32
    %dma_start3A_58 = tpu.memref_slice %arg10[%dma_start3A_52, %dma_start3A_57] : memref<2x128xi32, #tpu.memory_space<vmem>> -> memref<1x128xi32, #tpu.memory_space<vmem>>
    %dma_start3A_59 = tpu.memref_squeeze %dma_start3A_58 : memref<1x128xi32, #tpu.memory_space<vmem>> -> memref<128xi32, #tpu.memory_space<vmem>>
    %dma_start3A_60 = tpu.memref_slice %arg6[%multiple_of3A_14] : memref<327680xi32, #tpu.memory_space<hbm>> -> memref<128xi32, #tpu.memory_space<hbm>>
    tpu.enqueue_dma source(%dma_start3A_60 : memref<128xi32, #tpu.memory_space<hbm>>) target(%dma_start3A_59 : memref<128xi32, #tpu.memory_space<vmem>>) target_semaphore(%arg15 : memref<!tpu.dma_semaphore, #tpu.memory_space<semaphore_mem>>)
    %scan3A = arith.constant 0 : i32
    %scan3A_61 = arith.constant 0 : i32
    %scan3A_62 = arith.constant 80 : i32
    %scan3A_63 = arith.addi %scan3A_61, %scan3A_62 : i32
    %scan3A_64 = arith.constant 1 : i32
    scf.for %scan3A_84 = %scan3A_61 to %scan3A_63 step %scan3A_64  : i32 {
      %mul3A_85 = arith.constant 2 : i32
      %mul3A_86 = arith.muli %mul3A_85, %scan3A_84 : i32
      %mul3A_87 = arith.constant 2 : i32
      %mul3A_88 = arith.muli %mul3A_87, %scan3A_84 : i32
      %add3A_89 = arith.constant 1 : i32
      %add3A_90 = arith.addi %mul3A_88, %add3A_89 : i32
      %gt3A = arith.constant 0 : i32
      %gt3A_91 = arith.cmpi sgt, %scan3A_84, %gt3A : i32
      %convert_element_type3A_92 = arith.extui %gt3A_91 : i1 to i32
      %cond3A_93 = arith.constant 0 : i32
      %cond3A_94 = arith.cmpi ne, %convert_element_type3A_92, %cond3A_93 : i32
      scf.if %cond3A_94 {
        %dma_wait3A_287 = arith.constant 1 : i32
        %dma_wait3A_288 = arith.constant 1 : i32
        %dma_wait3A_289 = arith.constant 0 : i32
        %dma_wait3A_290 = arith.constant 0 : i32
        %dma_wait3A_291 = tpu.memref_slice %arg13[%dma_wait3A_287, %dma_wait3A_289, %dma_wait3A_290] : memref<2x128x64xf32, #tpu.memory_space<vmem>> -> memref<1x128x64xf32, #tpu.memory_space<vmem>>
        %dma_wait3A_292 = tpu.memref_squeeze %dma_wait3A_291 : memref<1x128x64xf32, #tpu.memory_space<vmem>> -> memref<128x64xf32, #tpu.memory_space<vmem>>
        %dma_wait3A_293 = arith.constant 0 : i32
        %dma_wait3A_294 = tpu.memref_slice %arg10[%dma_wait3A_288, %dma_wait3A_293] : memref<2x128xi32, #tpu.memory_space<vmem>> -> memref<1x128xi32, #tpu.memory_space<vmem>>
        %dma_wait3A_295 = tpu.memref_squeeze %dma_wait3A_294 : memref<1x128xi32, #tpu.memory_space<vmem>> -> memref<128xi32, #tpu.memory_space<vmem>>
        %dma_wait3A_296 = arith.constant 0 : i32
        %dma_wait3A_297 = arith.constant 0 : i32
        %dma_wait3A_298 = tpu.memref_slice %arg14[%dma_wait3A_296, %dma_wait3A_297] : memref<10112x64xf32, #tpu.memory_space<vmem_shared>> -> memref<10112x64xf32, #tpu.memory_space<vmem_shared>>
        tpu.wait_indirect_dma semaphore(%arg18 : memref<!tpu.dma_semaphore, #tpu.memory_space<semaphore_mem>>) src(%dma_wait3A_292 : memref<128x64xf32, #tpu.memory_space<vmem>>) dst(%dma_wait3A_298 : memref<10112x64xf32, #tpu.memory_space<vmem_shared>>)
      } else {
      }
      %mul3A_95 = arith.constant 128 : i32
      %mul3A_96 = arith.muli %add3A_90, %mul3A_95 : i32
      %add3A_97 = arith.addi %multiple_of3A_12, %mul3A_96 : i32
      %multiple_of3A_98 = tpu.assume_multiple %add3A_97, 8 : i32
      %mul3A_99 = arith.constant 128 : i32
      %mul3A_100 = arith.muli %add3A_90, %mul3A_99 : i32
      %add3A_101 = arith.addi %multiple_of3A_12, %mul3A_100 : i32
      %jit3A_102 = arith.constant 2 : i32
      %div3A_103 = arith.divsi %add3A_101, %jit3A_102 : i32
      %sign3A_104 = arith.constant 0 : i32
      %sign3A_105 = arith.cmpi sgt, %add3A_101, %sign3A_104 : i32
      %sign3A_106 = arith.extui %sign3A_105 : i1 to i32
      %sign3A_107 = arith.constant 0 : i32
      %sign3A_108 = arith.cmpi slt, %add3A_101, %sign3A_107 : i32
      %sign3A_109 = arith.extui %sign3A_108 : i1 to i32
      %sign3A_110 = arith.subi %sign3A_106, %sign3A_109 : i32
      %sign3A_111 = arith.constant 0 : i32
      %sign3A_112 = arith.cmpi sgt, %jit3A_102, %sign3A_111 : i32
      %sign3A_113 = arith.extui %sign3A_112 : i1 to i32
      %sign3A_114 = arith.constant 0 : i32
      %sign3A_115 = arith.cmpi slt, %jit3A_102, %sign3A_114 : i32
      %sign3A_116 = arith.extui %sign3A_115 : i1 to i32
      %sign3A_117 = arith.subi %sign3A_113, %sign3A_116 : i32
      %ne3A_118 = arith.cmpi ne, %sign3A_110, %sign3A_117 : i32
      %rem3A_119 = arith.remsi %add3A_101, %jit3A_102 : i32
      %ne3A_120 = arith.constant 0 : i32
      %ne3A_121 = arith.cmpi ne, %rem3A_119, %ne3A_120 : i32
      %and3A_122 = arith.andi %ne3A_118, %ne3A_121 : i1
      %sub3A_123 = arith.constant 1 : i32
      %sub3A_124 = arith.subi %div3A_103, %sub3A_123 : i32
      %select_n3A_125 = arith.select %and3A_122, %sub3A_124, %div3A_103 : i32
      %multiple_of3A_126 = tpu.assume_multiple %select_n3A_125, 8 : i32
      %dma_start3A_127 = arith.constant 1 : i32
      %dma_start3A_128 = arith.constant 0 : i32
      %dma_start3A_129 = arith.constant 0 : i32
      %dma_start3A_130 = tpu.memref_slice %arg11[%dma_start3A_127, %dma_start3A_128, %dma_start3A_129] : memref<2x128x64xf32, #tpu.memory_space<vmem>> -> memref<1x128x64xf32, #tpu.memory_space<vmem>>
      %dma_start3A_131 = tpu.memref_squeeze %dma_start3A_130 : memref<1x128x64xf32, #tpu.memory_space<vmem>> -> memref<128x64xf32, #tpu.memory_space<vmem>>
      %dma_start3A_132 = arith.constant 0 : i32
      %dma_start3A_133 = tpu.memref_slice %arg9[%add3A_90, %dma_start3A_132] : memref<160x128xi32, #tpu.memory_space<vmem>> -> memref<1x128xi32, #tpu.memory_space<vmem>>
      %dma_start3A_134 = tpu.memref_squeeze %dma_start3A_133 : memref<1x128xi32, #tpu.memory_space<vmem>> -> memref<128xi32, #tpu.memory_space<vmem>>
      %dma_start3A_135 = arith.constant 0 : i32
      %dma_start3A_136 = arith.constant 0 : i32
      %dma_start3A_137 = tpu.memref_slice %arg2[%dma_start3A_135, %dma_start3A_136] : memref<20000x64xf32, #tpu.memory_space<hbm>> -> memref<20000x64xf32, #tpu.memory_space<hbm>>
      tpu.enqueue_indirect_dma source(%dma_start3A_137 : memref<20000x64xf32, #tpu.memory_space<hbm>>) target(%dma_start3A_131 : memref<128x64xf32, #tpu.memory_space<vmem>>) offsets(%dma_start3A_134 : memref<128xi32, #tpu.memory_space<vmem>>) semaphore(%arg16 : memref<!tpu.dma_semaphore, #tpu.memory_space<semaphore_mem>>)
      %eq3A_138 = arith.constant 0 : i32
      %eq3A_139 = arith.cmpi eq, %arg0, %eq3A_138 : i32
      %convert_element_type3A_140 = arith.extui %eq3A_139 : i1 to i32
      %cond3A_141 = arith.constant 0 : i32
      %cond3A_142 = arith.cmpi ne, %convert_element_type3A_140, %cond3A_141 : i32
      scf.if %cond3A_142 {
        %dma_start3A_287 = arith.constant 1 : i32
        %dma_start3A_288 = arith.constant 0 : i32
        %dma_start3A_289 = arith.constant 0 : i32
        %dma_start3A_290 = tpu.memref_slice %arg12[%dma_start3A_287, %dma_start3A_288, %dma_start3A_289] : memref<2x64x128xf32, #tpu.memory_space<vmem>> -> memref<1x64x128xf32, #tpu.memory_space<vmem>>
        %dma_start3A_291 = tpu.memref_squeeze %dma_start3A_290 : memref<1x64x128xf32, #tpu.memory_space<vmem>> -> memref<64x128xf32, #tpu.memory_space<vmem>>
        %dma_start3A_292 = arith.constant 0 : i32
        %dma_start3A_293 = tpu.memref_slice %arg3[%multiple_of3A_126, %dma_start3A_292] : memref<163840x128xf32, #tpu.memory_space<hbm>> -> memref<64x128xf32, #tpu.memory_space<hbm>>
        %dma_start3A_294 = arith.constant 0 : i32
        %dma_start3A_295 = arith.constant 0 : i32
        %dma_start3A_296 = tpu.memref_slice %arg12[%dma_start3A_287, %dma_start3A_294, %dma_start3A_295] : memref<2x64x128xf32, #tpu.memory_space<vmem>> -> memref<1x64x128xf32, #tpu.memory_space<vmem>>
        %dma_start3A_297 = tpu.memref_squeeze %dma_start3A_296 : memref<1x64x128xf32, #tpu.memory_space<vmem>> -> memref<64x128xf32, #tpu.memory_space<vmem>>
        %dma_start3A_298 = arith.constant 0 : i32
        %dma_start3A_299 = tpu.memref_slice %arg3[%multiple_of3A_126, %dma_start3A_298] : memref<163840x128xf32, #tpu.memory_space<hbm>> -> memref<64x128xf32, #tpu.memory_space<hbm>>
        tpu.enqueue_dma source(%dma_start3A_299 : memref<64x128xf32, #tpu.memory_space<hbm>>) target(%dma_start3A_297 : memref<64x128xf32, #tpu.memory_space<vmem>>) target_semaphore(%arg16 : memref<!tpu.dma_semaphore, #tpu.memory_space<semaphore_mem>>)
      } else {
      }
      %eq3A_143 = arith.constant 1 : i32
      %eq3A_144 = arith.cmpi eq, %arg0, %eq3A_143 : i32
      %convert_element_type3A_145 = arith.extui %eq3A_144 : i1 to i32
      %cond3A_146 = arith.constant 0 : i32
      %cond3A_147 = arith.cmpi ne, %convert_element_type3A_145, %cond3A_146 : i32
      scf.if %cond3A_147 {
        %dma_start3A_287 = arith.constant 1 : i32
        %dma_start3A_288 = arith.constant 0 : i32
        %dma_start3A_289 = arith.constant 0 : i32
        %dma_start3A_290 = tpu.memref_slice %arg12[%dma_start3A_287, %dma_start3A_288, %dma_start3A_289] : memref<2x64x128xf32, #tpu.memory_space<vmem>> -> memref<1x64x128xf32, #tpu.memory_space<vmem>>
        %dma_start3A_291 = tpu.memref_squeeze %dma_start3A_290 : memref<1x64x128xf32, #tpu.memory_space<vmem>> -> memref<64x128xf32, #tpu.memory_space<vmem>>
        %dma_start3A_292 = arith.constant 0 : i32
        %dma_start3A_293 = tpu.memref_slice %arg4[%multiple_of3A_126, %dma_start3A_292] : memref<163840x128xf32, #tpu.memory_space<hbm>> -> memref<64x128xf32, #tpu.memory_space<hbm>>
        %dma_start3A_294 = arith.constant 0 : i32
        %dma_start3A_295 = arith.constant 0 : i32
        %dma_start3A_296 = tpu.memref_slice %arg12[%dma_start3A_287, %dma_start3A_294, %dma_start3A_295] : memref<2x64x128xf32, #tpu.memory_space<vmem>> -> memref<1x64x128xf32, #tpu.memory_space<vmem>>
        %dma_start3A_297 = tpu.memref_squeeze %dma_start3A_296 : memref<1x64x128xf32, #tpu.memory_space<vmem>> -> memref<64x128xf32, #tpu.memory_space<vmem>>
        %dma_start3A_298 = arith.constant 0 : i32
        %dma_start3A_299 = tpu.memref_slice %arg4[%multiple_of3A_126, %dma_start3A_298] : memref<163840x128xf32, #tpu.memory_space<hbm>> -> memref<64x128xf32, #tpu.memory_space<hbm>>
        tpu.enqueue_dma source(%dma_start3A_299 : memref<64x128xf32, #tpu.memory_space<hbm>>) target(%dma_start3A_297 : memref<64x128xf32, #tpu.memory_space<vmem>>) target_semaphore(%arg16 : memref<!tpu.dma_semaphore, #tpu.memory_space<semaphore_mem>>)
      } else {
      }
      %dma_start3A_148 = arith.constant 1 : i32
      %dma_start3A_149 = arith.constant 0 : i32
      %dma_start3A_150 = tpu.memref_slice %arg10[%dma_start3A_148, %dma_start3A_149] : memref<2x128xi32, #tpu.memory_space<vmem>> -> memref<1x128xi32, #tpu.memory_space<vmem>>
      %dma_start3A_151 = tpu.memref_squeeze %dma_start3A_150 : memref<1x128xi32, #tpu.memory_space<vmem>> -> memref<128xi32, #tpu.memory_space<vmem>>
      %dma_start3A_152 = tpu.memref_slice %arg6[%multiple_of3A_98] : memref<327680xi32, #tpu.memory_space<hbm>> -> memref<128xi32, #tpu.memory_space<hbm>>
      %dma_start3A_153 = arith.constant 0 : i32
      %dma_start3A_154 = tpu.memref_slice %arg10[%dma_start3A_148, %dma_start3A_153] : memref<2x128xi32, #tpu.memory_space<vmem>> -> memref<1x128xi32, #tpu.memory_space<vmem>>
      %dma_start3A_155 = tpu.memref_squeeze %dma_start3A_154 : memref<1x128xi32, #tpu.memory_space<vmem>> -> memref<128xi32, #tpu.memory_space<vmem>>
      %dma_start3A_156 = tpu.memref_slice %arg6[%multiple_of3A_98] : memref<327680xi32, #tpu.memory_space<hbm>> -> memref<128xi32, #tpu.memory_space<hbm>>
      tpu.enqueue_dma source(%dma_start3A_156 : memref<128xi32, #tpu.memory_space<hbm>>) target(%dma_start3A_155 : memref<128xi32, #tpu.memory_space<vmem>>) target_semaphore(%arg16 : memref<!tpu.dma_semaphore, #tpu.memory_space<semaphore_mem>>)
      %dma_wait3A_157 = arith.constant 0 : i32
      %dma_wait3A_158 = arith.constant 0 : i32
      %dma_wait3A_159 = arith.constant 0 : i32
      %dma_wait3A_160 = tpu.memref_slice %arg12[%dma_wait3A_157, %dma_wait3A_158, %dma_wait3A_159] : memref<2x64x128xf32, #tpu.memory_space<vmem>> -> memref<1x64x128xf32, #tpu.memory_space<vmem>>
      %dma_wait3A_161 = tpu.memref_squeeze %dma_wait3A_160 : memref<1x64x128xf32, #tpu.memory_space<vmem>> -> memref<64x128xf32, #tpu.memory_space<vmem>>
      %dma_wait3A_162 = arith.constant 0 : i32
      %dma_wait3A_163 = arith.constant 0 : i32
      %dma_wait3A_164 = tpu.memref_slice %arg3[%dma_wait3A_162, %dma_wait3A_163] : memref<163840x128xf32, #tpu.memory_space<hbm>> -> memref<64x128xf32, #tpu.memory_space<hbm>>
      %dma_wait3A_165 = arith.constant 0 : i32
      %dma_wait3A_166 = arith.constant 0 : i32
      %dma_wait3A_167 = tpu.memref_slice %arg12[%dma_wait3A_157, %dma_wait3A_165, %dma_wait3A_166] : memref<2x64x128xf32, #tpu.memory_space<vmem>> -> memref<1x64x128xf32, #tpu.memory_space<vmem>>
      %dma_wait3A_168 = tpu.memref_squeeze %dma_wait3A_167 : memref<1x64x128xf32, #tpu.memory_space<vmem>> -> memref<64x128xf32, #tpu.memory_space<vmem>>
      %dma_wait3A_169 = arith.constant 0 : i32
      %dma_wait3A_170 = arith.constant 0 : i32
      %dma_wait3A_171 = tpu.memref_slice %arg3[%dma_wait3A_169, %dma_wait3A_170] : memref<163840x128xf32, #tpu.memory_space<hbm>> -> memref<64x128xf32, #tpu.memory_space<hbm>>
      tpu.wait_dma2 semaphore(%arg15 : memref<!tpu.dma_semaphore, #tpu.memory_space<semaphore_mem>>) src(%dma_wait3A_171 : memref<64x128xf32, #tpu.memory_space<hbm>>) dst(%dma_wait3A_168 : memref<64x128xf32, #tpu.memory_space<vmem>>)
      %dma_wait3A_172 = arith.constant 0 : i32
      %dma_wait3A_173 = arith.constant 0 : i32
      %dma_wait3A_174 = tpu.memref_slice %arg10[%dma_wait3A_172, %dma_wait3A_173] : memref<2x128xi32, #tpu.memory_space<vmem>> -> memref<1x128xi32, #tpu.memory_space<vmem>>
      %dma_wait3A_175 = tpu.memref_squeeze %dma_wait3A_174 : memref<1x128xi32, #tpu.memory_space<vmem>> -> memref<128xi32, #tpu.memory_space<vmem>>
      %dma_wait3A_176 = arith.constant 0 : i32
      %dma_wait3A_177 = tpu.memref_slice %arg6[%dma_wait3A_176] : memref<327680xi32, #tpu.memory_space<hbm>> -> memref<128xi32, #tpu.memory_space<hbm>>
      %dma_wait3A_178 = arith.constant 0 : i32
      %dma_wait3A_179 = tpu.memref_slice %arg10[%dma_wait3A_172, %dma_wait3A_178] : memref<2x128xi32, #tpu.memory_space<vmem>> -> memref<1x128xi32, #tpu.memory_space<vmem>>
      %dma_wait3A_180 = tpu.memref_squeeze %dma_wait3A_179 : memref<1x128xi32, #tpu.memory_space<vmem>> -> memref<128xi32, #tpu.memory_space<vmem>>
      %dma_wait3A_181 = arith.constant 0 : i32
      %dma_wait3A_182 = tpu.memref_slice %arg6[%dma_wait3A_181] : memref<327680xi32, #tpu.memory_space<hbm>> -> memref<128xi32, #tpu.memory_space<hbm>>
      tpu.wait_dma2 semaphore(%arg15 : memref<!tpu.dma_semaphore, #tpu.memory_space<semaphore_mem>>) src(%dma_wait3A_182 : memref<128xi32, #tpu.memory_space<hbm>>) dst(%dma_wait3A_180 : memref<128xi32, #tpu.memory_space<vmem>>)
      %dma_wait3A_183 = arith.constant 0 : i32
      %dma_wait3A_184 = arith.constant 0 : i32
      %dma_wait3A_185 = arith.constant 0 : i32
      %dma_wait3A_186 = tpu.memref_slice %arg11[%dma_wait3A_183, %dma_wait3A_184, %dma_wait3A_185] : memref<2x128x64xf32, #tpu.memory_space<vmem>> -> memref<1x128x64xf32, #tpu.memory_space<vmem>>
      %dma_wait3A_187 = tpu.memref_squeeze %dma_wait3A_186 : memref<1x128x64xf32, #tpu.memory_space<vmem>> -> memref<128x64xf32, #tpu.memory_space<vmem>>
      %dma_wait3A_188 = arith.constant 0 : i32
      %dma_wait3A_189 = arith.constant 0 : i32
      %dma_wait3A_190 = tpu.memref_slice %arg2[%dma_wait3A_188, %dma_wait3A_189] : memref<20000x64xf32, #tpu.memory_space<hbm>> -> memref<128x64xf32, #tpu.memory_space<hbm>>
      %dma_wait3A_191 = arith.constant 0 : i32
      %dma_wait3A_192 = arith.constant 0 : i32
      %dma_wait3A_193 = tpu.memref_slice %arg11[%dma_wait3A_183, %dma_wait3A_191, %dma_wait3A_192] : memref<2x128x64xf32, #tpu.memory_space<vmem>> -> memref<1x128x64xf32, #tpu.memory_space<vmem>>
      %dma_wait3A_194 = tpu.memref_squeeze %dma_wait3A_193 : memref<1x128x64xf32, #tpu.memory_space<vmem>> -> memref<128x64xf32, #tpu.memory_space<vmem>>
      %dma_wait3A_195 = arith.constant 0 : i32
      %dma_wait3A_196 = arith.constant 0 : i32
      %dma_wait3A_197 = tpu.memref_slice %arg2[%dma_wait3A_195, %dma_wait3A_196] : memref<20000x64xf32, #tpu.memory_space<hbm>> -> memref<128x64xf32, #tpu.memory_space<hbm>>
      tpu.wait_dma2 semaphore(%arg15 : memref<!tpu.dma_semaphore, #tpu.memory_space<semaphore_mem>>) src(%dma_wait3A_197 : memref<128x64xf32, #tpu.memory_space<hbm>>) dst(%dma_wait3A_194 : memref<128x64xf32, #tpu.memory_space<vmem>>)
      %parallel_loop3A_198 = arith.constant 0 : i32
      %parallel_loop3A_199 = arith.constant 64 : i32
      %parallel_loop3A_200 = arith.constant 1 : i32
      scf.for %parallel_loop3A_287 = %parallel_loop3A_198 to %parallel_loop3A_199 step %parallel_loop3A_200  : i32 {
        %parallel_loop3A_288 = arith.constant 0 : i32
        %parallel_loop3A_289 = arith.addi %parallel_loop3A_288, %parallel_loop3A_287 : i32
        %parallel_loop3A_290 = arith.constant 0 : i32
        %parallel_loop3A_291 = arith.index_cast %parallel_loop3A_290 : i32 to index
        %parallel_loop3A_292 = arith.index_cast %parallel_loop3A_289 : i32 to index
        %parallel_loop3A_293 = arith.constant 0 : index
        %parallel_loop3A_294 = tpu.vector_load %arg11[%parallel_loop3A_291, %parallel_loop3A_292, %parallel_loop3A_293] {strides = array<i32>} : memref<2x128x64xf32, #tpu.memory_space<vmem>>, vector<1x1x16xf32>,
        %parallel_loop3A_295 = vector.shape_cast %parallel_loop3A_294 : vector<1x1x16xf32> to vector<16xf32>
        %parallel_loop3A_296 = arith.constant 0 : i32
        %parallel_loop3A_297 = arith.index_cast %parallel_loop3A_296 : i32 to index
        %parallel_loop3A_298 = arith.index_cast %parallel_loop3A_287 : i32 to index
        %parallel_loop3A_299 = arith.constant 0 : index
        %parallel_loop3A_300 = tpu.vector_load %arg12[%parallel_loop3A_297, %parallel_loop3A_298, %parallel_loop3A_299] {strides = array<i32>} : memref<2x64x128xf32, #tpu.memory_space<vmem>>, vector<1x1x16xf32>,
        %parallel_loop3A_301 = vector.shape_cast %parallel_loop3A_300 : vector<1x1x16xf32> to vector<16xf32>
        %parallel_loop3A_302 = arith.addf %parallel_loop3A_295, %parallel_loop3A_301 : vector<16xf32>
        %parallel_loop3A_303 = arith.constant 0.000000e+00 : f32
        %parallel_loop3A_304 = vector.broadcast %parallel_loop3A_303 : f32 to vector<16xf32>
        %parallel_loop3A_305 = arith.maximumf %parallel_loop3A_302, %parallel_loop3A_304 : vector<16xf32>
        %parallel_loop3A_306 = arith.constant 0 : i32
        %parallel_loop3A_307 = arith.index_cast %parallel_loop3A_306 : i32 to index
        %parallel_loop3A_308 = arith.index_cast %parallel_loop3A_289 : i32 to index
        %parallel_loop3A_309 = arith.constant 0 : index
        %parallel_loop3A_310 = tpu.vector_load %arg13[%parallel_loop3A_307, %parallel_loop3A_308, %parallel_loop3A_309] {strides = array<i32>} : memref<2x128x64xf32, #tpu.memory_space<vmem>>, vector<1x1x16xf32>,
        %parallel_loop3A_311 = vector.shape_cast %parallel_loop3A_310 : vector<1x1x16xf32> to vector<16xf32>
        %parallel_loop3A_312 = vector.shape_cast %parallel_loop3A_305 : vector<16xf32> to vector<1x1x16xf32>
        tpu.vector_store %arg13[%parallel_loop3A_307, %parallel_loop3A_308, %parallel_loop3A_309], %parallel_loop3A_312 {strides = array<i32>} : memref<2x128x64xf32, #tpu.memory_space<vmem>>, vector<1x1x16xf32>,
        %parallel_loop3A_313 = arith.constant 0 : i32
        %parallel_loop3A_314 = arith.addi %parallel_loop3A_313, %parallel_loop3A_287 : i32
        %parallel_loop3A_315 = arith.constant 0 : i32
        %parallel_loop3A_316 = arith.index_cast %parallel_loop3A_315 : i32 to index
        %parallel_loop3A_317 = arith.index_cast %parallel_loop3A_314 : i32 to index
        %parallel_loop3A_318 = arith.constant 16 : index
        %parallel_loop3A_319 = tpu.vector_load %arg11[%parallel_loop3A_316, %parallel_loop3A_317, %parallel_loop3A_318] {strides = array<i32>} : memref<2x128x64xf32, #tpu.memory_space<vmem>>, vector<1x1x16xf32>,
        %parallel_loop3A_320 = vector.shape_cast %parallel_loop3A_319 : vector<1x1x16xf32> to vector<16xf32>
        %parallel_loop3A_321 = arith.constant 0 : i32
        %parallel_loop3A_322 = arith.index_cast %parallel_loop3A_321 : i32 to index
        %parallel_loop3A_323 = arith.index_cast %parallel_loop3A_287 : i32 to index
        %parallel_loop3A_324 = arith.constant 16 : index
        %parallel_loop3A_325 = tpu.vector_load %arg12[%parallel_loop3A_322, %parallel_loop3A_323, %parallel_loop3A_324] {strides = array<i32>} : memref<2x64x128xf32, #tpu.memory_space<vmem>>, vector<1x1x16xf32>,
        %parallel_loop3A_326 = vector.shape_cast %parallel_loop3A_325 : vector<1x1x16xf32> to vector<16xf32>
        %parallel_loop3A_327 = arith.addf %parallel_loop3A_320, %parallel_loop3A_326 : vector<16xf32>
        %parallel_loop3A_328 = arith.constant 0.000000e+00 : f32
        %parallel_loop3A_329 = vector.broadcast %parallel_loop3A_328 : f32 to vector<16xf32>
        %parallel_loop3A_330 = arith.maximumf %parallel_loop3A_327, %parallel_loop3A_329 : vector<16xf32>
        %parallel_loop3A_331 = arith.constant 0 : i32
        %parallel_loop3A_332 = arith.index_cast %parallel_loop3A_331 : i32 to index
        %parallel_loop3A_333 = arith.index_cast %parallel_loop3A_314 : i32 to index
        %parallel_loop3A_334 = arith.constant 16 : index
        %parallel_loop3A_335 = tpu.vector_load %arg13[%parallel_loop3A_332, %parallel_loop3A_333, %parallel_loop3A_334] {strides = array<i32>} : memref<2x128x64xf32, #tpu.memory_space<vmem>>, vector<1x1x16xf32>,
        %parallel_loop3A_336 = vector.shape_cast %parallel_loop3A_335 : vector<1x1x16xf32> to vector<16xf32>
        %parallel_loop3A_337 = vector.shape_cast %parallel_loop3A_330 : vector<16xf32> to vector<1x1x16xf32>
        tpu.vector_store %arg13[%parallel_loop3A_332, %parallel_loop3A_333, %parallel_loop3A_334], %parallel_loop3A_337 {strides = array<i32>} : memref<2x128x64xf32, #tpu.memory_space<vmem>>, vector<1x1x16xf32>,
        %parallel_loop3A_338 = arith.constant 0 : i32
        %parallel_loop3A_339 = arith.addi %parallel_loop3A_338, %parallel_loop3A_287 : i32
        %parallel_loop3A_340 = arith.constant 0 : i32
        %parallel_loop3A_341 = arith.index_cast %parallel_loop3A_340 : i32 to index
        %parallel_loop3A_342 = arith.index_cast %parallel_loop3A_339 : i32 to index
        %parallel_loop3A_343 = arith.constant 32 : index
        %parallel_loop3A_344 = tpu.vector_load %arg11[%parallel_loop3A_341, %parallel_loop3A_342, %parallel_loop3A_343] {strides = array<i32>} : memref<2x128x64xf32, #tpu.memory_space<vmem>>, vector<1x1x16xf32>,
        %parallel_loop3A_345 = vector.shape_cast %parallel_loop3A_344 : vector<1x1x16xf32> to vector<16xf32>
        %parallel_loop3A_346 = arith.constant 0 : i32
        %parallel_loop3A_347 = arith.index_cast %parallel_loop3A_346 : i32 to index
        %parallel_loop3A_348 = arith.index_cast %parallel_loop3A_287 : i32 to index
        %parallel_loop3A_349 = arith.constant 32 : index
        %parallel_loop3A_350 = tpu.vector_load %arg12[%parallel_loop3A_347, %parallel_loop3A_348, %parallel_loop3A_349] {strides = array<i32>} : memref<2x64x128xf32, #tpu.memory_space<vmem>>, vector<1x1x16xf32>,
        %parallel_loop3A_351 = vector.shape_cast %parallel_loop3A_350 : vector<1x1x16xf32> to vector<16xf32>
        %parallel_loop3A_352 = arith.addf %parallel_loop3A_345, %parallel_loop3A_351 : vector<16xf32>
        %parallel_loop3A_353 = arith.constant 0.000000e+00 : f32
        %parallel_loop3A_354 = vector.broadcast %parallel_loop3A_353 : f32 to vector<16xf32>
        %parallel_loop3A_355 = arith.maximumf %parallel_loop3A_352, %parallel_loop3A_354 : vector<16xf32>
        %parallel_loop3A_356 = arith.constant 0 : i32
        %parallel_loop3A_357 = arith.index_cast %parallel_loop3A_356 : i32 to index
        %parallel_loop3A_358 = arith.index_cast %parallel_loop3A_339 : i32 to index
        %parallel_loop3A_359 = arith.constant 32 : index
        %parallel_loop3A_360 = tpu.vector_load %arg13[%parallel_loop3A_357, %parallel_loop3A_358, %parallel_loop3A_359] {strides = array<i32>} : memref<2x128x64xf32, #tpu.memory_space<vmem>>, vector<1x1x16xf32>,
        %parallel_loop3A_361 = vector.shape_cast %parallel_loop3A_360 : vector<1x1x16xf32> to vector<16xf32>
        %parallel_loop3A_362 = vector.shape_cast %parallel_loop3A_355 : vector<16xf32> to vector<1x1x16xf32>
        tpu.vector_store %arg13[%parallel_loop3A_357, %parallel_loop3A_358, %parallel_loop3A_359], %parallel_loop3A_362 {strides = array<i32>} : memref<2x128x64xf32, #tpu.memory_space<vmem>>, vector<1x1x16xf32>,
        %parallel_loop3A_363 = arith.constant 0 : i32
        %parallel_loop3A_364 = arith.addi %parallel_loop3A_363, %parallel_loop3A_287 : i32
        %parallel_loop3A_365 = arith.constant 0 : i32
        %parallel_loop3A_366 = arith.index_cast %parallel_loop3A_365 : i32 to index
        %parallel_loop3A_367 = arith.index_cast %parallel_loop3A_364 : i32 to index
        %parallel_loop3A_368 = arith.constant 48 : index
        %parallel_loop3A_369 = tpu.vector_load %arg11[%parallel_loop3A_366, %parallel_loop3A_367, %parallel_loop3A_368] {strides = array<i32>} : memref<2x128x64xf32, #tpu.memory_space<vmem>>, vector<1x1x16xf32>,
        %parallel_loop3A_370 = vector.shape_cast %parallel_loop3A_369 : vector<1x1x16xf32> to vector<16xf32>
        %parallel_loop3A_371 = arith.constant 0 : i32
        %parallel_loop3A_372 = arith.index_cast %parallel_loop3A_371 : i32 to index
        %parallel_loop3A_373 = arith.index_cast %parallel_loop3A_287 : i32 to index
        %parallel_loop3A_374 = arith.constant 48 : index
        %parallel_loop3A_375 = tpu.vector_load %arg12[%parallel_loop3A_372, %parallel_loop3A_373, %parallel_loop3A_374] {strides = array<i32>} : memref<2x64x128xf32, #tpu.memory_space<vmem>>, vector<1x1x16xf32>,
        %parallel_loop3A_376 = vector.shape_cast %parallel_loop3A_375 : vector<1x1x16xf32> to vector<16xf32>
        %parallel_loop3A_377 = arith.addf %parallel_loop3A_370, %parallel_loop3A_376 : vector<16xf32>
        %parallel_loop3A_378 = arith.constant 0.000000e+00 : f32
        %parallel_loop3A_379 = vector.broadcast %parallel_loop3A_378 : f32 to vector<16xf32>
        %parallel_loop3A_380 = arith.maximumf %parallel_loop3A_377, %parallel_loop3A_379 : vector<16xf32>
        %parallel_loop3A_381 = arith.constant 0 : i32
        %parallel_loop3A_382 = arith.index_cast %parallel_loop3A_381 : i32 to index
        %parallel_loop3A_383 = arith.index_cast %parallel_loop3A_364 : i32 to index
        %parallel_loop3A_384 = arith.constant 48 : index
        %parallel_loop3A_385 = tpu.vector_load %arg13[%parallel_loop3A_382, %parallel_loop3A_383, %parallel_loop3A_384] {strides = array<i32>} : memref<2x128x64xf32, #tpu.memory_space<vmem>>, vector<1x1x16xf32>,
        %parallel_loop3A_386 = vector.shape_cast %parallel_loop3A_385 : vector<1x1x16xf32> to vector<16xf32>
        %parallel_loop3A_387 = vector.shape_cast %parallel_loop3A_380 : vector<16xf32> to vector<1x1x16xf32>
        tpu.vector_store %arg13[%parallel_loop3A_382, %parallel_loop3A_383, %parallel_loop3A_384], %parallel_loop3A_387 {strides = array<i32>} : memref<2x128x64xf32, #tpu.memory_space<vmem>>, vector<1x1x16xf32>,
        %parallel_loop3A_388 = arith.constant 64 : i32
        %parallel_loop3A_389 = arith.addi %parallel_loop3A_388, %parallel_loop3A_287 : i32
        %parallel_loop3A_390 = arith.constant 0 : i32
        %parallel_loop3A_391 = arith.index_cast %parallel_loop3A_390 : i32 to index
        %parallel_loop3A_392 = arith.index_cast %parallel_loop3A_389 : i32 to index
        %parallel_loop3A_393 = arith.constant 0 : index
        %parallel_loop3A_394 = tpu.vector_load %arg11[%parallel_loop3A_391, %parallel_loop3A_392, %parallel_loop3A_393] {strides = array<i32>} : memref<2x128x64xf32, #tpu.memory_space<vmem>>, vector<1x1x16xf32>,
        %parallel_loop3A_395 = vector.shape_cast %parallel_loop3A_394 : vector<1x1x16xf32> to vector<16xf32>
        %parallel_loop3A_396 = arith.constant 0 : i32
        %parallel_loop3A_397 = arith.index_cast %parallel_loop3A_396 : i32 to index
        %parallel_loop3A_398 = arith.index_cast %parallel_loop3A_287 : i32 to index
        %parallel_loop3A_399 = arith.constant 64 : index
        %parallel_loop3A_400 = tpu.vector_load %arg12[%parallel_loop3A_397, %parallel_loop3A_398, %parallel_loop3A_399] {strides = array<i32>} : memref<2x64x128xf32, #tpu.memory_space<vmem>>, vector<1x1x16xf32>,
        %parallel_loop3A_401 = vector.shape_cast %parallel_loop3A_400 : vector<1x1x16xf32> to vector<16xf32>
        %parallel_loop3A_402 = arith.addf %parallel_loop3A_395, %parallel_loop3A_401 : vector<16xf32>
        %parallel_loop3A_403 = arith.constant 0.000000e+00 : f32
        %parallel_loop3A_404 = vector.broadcast %parallel_loop3A_403 : f32 to vector<16xf32>
        %parallel_loop3A_405 = arith.maximumf %parallel_loop3A_402, %parallel_loop3A_404 : vector<16xf32>
        %parallel_loop3A_406 = arith.constant 0 : i32
        %parallel_loop3A_407 = arith.index_cast %parallel_loop3A_406 : i32 to index
        %parallel_loop3A_408 = arith.index_cast %parallel_loop3A_389 : i32 to index
        %parallel_loop3A_409 = arith.constant 0 : index
        %parallel_loop3A_410 = tpu.vector_load %arg13[%parallel_loop3A_407, %parallel_loop3A_408, %parallel_loop3A_409] {strides = array<i32>} : memref<2x128x64xf32, #tpu.memory_space<vmem>>, vector<1x1x16xf32>,
        %parallel_loop3A_411 = vector.shape_cast %parallel_loop3A_410 : vector<1x1x16xf32> to vector<16xf32>
        %parallel_loop3A_412 = vector.shape_cast %parallel_loop3A_405 : vector<16xf32> to vector<1x1x16xf32>
        tpu.vector_store %arg13[%parallel_loop3A_407, %parallel_loop3A_408, %parallel_loop3A_409], %parallel_loop3A_412 {strides = array<i32>} : memref<2x128x64xf32, #tpu.memory_space<vmem>>, vector<1x1x16xf32>,
        %parallel_loop3A_413 = arith.constant 64 : i32
        %parallel_loop3A_414 = arith.addi %parallel_loop3A_413, %parallel_loop3A_287 : i32
        %parallel_loop3A_415 = arith.constant 0 : i32
        %parallel_loop3A_416 = arith.index_cast %parallel_loop3A_415 : i32 to index
        %parallel_loop3A_417 = arith.index_cast %parallel_loop3A_414 : i32 to index
        %parallel_loop3A_418 = arith.constant 16 : index
        %parallel_loop3A_419 = tpu.vector_load %arg11[%parallel_loop3A_416, %parallel_loop3A_417, %parallel_loop3A_418] {strides = array<i32>} : memref<2x128x64xf32, #tpu.memory_space<vmem>>, vector<1x1x16xf32>,
        %parallel_loop3A_420 = vector.shape_cast %parallel_loop3A_419 : vector<1x1x16xf32> to vector<16xf32>
        %parallel_loop3A_421 = arith.constant 0 : i32
        %parallel_loop3A_422 = arith.index_cast %parallel_loop3A_421 : i32 to index
        %parallel_loop3A_423 = arith.index_cast %parallel_loop3A_287 : i32 to index
        %parallel_loop3A_424 = arith.constant 80 : index
        %parallel_loop3A_425 = tpu.vector_load %arg12[%parallel_loop3A_422, %parallel_loop3A_423, %parallel_loop3A_424] {strides = array<i32>} : memref<2x64x128xf32, #tpu.memory_space<vmem>>, vector<1x1x16xf32>,
        %parallel_loop3A_426 = vector.shape_cast %parallel_loop3A_425 : vector<1x1x16xf32> to vector<16xf32>
        %parallel_loop3A_427 = arith.addf %parallel_loop3A_420, %parallel_loop3A_426 : vector<16xf32>
        %parallel_loop3A_428 = arith.constant 0.000000e+00 : f32
        %parallel_loop3A_429 = vector.broadcast %parallel_loop3A_428 : f32 to vector<16xf32>
        %parallel_loop3A_430 = arith.maximumf %parallel_loop3A_427, %parallel_loop3A_429 : vector<16xf32>
        %parallel_loop3A_431 = arith.constant 0 : i32
        %parallel_loop3A_432 = arith.index_cast %parallel_loop3A_431 : i32 to index
        %parallel_loop3A_433 = arith.index_cast %parallel_loop3A_414 : i32 to index
        %parallel_loop3A_434 = arith.constant 16 : index
        %parallel_loop3A_435 = tpu.vector_load %arg13[%parallel_loop3A_432, %parallel_loop3A_433, %parallel_loop3A_434] {strides = array<i32>} : memref<2x128x64xf32, #tpu.memory_space<vmem>>, vector<1x1x16xf32>,
        %parallel_loop3A_436 = vector.shape_cast %parallel_loop3A_435 : vector<1x1x16xf32> to vector<16xf32>
        %parallel_loop3A_437 = vector.shape_cast %parallel_loop3A_430 : vector<16xf32> to vector<1x1x16xf32>
        tpu.vector_store %arg13[%parallel_loop3A_432, %parallel_loop3A_433, %parallel_loop3A_434], %parallel_loop3A_437 {strides = array<i32>} : memref<2x128x64xf32, #tpu.memory_space<vmem>>, vector<1x1x16xf32>,
        %parallel_loop3A_438 = arith.constant 64 : i32
        %parallel_loop3A_439 = arith.addi %parallel_loop3A_438, %parallel_loop3A_287 : i32
        %parallel_loop3A_440 = arith.constant 0 : i32
        %parallel_loop3A_441 = arith.index_cast %parallel_loop3A_440 : i32 to index
        %parallel_loop3A_442 = arith.index_cast %parallel_loop3A_439 : i32 to index
        %parallel_loop3A_443 = arith.constant 32 : index
        %parallel_loop3A_444 = tpu.vector_load %arg11[%parallel_loop3A_441, %parallel_loop3A_442, %parallel_loop3A_443] {strides = array<i32>} : memref<2x128x64xf32, #tpu.memory_space<vmem>>, vector<1x1x16xf32>,
        %parallel_loop3A_445 = vector.shape_cast %parallel_loop3A_444 : vector<1x1x16xf32> to vector<16xf32>
        %parallel_loop3A_446 = arith.constant 0 : i32
        %parallel_loop3A_447 = arith.index_cast %parallel_loop3A_446 : i32 to index
        %parallel_loop3A_448 = arith.index_cast %parallel_loop3A_287 : i32 to index
        %parallel_loop3A_449 = arith.constant 96 : index
        %parallel_loop3A_450 = tpu.vector_load %arg12[%parallel_loop3A_447, %parallel_loop3A_448, %parallel_loop3A_449] {strides = array<i32>} : memref<2x64x128xf32, #tpu.memory_space<vmem>>, vector<1x1x16xf32>,
        %parallel_loop3A_451 = vector.shape_cast %parallel_loop3A_450 : vector<1x1x16xf32> to vector<16xf32>
        %parallel_loop3A_452 = arith.addf %parallel_loop3A_445, %parallel_loop3A_451 : vector<16xf32>
        %parallel_loop3A_453 = arith.constant 0.000000e+00 : f32
        %parallel_loop3A_454 = vector.broadcast %parallel_loop3A_453 : f32 to vector<16xf32>
        %parallel_loop3A_455 = arith.maximumf %parallel_loop3A_452, %parallel_loop3A_454 : vector<16xf32>
        %parallel_loop3A_456 = arith.constant 0 : i32
        %parallel_loop3A_457 = arith.index_cast %parallel_loop3A_456 : i32 to index
        %parallel_loop3A_458 = arith.index_cast %parallel_loop3A_439 : i32 to index
        %parallel_loop3A_459 = arith.constant 32 : index
        %parallel_loop3A_460 = tpu.vector_load %arg13[%parallel_loop3A_457, %parallel_loop3A_458, %parallel_loop3A_459] {strides = array<i32>} : memref<2x128x64xf32, #tpu.memory_space<vmem>>, vector<1x1x16xf32>,
        %parallel_loop3A_461 = vector.shape_cast %parallel_loop3A_460 : vector<1x1x16xf32> to vector<16xf32>
        %parallel_loop3A_462 = vector.shape_cast %parallel_loop3A_455 : vector<16xf32> to vector<1x1x16xf32>
        tpu.vector_store %arg13[%parallel_loop3A_457, %parallel_loop3A_458, %parallel_loop3A_459], %parallel_loop3A_462 {strides = array<i32>} : memref<2x128x64xf32, #tpu.memory_space<vmem>>, vector<1x1x16xf32>,
        %parallel_loop3A_463 = arith.constant 64 : i32
        %parallel_loop3A_464 = arith.addi %parallel_loop3A_463, %parallel_loop3A_287 : i32
        %parallel_loop3A_465 = arith.constant 0 : i32
        %parallel_loop3A_466 = arith.index_cast %parallel_loop3A_465 : i32 to index
        %parallel_loop3A_467 = arith.index_cast %parallel_loop3A_464 : i32 to index
        %parallel_loop3A_468 = arith.constant 48 : index
        %parallel_loop3A_469 = tpu.vector_load %arg11[%parallel_loop3A_466, %parallel_loop3A_467, %parallel_loop3A_468] {strides = array<i32>} : memref<2x128x64xf32, #tpu.memory_space<vmem>>, vector<1x1x16xf32>,
        %parallel_loop3A_470 = vector.shape_cast %parallel_loop3A_469 : vector<1x1x16xf32> to vector<16xf32>
        %parallel_loop3A_471 = arith.constant 0 : i32
        %parallel_loop3A_472 = arith.index_cast %parallel_loop3A_471 : i32 to index
        %parallel_loop3A_473 = arith.index_cast %parallel_loop3A_287 : i32 to index
        %parallel_loop3A_474 = arith.constant 112 : index
        %parallel_loop3A_475 = tpu.vector_load %arg12[%parallel_loop3A_472, %parallel_loop3A_473, %parallel_loop3A_474] {strides = array<i32>} : memref<2x64x128xf32, #tpu.memory_space<vmem>>, vector<1x1x16xf32>,
        %parallel_loop3A_476 = vector.shape_cast %parallel_loop3A_475 : vector<1x1x16xf32> to vector<16xf32>
        %parallel_loop3A_477 = arith.addf %parallel_loop3A_470, %parallel_loop3A_476 : vector<16xf32>
        %parallel_loop3A_478 = arith.constant 0.000000e+00 : f32
        %parallel_loop3A_479 = vector.broadcast %parallel_loop3A_478 : f32 to vector<16xf32>
        %parallel_loop3A_480 = arith.maximumf %parallel_loop3A_477, %parallel_loop3A_479 : vector<16xf32>
        %parallel_loop3A_481 = arith.constant 0 : i32
        %parallel_loop3A_482 = arith.index_cast %parallel_loop3A_481 : i32 to index
        %parallel_loop3A_483 = arith.index_cast %parallel_loop3A_464 : i32 to index
        %parallel_loop3A_484 = arith.constant 48 : index
        %parallel_loop3A_485 = tpu.vector_load %arg13[%parallel_loop3A_482, %parallel_loop3A_483, %parallel_loop3A_484] {strides = array<i32>} : memref<2x128x64xf32, #tpu.memory_space<vmem>>, vector<1x1x16xf32>,
        %parallel_loop3A_486 = vector.shape_cast %parallel_loop3A_485 : vector<1x1x16xf32> to vector<16xf32>
        %parallel_loop3A_487 = vector.shape_cast %parallel_loop3A_480 : vector<16xf32> to vector<1x1x16xf32>
        tpu.vector_store %arg13[%parallel_loop3A_482, %parallel_loop3A_483, %parallel_loop3A_484], %parallel_loop3A_487 {strides = array<i32>} : memref<2x128x64xf32, #tpu.memory_space<vmem>>, vector<1x1x16xf32>,
      } {sc.loop_unroll_factor = 4 : i64, sc.parallel_access}
      %dma_start3A_201 = arith.constant 0 : i32
      %dma_start3A_202 = arith.constant 0 : i32
      %dma_start3A_203 = arith.constant 0 : i32
      %dma_start3A_204 = arith.constant 0 : i32
      %dma_start3A_205 = tpu.memref_slice %arg13[%dma_start3A_201, %dma_start3A_203, %dma_start3A_204] : memref<2x128x64xf32, #tpu.memory_space<vmem>> -> memref<1x128x64xf32, #tpu.memory_space<vmem>>
      %dma_start3A_206 = tpu.memref_squeeze %dma_start3A_205 : memref<1x128x64xf32, #tpu.memory_space<vmem>> -> memref<128x64xf32, #tpu.memory_space<vmem>>
      %dma_start3A_207 = arith.constant 0 : i32
      %dma_start3A_208 = tpu.memref_slice %arg10[%dma_start3A_202, %dma_start3A_207] : memref<2x128xi32, #tpu.memory_space<vmem>> -> memref<1x128xi32, #tpu.memory_space<vmem>>
      %dma_start3A_209 = tpu.memref_squeeze %dma_start3A_208 : memref<1x128xi32, #tpu.memory_space<vmem>> -> memref<128xi32, #tpu.memory_space<vmem>>
      %dma_start3A_210 = arith.constant 0 : i32
      %dma_start3A_211 = arith.constant 0 : i32
      %dma_start3A_212 = tpu.memref_slice %arg14[%dma_start3A_210, %dma_start3A_211] : memref<10112x64xf32, #tpu.memory_space<vmem_shared>> -> memref<10112x64xf32, #tpu.memory_space<vmem_shared>>
      tpu.enqueue_indirect_dma source(%dma_start3A_206 : memref<128x64xf32, #tpu.memory_space<vmem>>) target(%dma_start3A_212 : memref<10112x64xf32, #tpu.memory_space<vmem_shared>>) offsets(%dma_start3A_209 : memref<128xi32, #tpu.memory_space<vmem>>) semaphore(%arg17 : memref<!tpu.dma_semaphore, #tpu.memory_space<semaphore_mem>>) {add = true}
      %dma_wait3A_213 = arith.constant 1 : i32
      %dma_wait3A_214 = arith.constant 0 : i32
      %dma_wait3A_215 = arith.constant 0 : i32
      %dma_wait3A_216 = tpu.memref_slice %arg12[%dma_wait3A_213, %dma_wait3A_214, %dma_wait3A_215] : memref<2x64x128xf32, #tpu.memory_space<vmem>> -> memref<1x64x128xf32, #tpu.memory_space<vmem>>
      %dma_wait3A_217 = tpu.memref_squeeze %dma_wait3A_216 : memref<1x64x128xf32, #tpu.memory_space<vmem>> -> memref<64x128xf32, #tpu.memory_space<vmem>>
      %dma_wait3A_218 = arith.constant 0 : i32
      %dma_wait3A_219 = arith.constant 0 : i32
      %dma_wait3A_220 = tpu.memref_slice %arg3[%dma_wait3A_218, %dma_wait3A_219] : memref<163840x128xf32, #tpu.memory_space<hbm>> -> memref<64x128xf32, #tpu.memory_space<hbm>>
      %dma_wait3A_221 = arith.constant 0 : i32
      %dma_wait3A_222 = arith.constant 0 : i32
      %dma_wait3A_223 = tpu.memref_slice %arg12[%dma_wait3A_213, %dma_wait3A_221, %dma_wait3A_222] : memref<2x64x128xf32, #tpu.memory_space<vmem>> -> memref<1x64x128xf32, #tpu.memory_space<vmem>>
      %dma_wait3A_224 = tpu.memref_squeeze %dma_wait3A_223 : memref<1x64x128xf32, #tpu.memory_space<vmem>> -> memref<64x128xf32, #tpu.memory_space<vmem>>
      %dma_wait3A_225 = arith.constant 0 : i32
      %dma_wait3A_226 = arith.constant 0 : i32
      %dma_wait3A_227 = tpu.memref_slice %arg3[%dma_wait3A_225, %dma_wait3A_226] : memref<163840x128xf32, #tpu.memory_space<hbm>> -> memref<64x128xf32, #tpu.memory_space<hbm>>
      tpu.wait_dma2 semaphore(%arg16 : memref<!tpu.dma_semaphore, #tpu.memory_space<semaphore_mem>>) src(%dma_wait3A_227 : memref<64x128xf32, #tpu.memory_space<hbm>>) dst(%dma_wait3A_224 : memref<64x128xf32, #tpu.memory_space<vmem>>)
      %dma_wait3A_228 = arith.constant 1 : i32
      %dma_wait3A_229 = arith.constant 0 : i32
      %dma_wait3A_230 = tpu.memref_slice %arg10[%dma_wait3A_228, %dma_wait3A_229] : memref<2x128xi32, #tpu.memory_space<vmem>> -> memref<1x128xi32, #tpu.memory_space<vmem>>
      %dma_wait3A_231 = tpu.memref_squeeze %dma_wait3A_230 : memref<1x128xi32, #tpu.memory_space<vmem>> -> memref<128xi32, #tpu.memory_space<vmem>>
      %dma_wait3A_232 = arith.constant 0 : i32
      %dma_wait3A_233 = tpu.memref_slice %arg6[%dma_wait3A_232] : memref<327680xi32, #tpu.memory_space<hbm>> -> memref<128xi32, #tpu.memory_space<hbm>>
      %dma_wait3A_234 = arith.constant 0 : i32
      %dma_wait3A_235 = tpu.memref_slice %arg10[%dma_wait3A_228, %dma_wait3A_234] : memref<2x128xi32, #tpu.memory_space<vmem>> -> memref<1x128xi32, #tpu.memory_space<vmem>>
      %dma_wait3A_236 = tpu.memref_squeeze %dma_wait3A_235 : memref<1x128xi32, #tpu.memory_space<vmem>> -> memref<128xi32, #tpu.memory_space<vmem>>
      %dma_wait3A_237 = arith.constant 0 : i32
      %dma_wait3A_238 = tpu.memref_slice %arg6[%dma_wait3A_237] : memref<327680xi32, #tpu.memory_space<hbm>> -> memref<128xi32, #tpu.memory_space<hbm>>
      tpu.wait_dma2 semaphore(%arg16 : memref<!tpu.dma_semaphore, #tpu.memory_space<semaphore_mem>>) src(%dma_wait3A_238 : memref<128xi32, #tpu.memory_space<hbm>>) dst(%dma_wait3A_236 : memref<128xi32, #tpu.memory_space<vmem>>)
      %dma_wait3A_239 = arith.constant 1 : i32
      %dma_wait3A_240 = arith.constant 0 : i32
      %dma_wait3A_241 = arith.constant 0 : i32
      %dma_wait3A_242 = tpu.memref_slice %arg11[%dma_wait3A_239, %dma_wait3A_240, %dma_wait3A_241] : memref<2x128x64xf32, #tpu.memory_space<vmem>> -> memref<1x128x64xf32, #tpu.memory_space<vmem>>
      %dma_wait3A_243 = tpu.memref_squeeze %dma_wait3A_242 : memref<1x128x64xf32, #tpu.memory_space<vmem>> -> memref<128x64xf32, #tpu.memory_space<vmem>>
      %dma_wait3A_244 = arith.constant 0 : i32
      %dma_wait3A_245 = arith.constant 0 : i32
      %dma_wait3A_246 = tpu.memref_slice %arg2[%dma_wait3A_244, %dma_wait3A_245] : memref<20000x64xf32, #tpu.memory_space<hbm>> -> memref<128x64xf32, #tpu.memory_space<hbm>>
      %dma_wait3A_247 = arith.constant 0 : i32
      %dma_wait3A_248 = arith.constant 0 : i32
      %dma_wait3A_249 = tpu.memref_slice %arg11[%dma_wait3A_239, %dma_wait3A_247, %dma_wait3A_248] : memref<2x128x64xf32, #tpu.memory_space<vmem>> -> memref<1x128x64xf32, #tpu.memory_space<vmem>>
      %dma_wait3A_250 = tpu.memref_squeeze %dma_wait3A_249 : memref<1x128x64xf32, #tpu.memory_space<vmem>> -> memref<128x64xf32, #tpu.memory_space<vmem>>
      %dma_wait3A_251 = arith.constant 0 : i32
      %dma_wait3A_252 = arith.constant 0 : i32
      %dma_wait3A_253 = tpu.memref_slice %arg2[%dma_wait3A_251, %dma_wait3A_252] : memref<20000x64xf32, #tpu.memory_space<hbm>> -> memref<128x64xf32, #tpu.memory_space<hbm>>
      tpu.wait_dma2 semaphore(%arg16 : memref<!tpu.dma_semaphore, #tpu.memory_space<semaphore_mem>>) src(%dma_wait3A_253 : memref<128x64xf32, #tpu.memory_space<hbm>>) dst(%dma_wait3A_250 : memref<128x64xf32, #tpu.memory_space<vmem>>)
      %parallel_loop3A_254 = arith.constant 0 : i32
      %parallel_loop3A_255 = arith.constant 64 : i32
      %parallel_loop3A_256 = arith.constant 1 : i32
      scf.for %parallel_loop3A_287 = %parallel_loop3A_254 to %parallel_loop3A_255 step %parallel_loop3A_256  : i32 {
        %parallel_loop3A_288 = arith.constant 0 : i32
        %parallel_loop3A_289 = arith.addi %parallel_loop3A_288, %parallel_loop3A_287 : i32
        %parallel_loop3A_290 = arith.constant 1 : i32
        %parallel_loop3A_291 = arith.index_cast %parallel_loop3A_290 : i32 to index
        %parallel_loop3A_292 = arith.index_cast %parallel_loop3A_289 : i32 to index
        %parallel_loop3A_293 = arith.constant 0 : index
        %parallel_loop3A_294 = tpu.vector_load %arg11[%parallel_loop3A_291, %parallel_loop3A_292, %parallel_loop3A_293] {strides = array<i32>} : memref<2x128x64xf32, #tpu.memory_space<vmem>>, vector<1x1x16xf32>,
        %parallel_loop3A_295 = vector.shape_cast %parallel_loop3A_294 : vector<1x1x16xf32> to vector<16xf32>
        %parallel_loop3A_296 = arith.constant 1 : i32
        %parallel_loop3A_297 = arith.index_cast %parallel_loop3A_296 : i32 to index
        %parallel_loop3A_298 = arith.index_cast %parallel_loop3A_287 : i32 to index
        %parallel_loop3A_299 = arith.constant 0 : index
        %parallel_loop3A_300 = tpu.vector_load %arg12[%parallel_loop3A_297, %parallel_loop3A_298, %parallel_loop3A_299] {strides = array<i32>} : memref<2x64x128xf32, #tpu.memory_space<vmem>>, vector<1x1x16xf32>,
        %parallel_loop3A_301 = vector.shape_cast %parallel_loop3A_300 : vector<1x1x16xf32> to vector<16xf32>
        %parallel_loop3A_302 = arith.addf %parallel_loop3A_295, %parallel_loop3A_301 : vector<16xf32>
        %parallel_loop3A_303 = arith.constant 0.000000e+00 : f32
        %parallel_loop3A_304 = vector.broadcast %parallel_loop3A_303 : f32 to vector<16xf32>
        %parallel_loop3A_305 = arith.maximumf %parallel_loop3A_302, %parallel_loop3A_304 : vector<16xf32>
        %parallel_loop3A_306 = arith.constant 1 : i32
        %parallel_loop3A_307 = arith.index_cast %parallel_loop3A_306 : i32 to index
        %parallel_loop3A_308 = arith.index_cast %parallel_loop3A_289 : i32 to index
        %parallel_loop3A_309 = arith.constant 0 : index
        %parallel_loop3A_310 = tpu.vector_load %arg13[%parallel_loop3A_307, %parallel_loop3A_308, %parallel_loop3A_309] {strides = array<i32>} : memref<2x128x64xf32, #tpu.memory_space<vmem>>, vector<1x1x16xf32>,
        %parallel_loop3A_311 = vector.shape_cast %parallel_loop3A_310 : vector<1x1x16xf32> to vector<16xf32>
        %parallel_loop3A_312 = vector.shape_cast %parallel_loop3A_305 : vector<16xf32> to vector<1x1x16xf32>
        tpu.vector_store %arg13[%parallel_loop3A_307, %parallel_loop3A_308, %parallel_loop3A_309], %parallel_loop3A_312 {strides = array<i32>} : memref<2x128x64xf32, #tpu.memory_space<vmem>>, vector<1x1x16xf32>,
        %parallel_loop3A_313 = arith.constant 0 : i32
        %parallel_loop3A_314 = arith.addi %parallel_loop3A_313, %parallel_loop3A_287 : i32
        %parallel_loop3A_315 = arith.constant 1 : i32
        %parallel_loop3A_316 = arith.index_cast %parallel_loop3A_315 : i32 to index
        %parallel_loop3A_317 = arith.index_cast %parallel_loop3A_314 : i32 to index
        %parallel_loop3A_318 = arith.constant 16 : index
        %parallel_loop3A_319 = tpu.vector_load %arg11[%parallel_loop3A_316, %parallel_loop3A_317, %parallel_loop3A_318] {strides = array<i32>} : memref<2x128x64xf32, #tpu.memory_space<vmem>>, vector<1x1x16xf32>,
        %parallel_loop3A_320 = vector.shape_cast %parallel_loop3A_319 : vector<1x1x16xf32> to vector<16xf32>
        %parallel_loop3A_321 = arith.constant 1 : i32
        %parallel_loop3A_322 = arith.index_cast %parallel_loop3A_321 : i32 to index
        %parallel_loop3A_323 = arith.index_cast %parallel_loop3A_287 : i32 to index
        %parallel_loop3A_324 = arith.constant 16 : index
        %parallel_loop3A_325 = tpu.vector_load %arg12[%parallel_loop3A_322, %parallel_loop3A_323, %parallel_loop3A_324] {strides = array<i32>} : memref<2x64x128xf32, #tpu.memory_space<vmem>>, vector<1x1x16xf32>,
        %parallel_loop3A_326 = vector.shape_cast %parallel_loop3A_325 : vector<1x1x16xf32> to vector<16xf32>
        %parallel_loop3A_327 = arith.addf %parallel_loop3A_320, %parallel_loop3A_326 : vector<16xf32>
        %parallel_loop3A_328 = arith.constant 0.000000e+00 : f32
        %parallel_loop3A_329 = vector.broadcast %parallel_loop3A_328 : f32 to vector<16xf32>
        %parallel_loop3A_330 = arith.maximumf %parallel_loop3A_327, %parallel_loop3A_329 : vector<16xf32>
        %parallel_loop3A_331 = arith.constant 1 : i32
        %parallel_loop3A_332 = arith.index_cast %parallel_loop3A_331 : i32 to index
        %parallel_loop3A_333 = arith.index_cast %parallel_loop3A_314 : i32 to index
        %parallel_loop3A_334 = arith.constant 16 : index
        %parallel_loop3A_335 = tpu.vector_load %arg13[%parallel_loop3A_332, %parallel_loop3A_333, %parallel_loop3A_334] {strides = array<i32>} : memref<2x128x64xf32, #tpu.memory_space<vmem>>, vector<1x1x16xf32>,
        %parallel_loop3A_336 = vector.shape_cast %parallel_loop3A_335 : vector<1x1x16xf32> to vector<16xf32>
        %parallel_loop3A_337 = vector.shape_cast %parallel_loop3A_330 : vector<16xf32> to vector<1x1x16xf32>
        tpu.vector_store %arg13[%parallel_loop3A_332, %parallel_loop3A_333, %parallel_loop3A_334], %parallel_loop3A_337 {strides = array<i32>} : memref<2x128x64xf32, #tpu.memory_space<vmem>>, vector<1x1x16xf32>,
        %parallel_loop3A_338 = arith.constant 0 : i32
        %parallel_loop3A_339 = arith.addi %parallel_loop3A_338, %parallel_loop3A_287 : i32
        %parallel_loop3A_340 = arith.constant 1 : i32
        %parallel_loop3A_341 = arith.index_cast %parallel_loop3A_340 : i32 to index
        %parallel_loop3A_342 = arith.index_cast %parallel_loop3A_339 : i32 to index
        %parallel_loop3A_343 = arith.constant 32 : index
        %parallel_loop3A_344 = tpu.vector_load %arg11[%parallel_loop3A_341, %parallel_loop3A_342, %parallel_loop3A_343] {strides = array<i32>} : memref<2x128x64xf32, #tpu.memory_space<vmem>>, vector<1x1x16xf32>,
        %parallel_loop3A_345 = vector.shape_cast %parallel_loop3A_344 : vector<1x1x16xf32> to vector<16xf32>
        %parallel_loop3A_346 = arith.constant 1 : i32
        %parallel_loop3A_347 = arith.index_cast %parallel_loop3A_346 : i32 to index
        %parallel_loop3A_348 = arith.index_cast %parallel_loop3A_287 : i32 to index
        %parallel_loop3A_349 = arith.constant 32 : index
        %parallel_loop3A_350 = tpu.vector_load %arg12[%parallel_loop3A_347, %parallel_loop3A_348, %parallel_loop3A_349] {strides = array<i32>} : memref<2x64x128xf32, #tpu.memory_space<vmem>>, vector<1x1x16xf32>,
        %parallel_loop3A_351 = vector.shape_cast %parallel_loop3A_350 : vector<1x1x16xf32> to vector<16xf32>
        %parallel_loop3A_352 = arith.addf %parallel_loop3A_345, %parallel_loop3A_351 : vector<16xf32>
        %parallel_loop3A_353 = arith.constant 0.000000e+00 : f32
        %parallel_loop3A_354 = vector.broadcast %parallel_loop3A_353 : f32 to vector<16xf32>
        %parallel_loop3A_355 = arith.maximumf %parallel_loop3A_352, %parallel_loop3A_354 : vector<16xf32>
        %parallel_loop3A_356 = arith.constant 1 : i32
        %parallel_loop3A_357 = arith.index_cast %parallel_loop3A_356 : i32 to index
        %parallel_loop3A_358 = arith.index_cast %parallel_loop3A_339 : i32 to index
        %parallel_loop3A_359 = arith.constant 32 : index
        %parallel_loop3A_360 = tpu.vector_load %arg13[%parallel_loop3A_357, %parallel_loop3A_358, %parallel_loop3A_359] {strides = array<i32>} : memref<2x128x64xf32, #tpu.memory_space<vmem>>, vector<1x1x16xf32>,
        %parallel_loop3A_361 = vector.shape_cast %parallel_loop3A_360 : vector<1x1x16xf32> to vector<16xf32>
        %parallel_loop3A_362 = vector.shape_cast %parallel_loop3A_355 : vector<16xf32> to vector<1x1x16xf32>
        tpu.vector_store %arg13[%parallel_loop3A_357, %parallel_loop3A_358, %parallel_loop3A_359], %parallel_loop3A_362 {strides = array<i32>} : memref<2x128x64xf32, #tpu.memory_space<vmem>>, vector<1x1x16xf32>,
        %parallel_loop3A_363 = arith.constant 0 : i32
        %parallel_loop3A_364 = arith.addi %parallel_loop3A_363, %parallel_loop3A_287 : i32
        %parallel_loop3A_365 = arith.constant 1 : i32
        %parallel_loop3A_366 = arith.index_cast %parallel_loop3A_365 : i32 to index
        %parallel_loop3A_367 = arith.index_cast %parallel_loop3A_364 : i32 to index
        %parallel_loop3A_368 = arith.constant 48 : index
        %parallel_loop3A_369 = tpu.vector_load %arg11[%parallel_loop3A_366, %parallel_loop3A_367, %parallel_loop3A_368] {strides = array<i32>} : memref<2x128x64xf32, #tpu.memory_space<vmem>>, vector<1x1x16xf32>,
        %parallel_loop3A_370 = vector.shape_cast %parallel_loop3A_369 : vector<1x1x16xf32> to vector<16xf32>
        %parallel_loop3A_371 = arith.constant 1 : i32
        %parallel_loop3A_372 = arith.index_cast %parallel_loop3A_371 : i32 to index
        %parallel_loop3A_373 = arith.index_cast %parallel_loop3A_287 : i32 to index
        %parallel_loop3A_374 = arith.constant 48 : index
        %parallel_loop3A_375 = tpu.vector_load %arg12[%parallel_loop3A_372, %parallel_loop3A_373, %parallel_loop3A_374] {strides = array<i32>} : memref<2x64x128xf32, #tpu.memory_space<vmem>>, vector<1x1x16xf32>,
        %parallel_loop3A_376 = vector.shape_cast %parallel_loop3A_375 : vector<1x1x16xf32> to vector<16xf32>
        %parallel_loop3A_377 = arith.addf %parallel_loop3A_370, %parallel_loop3A_376 : vector<16xf32>
        %parallel_loop3A_378 = arith.constant 0.000000e+00 : f32
        %parallel_loop3A_379 = vector.broadcast %parallel_loop3A_378 : f32 to vector<16xf32>
        %parallel_loop3A_380 = arith.maximumf %parallel_loop3A_377, %parallel_loop3A_379 : vector<16xf32>
        %parallel_loop3A_381 = arith.constant 1 : i32
        %parallel_loop3A_382 = arith.index_cast %parallel_loop3A_381 : i32 to index
        %parallel_loop3A_383 = arith.index_cast %parallel_loop3A_364 : i32 to index
        %parallel_loop3A_384 = arith.constant 48 : index
        %parallel_loop3A_385 = tpu.vector_load %arg13[%parallel_loop3A_382, %parallel_loop3A_383, %parallel_loop3A_384] {strides = array<i32>} : memref<2x128x64xf32, #tpu.memory_space<vmem>>, vector<1x1x16xf32>,
        %parallel_loop3A_386 = vector.shape_cast %parallel_loop3A_385 : vector<1x1x16xf32> to vector<16xf32>
        %parallel_loop3A_387 = vector.shape_cast %parallel_loop3A_380 : vector<16xf32> to vector<1x1x16xf32>
        tpu.vector_store %arg13[%parallel_loop3A_382, %parallel_loop3A_383, %parallel_loop3A_384], %parallel_loop3A_387 {strides = array<i32>} : memref<2x128x64xf32, #tpu.memory_space<vmem>>, vector<1x1x16xf32>,
        %parallel_loop3A_388 = arith.constant 64 : i32
        %parallel_loop3A_389 = arith.addi %parallel_loop3A_388, %parallel_loop3A_287 : i32
        %parallel_loop3A_390 = arith.constant 1 : i32
        %parallel_loop3A_391 = arith.index_cast %parallel_loop3A_390 : i32 to index
        %parallel_loop3A_392 = arith.index_cast %parallel_loop3A_389 : i32 to index
        %parallel_loop3A_393 = arith.constant 0 : index
        %parallel_loop3A_394 = tpu.vector_load %arg11[%parallel_loop3A_391, %parallel_loop3A_392, %parallel_loop3A_393] {strides = array<i32>} : memref<2x128x64xf32, #tpu.memory_space<vmem>>, vector<1x1x16xf32>,
        %parallel_loop3A_395 = vector.shape_cast %parallel_loop3A_394 : vector<1x1x16xf32> to vector<16xf32>
        %parallel_loop3A_396 = arith.constant 1 : i32
        %parallel_loop3A_397 = arith.index_cast %parallel_loop3A_396 : i32 to index
        %parallel_loop3A_398 = arith.index_cast %parallel_loop3A_287 : i32 to index
        %parallel_loop3A_399 = arith.constant 64 : index
        %parallel_loop3A_400 = tpu.vector_load %arg12[%parallel_loop3A_397, %parallel_loop3A_398, %parallel_loop3A_399] {strides = array<i32>} : memref<2x64x128xf32, #tpu.memory_space<vmem>>, vector<1x1x16xf32>,
        %parallel_loop3A_401 = vector.shape_cast %parallel_loop3A_400 : vector<1x1x16xf32> to vector<16xf32>
        %parallel_loop3A_402 = arith.addf %parallel_loop3A_395, %parallel_loop3A_401 : vector<16xf32>
        %parallel_loop3A_403 = arith.constant 0.000000e+00 : f32
        %parallel_loop3A_404 = vector.broadcast %parallel_loop3A_403 : f32 to vector<16xf32>
        %parallel_loop3A_405 = arith.maximumf %parallel_loop3A_402, %parallel_loop3A_404 : vector<16xf32>
        %parallel_loop3A_406 = arith.constant 1 : i32
        %parallel_loop3A_407 = arith.index_cast %parallel_loop3A_406 : i32 to index
        %parallel_loop3A_408 = arith.index_cast %parallel_loop3A_389 : i32 to index
        %parallel_loop3A_409 = arith.constant 0 : index
        %parallel_loop3A_410 = tpu.vector_load %arg13[%parallel_loop3A_407, %parallel_loop3A_408, %parallel_loop3A_409] {strides = array<i32>} : memref<2x128x64xf32, #tpu.memory_space<vmem>>, vector<1x1x16xf32>,
        %parallel_loop3A_411 = vector.shape_cast %parallel_loop3A_410 : vector<1x1x16xf32> to vector<16xf32>
        %parallel_loop3A_412 = vector.shape_cast %parallel_loop3A_405 : vector<16xf32> to vector<1x1x16xf32>
        tpu.vector_store %arg13[%parallel_loop3A_407, %parallel_loop3A_408, %parallel_loop3A_409], %parallel_loop3A_412 {strides = array<i32>} : memref<2x128x64xf32, #tpu.memory_space<vmem>>, vector<1x1x16xf32>,
        %parallel_loop3A_413 = arith.constant 64 : i32
        %parallel_loop3A_414 = arith.addi %parallel_loop3A_413, %parallel_loop3A_287 : i32
        %parallel_loop3A_415 = arith.constant 1 : i32
        %parallel_loop3A_416 = arith.index_cast %parallel_loop3A_415 : i32 to index
        %parallel_loop3A_417 = arith.index_cast %parallel_loop3A_414 : i32 to index
        %parallel_loop3A_418 = arith.constant 16 : index
        %parallel_loop3A_419 = tpu.vector_load %arg11[%parallel_loop3A_416, %parallel_loop3A_417, %parallel_loop3A_418] {strides = array<i32>} : memref<2x128x64xf32, #tpu.memory_space<vmem>>, vector<1x1x16xf32>,
        %parallel_loop3A_420 = vector.shape_cast %parallel_loop3A_419 : vector<1x1x16xf32> to vector<16xf32>
        %parallel_loop3A_421 = arith.constant 1 : i32
        %parallel_loop3A_422 = arith.index_cast %parallel_loop3A_421 : i32 to index
        %parallel_loop3A_423 = arith.index_cast %parallel_loop3A_287 : i32 to index
        %parallel_loop3A_424 = arith.constant 80 : index
        %parallel_loop3A_425 = tpu.vector_load %arg12[%parallel_loop3A_422, %parallel_loop3A_423, %parallel_loop3A_424] {strides = array<i32>} : memref<2x64x128xf32, #tpu.memory_space<vmem>>, vector<1x1x16xf32>,
        %parallel_loop3A_426 = vector.shape_cast %parallel_loop3A_425 : vector<1x1x16xf32> to vector<16xf32>
        %parallel_loop3A_427 = arith.addf %parallel_loop3A_420, %parallel_loop3A_426 : vector<16xf32>
        %parallel_loop3A_428 = arith.constant 0.000000e+00 : f32
        %parallel_loop3A_429 = vector.broadcast %parallel_loop3A_428 : f32 to vector<16xf32>
        %parallel_loop3A_430 = arith.maximumf %parallel_loop3A_427, %parallel_loop3A_429 : vector<16xf32>
        %parallel_loop3A_431 = arith.constant 1 : i32
        %parallel_loop3A_432 = arith.index_cast %parallel_loop3A_431 : i32 to index
        %parallel_loop3A_433 = arith.index_cast %parallel_loop3A_414 : i32 to index
        %parallel_loop3A_434 = arith.constant 16 : index
        %parallel_loop3A_435 = tpu.vector_load %arg13[%parallel_loop3A_432, %parallel_loop3A_433, %parallel_loop3A_434] {strides = array<i32>} : memref<2x128x64xf32, #tpu.memory_space<vmem>>, vector<1x1x16xf32>,
        %parallel_loop3A_436 = vector.shape_cast %parallel_loop3A_435 : vector<1x1x16xf32> to vector<16xf32>
        %parallel_loop3A_437 = vector.shape_cast %parallel_loop3A_430 : vector<16xf32> to vector<1x1x16xf32>
        tpu.vector_store %arg13[%parallel_loop3A_432, %parallel_loop3A_433, %parallel_loop3A_434], %parallel_loop3A_437 {strides = array<i32>} : memref<2x128x64xf32, #tpu.memory_space<vmem>>, vector<1x1x16xf32>,
        %parallel_loop3A_438 = arith.constant 64 : i32
        %parallel_loop3A_439 = arith.addi %parallel_loop3A_438, %parallel_loop3A_287 : i32
        %parallel_loop3A_440 = arith.constant 1 : i32
        %parallel_loop3A_441 = arith.index_cast %parallel_loop3A_440 : i32 to index
        %parallel_loop3A_442 = arith.index_cast %parallel_loop3A_439 : i32 to index
        %parallel_loop3A_443 = arith.constant 32 : index
        %parallel_loop3A_444 = tpu.vector_load %arg11[%parallel_loop3A_441, %parallel_loop3A_442, %parallel_loop3A_443] {strides = array<i32>} : memref<2x128x64xf32, #tpu.memory_space<vmem>>, vector<1x1x16xf32>,
        %parallel_loop3A_445 = vector.shape_cast %parallel_loop3A_444 : vector<1x1x16xf32> to vector<16xf32>
        %parallel_loop3A_446 = arith.constant 1 : i32
        %parallel_loop3A_447 = arith.index_cast %parallel_loop3A_446 : i32 to index
        %parallel_loop3A_448 = arith.index_cast %parallel_loop3A_287 : i32 to index
        %parallel_loop3A_449 = arith.constant 96 : index
        %parallel_loop3A_450 = tpu.vector_load %arg12[%parallel_loop3A_447, %parallel_loop3A_448, %parallel_loop3A_449] {strides = array<i32>} : memref<2x64x128xf32, #tpu.memory_space<vmem>>, vector<1x1x16xf32>,
        %parallel_loop3A_451 = vector.shape_cast %parallel_loop3A_450 : vector<1x1x16xf32> to vector<16xf32>
        %parallel_loop3A_452 = arith.addf %parallel_loop3A_445, %parallel_loop3A_451 : vector<16xf32>
        %parallel_loop3A_453 = arith.constant 0.000000e+00 : f32
        %parallel_loop3A_454 = vector.broadcast %parallel_loop3A_453 : f32 to vector<16xf32>
        %parallel_loop3A_455 = arith.maximumf %parallel_loop3A_452, %parallel_loop3A_454 : vector<16xf32>
        %parallel_loop3A_456 = arith.constant 1 : i32
        %parallel_loop3A_457 = arith.index_cast %parallel_loop3A_456 : i32 to index
        %parallel_loop3A_458 = arith.index_cast %parallel_loop3A_439 : i32 to index
        %parallel_loop3A_459 = arith.constant 32 : index
        %parallel_loop3A_460 = tpu.vector_load %arg13[%parallel_loop3A_457, %parallel_loop3A_458, %parallel_loop3A_459] {strides = array<i32>} : memref<2x128x64xf32, #tpu.memory_space<vmem>>, vector<1x1x16xf32>,
        %parallel_loop3A_461 = vector.shape_cast %parallel_loop3A_460 : vector<1x1x16xf32> to vector<16xf32>
        %parallel_loop3A_462 = vector.shape_cast %parallel_loop3A_455 : vector<16xf32> to vector<1x1x16xf32>
        tpu.vector_store %arg13[%parallel_loop3A_457, %parallel_loop3A_458, %parallel_loop3A_459], %parallel_loop3A_462 {strides = array<i32>} : memref<2x128x64xf32, #tpu.memory_space<vmem>>, vector<1x1x16xf32>,
        %parallel_loop3A_463 = arith.constant 64 : i32
        %parallel_loop3A_464 = arith.addi %parallel_loop3A_463, %parallel_loop3A_287 : i32
        %parallel_loop3A_465 = arith.constant 1 : i32
        %parallel_loop3A_466 = arith.index_cast %parallel_loop3A_465 : i32 to index
        %parallel_loop3A_467 = arith.index_cast %parallel_loop3A_464 : i32 to index
        %parallel_loop3A_468 = arith.constant 48 : index
        %parallel_loop3A_469 = tpu.vector_load %arg11[%parallel_loop3A_466, %parallel_loop3A_467, %parallel_loop3A_468] {strides = array<i32>} : memref<2x128x64xf32, #tpu.memory_space<vmem>>, vector<1x1x16xf32>,
        %parallel_loop3A_470 = vector.shape_cast %parallel_loop3A_469 : vector<1x1x16xf32> to vector<16xf32>
        %parallel_loop3A_471 = arith.constant 1 : i32
        %parallel_loop3A_472 = arith.index_cast %parallel_loop3A_471 : i32 to index
        %parallel_loop3A_473 = arith.index_cast %parallel_loop3A_287 : i32 to index
        %parallel_loop3A_474 = arith.constant 112 : index
        %parallel_loop3A_475 = tpu.vector_load %arg12[%parallel_loop3A_472, %parallel_loop3A_473, %parallel_loop3A_474] {strides = array<i32>} : memref<2x64x128xf32, #tpu.memory_space<vmem>>, vector<1x1x16xf32>,
        %parallel_loop3A_476 = vector.shape_cast %parallel_loop3A_475 : vector<1x1x16xf32> to vector<16xf32>
        %parallel_loop3A_477 = arith.addf %parallel_loop3A_470, %parallel_loop3A_476 : vector<16xf32>
        %parallel_loop3A_478 = arith.constant 0.000000e+00 : f32
        %parallel_loop3A_479 = vector.broadcast %parallel_loop3A_478 : f32 to vector<16xf32>
        %parallel_loop3A_480 = arith.maximumf %parallel_loop3A_477, %parallel_loop3A_479 : vector<16xf32>
        %parallel_loop3A_481 = arith.constant 1 : i32
        %parallel_loop3A_482 = arith.index_cast %parallel_loop3A_481 : i32 to index
        %parallel_loop3A_483 = arith.index_cast %parallel_loop3A_464 : i32 to index
        %parallel_loop3A_484 = arith.constant 48 : index
        %parallel_loop3A_485 = tpu.vector_load %arg13[%parallel_loop3A_482, %parallel_loop3A_483, %parallel_loop3A_484] {strides = array<i32>} : memref<2x128x64xf32, #tpu.memory_space<vmem>>, vector<1x1x16xf32>,
        %parallel_loop3A_486 = vector.shape_cast %parallel_loop3A_485 : vector<1x1x16xf32> to vector<16xf32>
        %parallel_loop3A_487 = vector.shape_cast %parallel_loop3A_480 : vector<16xf32> to vector<1x1x16xf32>
        tpu.vector_store %arg13[%parallel_loop3A_482, %parallel_loop3A_483, %parallel_loop3A_484], %parallel_loop3A_487 {strides = array<i32>} : memref<2x128x64xf32, #tpu.memory_space<vmem>>, vector<1x1x16xf32>,
      } {sc.loop_unroll_factor = 4 : i64, sc.parallel_access}
      %dma_wait3A_257 = arith.constant 0 : i32
      %dma_wait3A_258 = arith.constant 0 : i32
      %dma_wait3A_259 = arith.constant 0 : i32
      %dma_wait3A_260 = arith.constant 0 : i32
      %dma_wait3A_261 = tpu.memref_slice %arg13[%dma_wait3A_257, %dma_wait3A_259, %dma_wait3A_260] : memref<2x128x64xf32, #tpu.memory_space<vmem>> -> memref<1x128x64xf32, #tpu.memory_space<vmem>>
      %dma_wait3A_262 = tpu.memref_squeeze %dma_wait3A_261 : memref<1x128x64xf32, #tpu.memory_space<vmem>> -> memref<128x64xf32, #tpu.memory_space<vmem>>
      %dma_wait3A_263 = arith.constant 0 : i32
      %dma_wait3A_264 = tpu.memref_slice %arg10[%dma_wait3A_258, %dma_wait3A_263] : memref<2x128xi32, #tpu.memory_space<vmem>> -> memref<1x128xi32, #tpu.memory_space<vmem>>
      %dma_wait3A_265 = tpu.memref_squeeze %dma_wait3A_264 : memref<1x128xi32, #tpu.memory_space<vmem>> -> memref<128xi32, #tpu.memory_space<vmem>>
      %dma_wait3A_266 = arith.constant 0 : i32
      %dma_wait3A_267 = arith.constant 0 : i32
      %dma_wait3A_268 = tpu.memref_slice %arg14[%dma_wait3A_266, %dma_wait3A_267] : memref<10112x64xf32, #tpu.memory_space<vmem_shared>> -> memref<10112x64xf32, #tpu.memory_space<vmem_shared>>
      tpu.wait_indirect_dma semaphore(%arg17 : memref<!tpu.dma_semaphore, #tpu.memory_space<semaphore_mem>>) src(%dma_wait3A_262 : memref<128x64xf32, #tpu.memory_space<vmem>>) dst(%dma_wait3A_268 : memref<10112x64xf32, #tpu.memory_space<vmem_shared>>)
      %add3A_269 = arith.constant 1 : i32
      %add3A_270 = arith.addi %add3A_90, %add3A_269 : i32
      %lt3A = arith.constant 160 : i32
      %lt3A_271 = arith.cmpi slt, %add3A_270, %lt3A : i32
      %convert_element_type3A_272 = arith.extui %lt3A_271 : i1 to i32
      %cond3A_273 = arith.constant 0 : i32
      %cond3A_274 = arith.cmpi ne, %convert_element_type3A_272, %cond3A_273 : i32
      scf.if %cond3A_274 {
        %add3A_287 = arith.constant 1 : i32
        %add3A_288 = arith.addi %add3A_90, %add3A_287 : i32
        %mul3A_289 = arith.constant 128 : i32
        %mul3A_290 = arith.muli %add3A_288, %mul3A_289 : i32
        %add3A_291 = arith.addi %multiple_of3A_12, %mul3A_290 : i32
        %multiple_of3A_292 = tpu.assume_multiple %add3A_291, 8 : i32
        %mul3A_293 = arith.constant 128 : i32
        %mul3A_294 = arith.muli %add3A_288, %mul3A_293 : i32
        %add3A_295 = arith.addi %multiple_of3A_12, %mul3A_294 : i32
        %jit3A_296 = arith.constant 2 : i32
        %div3A_297 = arith.divsi %add3A_295, %jit3A_296 : i32
        %sign3A_298 = arith.constant 0 : i32
        %sign3A_299 = arith.cmpi sgt, %add3A_295, %sign3A_298 : i32
        %sign3A_300 = arith.extui %sign3A_299 : i1 to i32
        %sign3A_301 = arith.constant 0 : i32
        %sign3A_302 = arith.cmpi slt, %add3A_295, %sign3A_301 : i32
        %sign3A_303 = arith.extui %sign3A_302 : i1 to i32
        %sign3A_304 = arith.subi %sign3A_300, %sign3A_303 : i32
        %sign3A_305 = arith.constant 0 : i32
        %sign3A_306 = arith.cmpi sgt, %jit3A_296, %sign3A_305 : i32
        %sign3A_307 = arith.extui %sign3A_306 : i1 to i32
        %sign3A_308 = arith.constant 0 : i32
        %sign3A_309 = arith.cmpi slt, %jit3A_296, %sign3A_308 : i32
        %sign3A_310 = arith.extui %sign3A_309 : i1 to i32
        %sign3A_311 = arith.subi %sign3A_307, %sign3A_310 : i32
        %ne3A_312 = arith.cmpi ne, %sign3A_304, %sign3A_311 : i32
        %rem3A_313 = arith.remsi %add3A_295, %jit3A_296 : i32
        %ne3A_314 = arith.constant 0 : i32
        %ne3A_315 = arith.cmpi ne, %rem3A_313, %ne3A_314 : i32
        %and3A_316 = arith.andi %ne3A_312, %ne3A_315 : i1
        %sub3A_317 = arith.constant 1 : i32
        %sub3A_318 = arith.subi %div3A_297, %sub3A_317 : i32
        %select_n3A_319 = arith.select %and3A_316, %sub3A_318, %div3A_297 : i32
        %multiple_of3A_320 = tpu.assume_multiple %select_n3A_319, 8 : i32
        %dma_start3A_321 = arith.constant 0 : i32
        %dma_start3A_322 = arith.constant 0 : i32
        %dma_start3A_323 = arith.constant 0 : i32
        %dma_start3A_324 = tpu.memref_slice %arg11[%dma_start3A_321, %dma_start3A_322, %dma_start3A_323] : memref<2x128x64xf32, #tpu.memory_space<vmem>> -> memref<1x128x64xf32, #tpu.memory_space<vmem>>
        %dma_start3A_325 = tpu.memref_squeeze %dma_start3A_324 : memref<1x128x64xf32, #tpu.memory_space<vmem>> -> memref<128x64xf32, #tpu.memory_space<vmem>>
        %dma_start3A_326 = arith.constant 0 : i32
        %dma_start3A_327 = tpu.memref_slice %arg9[%add3A_288, %dma_start3A_326] : memref<160x128xi32, #tpu.memory_space<vmem>> -> memref<1x128xi32, #tpu.memory_space<vmem>>
        %dma_start3A_328 = tpu.memref_squeeze %dma_start3A_327 : memref<1x128xi32, #tpu.memory_space<vmem>> -> memref<128xi32, #tpu.memory_space<vmem>>
        %dma_start3A_329 = arith.constant 0 : i32
        %dma_start3A_330 = arith.constant 0 : i32
        %dma_start3A_331 = tpu.memref_slice %arg2[%dma_start3A_329, %dma_start3A_330] : memref<20000x64xf32, #tpu.memory_space<hbm>> -> memref<20000x64xf32, #tpu.memory_space<hbm>>
        tpu.enqueue_indirect_dma source(%dma_start3A_331 : memref<20000x64xf32, #tpu.memory_space<hbm>>) target(%dma_start3A_325 : memref<128x64xf32, #tpu.memory_space<vmem>>) offsets(%dma_start3A_328 : memref<128xi32, #tpu.memory_space<vmem>>) semaphore(%arg15 : memref<!tpu.dma_semaphore, #tpu.memory_space<semaphore_mem>>)
        %eq3A_332 = arith.constant 0 : i32
        %eq3A_333 = arith.cmpi eq, %arg0, %eq3A_332 : i32
        %convert_element_type3A_334 = arith.extui %eq3A_333 : i1 to i32
        %cond3A_335 = arith.constant 0 : i32
        %cond3A_336 = arith.cmpi ne, %convert_element_type3A_334, %cond3A_335 : i32
        scf.if %cond3A_336 {
          %dma_start3A_351 = arith.constant 0 : i32
          %dma_start3A_352 = arith.constant 0 : i32
          %dma_start3A_353 = arith.constant 0 : i32
          %dma_start3A_354 = tpu.memref_slice %arg12[%dma_start3A_351, %dma_start3A_352, %dma_start3A_353] : memref<2x64x128xf32, #tpu.memory_space<vmem>> -> memref<1x64x128xf32, #tpu.memory_space<vmem>>
          %dma_start3A_355 = tpu.memref_squeeze %dma_start3A_354 : memref<1x64x128xf32, #tpu.memory_space<vmem>> -> memref<64x128xf32, #tpu.memory_space<vmem>>
          %dma_start3A_356 = arith.constant 0 : i32
          %dma_start3A_357 = tpu.memref_slice %arg3[%multiple_of3A_320, %dma_start3A_356] : memref<163840x128xf32, #tpu.memory_space<hbm>> -> memref<64x128xf32, #tpu.memory_space<hbm>>
          %dma_start3A_358 = arith.constant 0 : i32
          %dma_start3A_359 = arith.constant 0 : i32
          %dma_start3A_360 = tpu.memref_slice %arg12[%dma_start3A_351, %dma_start3A_358, %dma_start3A_359] : memref<2x64x128xf32, #tpu.memory_space<vmem>> -> memref<1x64x128xf32, #tpu.memory_space<vmem>>
          %dma_start3A_361 = tpu.memref_squeeze %dma_start3A_360 : memref<1x64x128xf32, #tpu.memory_space<vmem>> -> memref<64x128xf32, #tpu.memory_space<vmem>>
          %dma_start3A_362 = arith.constant 0 : i32
          %dma_start3A_363 = tpu.memref_slice %arg3[%multiple_of3A_320, %dma_start3A_362] : memref<163840x128xf32, #tpu.memory_space<hbm>> -> memref<64x128xf32, #tpu.memory_space<hbm>>
          tpu.enqueue_dma source(%dma_start3A_363 : memref<64x128xf32, #tpu.memory_space<hbm>>) target(%dma_start3A_361 : memref<64x128xf32, #tpu.memory_space<vmem>>) target_semaphore(%arg15 : memref<!tpu.dma_semaphore, #tpu.memory_space<semaphore_mem>>)
        } else {
        }
        %eq3A_337 = arith.constant 1 : i32
        %eq3A_338 = arith.cmpi eq, %arg0, %eq3A_337 : i32
        %convert_element_type3A_339 = arith.extui %eq3A_338 : i1 to i32
        %cond3A_340 = arith.constant 0 : i32
        %cond3A_341 = arith.cmpi ne, %convert_element_type3A_339, %cond3A_340 : i32
        scf.if %cond3A_341 {
          %dma_start3A_351 = arith.constant 0 : i32
          %dma_start3A_352 = arith.constant 0 : i32
          %dma_start3A_353 = arith.constant 0 : i32
          %dma_start3A_354 = tpu.memref_slice %arg12[%dma_start3A_351, %dma_start3A_352, %dma_start3A_353] : memref<2x64x128xf32, #tpu.memory_space<vmem>> -> memref<1x64x128xf32, #tpu.memory_space<vmem>>
          %dma_start3A_355 = tpu.memref_squeeze %dma_start3A_354 : memref<1x64x128xf32, #tpu.memory_space<vmem>> -> memref<64x128xf32, #tpu.memory_space<vmem>>
          %dma_start3A_356 = arith.constant 0 : i32
          %dma_start3A_357 = tpu.memref_slice %arg4[%multiple_of3A_320, %dma_start3A_356] : memref<163840x128xf32, #tpu.memory_space<hbm>> -> memref<64x128xf32, #tpu.memory_space<hbm>>
          %dma_start3A_358 = arith.constant 0 : i32
          %dma_start3A_359 = arith.constant 0 : i32
          %dma_start3A_360 = tpu.memref_slice %arg12[%dma_start3A_351, %dma_start3A_358, %dma_start3A_359] : memref<2x64x128xf32, #tpu.memory_space<vmem>> -> memref<1x64x128xf32, #tpu.memory_space<vmem>>
          %dma_start3A_361 = tpu.memref_squeeze %dma_start3A_360 : memref<1x64x128xf32, #tpu.memory_space<vmem>> -> memref<64x128xf32, #tpu.memory_space<vmem>>
          %dma_start3A_362 = arith.constant 0 : i32
          %dma_start3A_363 = tpu.memref_slice %arg4[%multiple_of3A_320, %dma_start3A_362] : memref<163840x128xf32, #tpu.memory_space<hbm>> -> memref<64x128xf32, #tpu.memory_space<hbm>>
          tpu.enqueue_dma source(%dma_start3A_363 : memref<64x128xf32, #tpu.memory_space<hbm>>) target(%dma_start3A_361 : memref<64x128xf32, #tpu.memory_space<vmem>>) target_semaphore(%arg15 : memref<!tpu.dma_semaphore, #tpu.memory_space<semaphore_mem>>)
        } else {
        }
        %dma_start3A_342 = arith.constant 0 : i32
        %dma_start3A_343 = arith.constant 0 : i32
        %dma_start3A_344 = tpu.memref_slice %arg10[%dma_start3A_342, %dma_start3A_343] : memref<2x128xi32, #tpu.memory_space<vmem>> -> memref<1x128xi32, #tpu.memory_space<vmem>>
        %dma_start3A_345 = tpu.memref_squeeze %dma_start3A_344 : memref<1x128xi32, #tpu.memory_space<vmem>> -> memref<128xi32, #tpu.memory_space<vmem>>
        %dma_start3A_346 = tpu.memref_slice %arg6[%multiple_of3A_292] : memref<327680xi32, #tpu.memory_space<hbm>> -> memref<128xi32, #tpu.memory_space<hbm>>
        %dma_start3A_347 = arith.constant 0 : i32
        %dma_start3A_348 = tpu.memref_slice %arg10[%dma_start3A_342, %dma_start3A_347] : memref<2x128xi32, #tpu.memory_space<vmem>> -> memref<1x128xi32, #tpu.memory_space<vmem>>
        %dma_start3A_349 = tpu.memref_squeeze %dma_start3A_348 : memref<1x128xi32, #tpu.memory_space<vmem>> -> memref<128xi32, #tpu.memory_space<vmem>>
        %dma_start3A_350 = tpu.memref_slice %arg6[%multiple_of3A_292] : memref<327680xi32, #tpu.memory_space<hbm>> -> memref<128xi32, #tpu.memory_space<hbm>>
        tpu.enqueue_dma source(%dma_start3A_350 : memref<128xi32, #tpu.memory_space<hbm>>) target(%dma_start3A_349 : memref<128xi32, #tpu.memory_space<vmem>>) target_semaphore(%arg15 : memref<!tpu.dma_semaphore, #tpu.memory_space<semaphore_mem>>)
      } else {
      }
      %dma_start3A_275 = arith.constant 1 : i32
      %dma_start3A_276 = arith.constant 1 : i32
      %dma_start3A_277 = arith.constant 0 : i32
      %dma_start3A_278 = arith.constant 0 : i32
      %dma_start3A_279 = tpu.memref_slice %arg13[%dma_start3A_275, %dma_start3A_277, %dma_start3A_278] : memref<2x128x64xf32, #tpu.memory_space<vmem>> -> memref<1x128x64xf32, #tpu.memory_space<vmem>>
      %dma_start3A_280 = tpu.memref_squeeze %dma_start3A_279 : memref<1x128x64xf32, #tpu.memory_space<vmem>> -> memref<128x64xf32, #tpu.memory_space<vmem>>
      %dma_start3A_281 = arith.constant 0 : i32
      %dma_start3A_282 = tpu.memref_slice %arg10[%dma_start3A_276, %dma_start3A_281] : memref<2x128xi32, #tpu.memory_space<vmem>> -> memref<1x128xi32, #tpu.memory_space<vmem>>
      %dma_start3A_283 = tpu.memref_squeeze %dma_start3A_282 : memref<1x128xi32, #tpu.memory_space<vmem>> -> memref<128xi32, #tpu.memory_space<vmem>>
      %dma_start3A_284 = arith.constant 0 : i32
      %dma_start3A_285 = arith.constant 0 : i32
      %dma_start3A_286 = tpu.memref_slice %arg14[%dma_start3A_284, %dma_start3A_285] : memref<10112x64xf32, #tpu.memory_space<vmem_shared>> -> memref<10112x64xf32, #tpu.memory_space<vmem_shared>>
      tpu.enqueue_indirect_dma source(%dma_start3A_280 : memref<128x64xf32, #tpu.memory_space<vmem>>) target(%dma_start3A_286 : memref<10112x64xf32, #tpu.memory_space<vmem_shared>>) offsets(%dma_start3A_283 : memref<128xi32, #tpu.memory_space<vmem>>) semaphore(%arg18 : memref<!tpu.dma_semaphore, #tpu.memory_space<semaphore_mem>>) {add = true}
    }
    %scan3A_65 = arith.constant 80 : i32
    %dma_wait3A = arith.constant 1 : i32
    %dma_wait3A_66 = arith.constant 1 : i32
    %dma_wait3A_67 = arith.constant 0 : i32
    %dma_wait3A_68 = arith.constant 0 : i32
    %dma_wait3A_69 = tpu.memref_slice %arg13[%dma_wait3A, %dma_wait3A_67, %dma_wait3A_68] : memref<2x128x64xf32, #tpu.memory_space<vmem>> -> memref<1x128x64xf32, #tpu.memory_space<vmem>>
    %dma_wait3A_70 = tpu.memref_squeeze %dma_wait3A_69 : memref<1x128x64xf32, #tpu.memory_space<vmem>> -> memref<128x64xf32, #tpu.memory_space<vmem>>
    %dma_wait3A_71 = arith.constant 0 : i32
    %dma_wait3A_72 = tpu.memref_slice %arg10[%dma_wait3A_66, %dma_wait3A_71] : memref<2x128xi32, #tpu.memory_space<vmem>> -> memref<1x128xi32, #tpu.memory_space<vmem>>
    %dma_wait3A_73 = tpu.memref_squeeze %dma_wait3A_72 : memref<1x128xi32, #tpu.memory_space<vmem>> -> memref<128xi32, #tpu.memory_space<vmem>>
    %dma_wait3A_74 = arith.constant 0 : i32
    %dma_wait3A_75 = arith.constant 0 : i32
    %dma_wait3A_76 = tpu.memref_slice %arg14[%dma_wait3A_74, %dma_wait3A_75] : memref<10112x64xf32, #tpu.memory_space<vmem_shared>> -> memref<10112x64xf32, #tpu.memory_space<vmem_shared>>
    tpu.wait_indirect_dma semaphore(%arg18 : memref<!tpu.dma_semaphore, #tpu.memory_space<semaphore_mem>>) src(%dma_wait3A_70 : memref<128x64xf32, #tpu.memory_space<vmem>>) dst(%dma_wait3A_76 : memref<10112x64xf32, #tpu.memory_space<vmem_shared>>)
    %barrier3A_77 = arith.constant 0 : index
    tpu.barrier barrier_id(%barrier3A_77)
    %mul3A_78 = arith.constant 10112 : i32
    %mul3A_79 = arith.muli %arg0, %mul3A_78 : i32
    %mul3A_80 = arith.constant 632 : i32
    %mul3A_81 = arith.muli %arg1, %mul3A_80 : i32
    %add3A_82 = arith.addi %mul3A_79, %mul3A_81 : i32
    %multiple_of3A_83 = tpu.assume_multiple %add3A_82, 8 : i32
    "tpu.region"() ({
      %run_scoped3A = tpu.sem_alloc : memref<!tpu.dma_semaphore, #tpu.memory_space<semaphore_mem>>
      %dma_start3A_84 = arith.constant 0 : i32
      %dma_start3A_85 = tpu.memref_slice %arg8[%multiple_of3A_83, %dma_start3A_84] : memref<20224x64xf32, #tpu.memory_space<hbm>> -> memref<632x64xf32, #tpu.memory_space<hbm>>
      %dma_start3A_86 = arith.constant 0 : i32
      %dma_start3A_87 = tpu.memref_slice %arg14[%multiple_of3A, %dma_start3A_86] : memref<10112x64xf32, #tpu.memory_space<vmem_shared>> -> memref<632x64xf32, #tpu.memory_space<vmem_shared>>
      tpu.enqueue_dma source(%dma_start3A_87 : memref<632x64xf32, #tpu.memory_space<vmem_shared>>) target(%dma_start3A_85 : memref<632x64xf32, #tpu.memory_space<hbm>>) target_semaphore(%run_scoped3A : memref<!tpu.dma_semaphore, #tpu.memory_space<semaphore_mem>>)
      %dma_wait3A_88 = arith.constant 0 : i32
      %dma_wait3A_89 = tpu.memref_slice %arg8[%multiple_of3A_83, %dma_wait3A_88] : memref<20224x64xf32, #tpu.memory_space<hbm>> -> memref<632x64xf32, #tpu.memory_space<hbm>>
      %dma_wait3A_90 = arith.constant 0 : i32
      %dma_wait3A_91 = tpu.memref_slice %arg14[%multiple_of3A, %dma_wait3A_90] : memref<10112x64xf32, #tpu.memory_space<vmem_shared>> -> memref<632x64xf32, #tpu.memory_space<vmem_shared>>
      tpu.wait_dma2 semaphore(%run_scoped3A : memref<!tpu.dma_semaphore, #tpu.memory_space<semaphore_mem>>) src(%dma_wait3A_91 : memref<632x64xf32, #tpu.memory_space<vmem_shared>>) dst(%dma_wait3A_89 : memref<632x64xf32, #tpu.memory_space<hbm>>)
      tpu.yield
    }) : () -> ()
    return
  }
}

module attributes {stable_mosaic.version = 14 : i64} {
  func.func @_xw_body(%arg0: memref<10000x128xf32, #tpu.memory_space<vmem>>, %arg1: memref<128x128xf32, #tpu.memory_space<vmem>>, %arg2: memref<20000x64xf32, #tpu.memory_space<vmem>>) attributes {dimension_semantics = [], scalar_prefetch = 0 : i64, scratch_operands = 0 : i64, tpu.core_type = #tpu.core_type<tc>} {
    %get3A = arith.constant 0 : index
    %get3A_0 = arith.constant 0 : index
    %get3A_1 = vector.load %arg0[%get3A, %get3A_0] : memref<10000x128xf32, #tpu.memory_space<vmem>>, vector<10000x128xf32>
    %get3A_2 = arith.constant 0 : index
    %get3A_3 = arith.constant 0 : index
    %get3A_4 = vector.load %arg1[%get3A_2, %get3A_3] : memref<128x128xf32, #tpu.memory_space<vmem>>, vector<128x128xf32>
    %dot_general3A = arith.constant dense<0.000000e+00> : vector<10000x128xf32>
    %dot_general3A_5 = tpu.matmul %get3A_1, %get3A_4, %dot_general3A {dimension_numbers = #tpu.dot_dimension_numbers<[1], [0], [0], [1], [0, 0, 1, 1], [], []>, transpose_lhs_hint = false} : vector<10000x128xf32>, vector<128x128xf32>, vector<10000x128xf32> -> vector<10000x128xf32>
    %slice3A = vector.extract_strided_slice %dot_general3A_5 {offsets = [0, 0], sizes = [10000, 64], strides = [1, 1]} : vector<10000x128xf32> to vector<10000x64xf32>
    %swap3A = arith.constant 0 : index
    %swap3A_6 = arith.constant 0 : index
    %swap3A_7 = vector.load %arg2[%swap3A, %swap3A_6] : memref<20000x64xf32, #tpu.memory_space<vmem>>, vector<10000x64xf32>
    tpu.vector_store %arg2[%swap3A, %swap3A_6], %slice3A {strides = array<i32>} : memref<20000x64xf32, #tpu.memory_space<vmem>>, vector<10000x64xf32>,
    %slice3A_8 = vector.extract_strided_slice %dot_general3A_5 {offsets = [0, 64], sizes = [10000, 64], strides = [1, 1]} : vector<10000x128xf32> to vector<10000x64xf32>
    %swap3A_9 = arith.constant 10000 : index
    %swap3A_10 = arith.constant 0 : index
    %swap3A_11 = vector.load %arg2[%swap3A_9, %swap3A_10] : memref<20000x64xf32, #tpu.memory_space<vmem>>, vector<10000x64xf32>
    tpu.vector_store %arg2[%swap3A_9, %swap3A_10], %slice3A_8 {strides = array<i32>} : memref<20000x64xf32, #tpu.memory_space<vmem>>, vector<10000x64xf32>,
    return
  }
}

module attributes {stable_mosaic.version = 14 : i64} {
  func.func @_ew_body(%arg0: i32, %arg1: memref<4096x16xf32, #tpu.memory_space<vmem>>, %arg2: memref<16x128xf32, #tpu.memory_space<vmem>>, %arg3: memref<1x128xf32, #tpu.memory_space<vmem>>, %arg4: memref<2048x128xf32, #tpu.memory_space<vmem>>, %arg5: memref<2048x128xf32, #tpu.memory_space<vmem>>) attributes {dimension_semantics = [#tpu.dimension_semantics<arbitrary>], iteration_bounds = array<i64: 79>, scalar_prefetch = 0 : i64, scratch_operands = 0 : i64, tpu.core_type = #tpu.core_type<tc>, window_params = [{transform_indices = @transform_0, window_bounds = array<i64: 4096, 16>}, {pipeline_mode = #tpu.pipeline_mode<synchronous>, transform_indices = @transform_1, window_bounds = array<i64: 16, 128>}, {pipeline_mode = #tpu.pipeline_mode<synchronous>, transform_indices = @transform_2, window_bounds = array<i64: 1, 128>}, {transform_indices = @transform_3, window_bounds = array<i64: 2048, 128>}, {transform_indices = @transform_4, window_bounds = array<i64: 2048, 128>}]} {
    %get3A = arith.constant 0 : index
    %get3A_0 = arith.constant 0 : index
    %get3A_1 = vector.load %arg1[%get3A, %get3A_0] : memref<4096x16xf32, #tpu.memory_space<vmem>>, vector<4096x16xf32>
    %get3A_2 = arith.constant 0 : index
    %get3A_3 = arith.constant 0 : index
    %get3A_4 = vector.load %arg2[%get3A_2, %get3A_3] : memref<16x128xf32, #tpu.memory_space<vmem>>, vector<16x128xf32>
    %dot_general3A = arith.constant dense<0.000000e+00> : vector<4096x128xf32>
    %dot_general3A_5 = tpu.matmul %get3A_1, %get3A_4, %dot_general3A {dimension_numbers = #tpu.dot_dimension_numbers<[1], [0], [0], [1], [0, 0, 1, 1], [], []>, transpose_lhs_hint = false} : vector<4096x16xf32>, vector<16x128xf32>, vector<4096x128xf32> -> vector<4096x128xf32>
    %get3A_6 = arith.constant 0 : index
    %get3A_7 = arith.constant 0 : index
    %get3A_8 = vector.load %arg3[%get3A_6, %get3A_7] : memref<1x128xf32, #tpu.memory_space<vmem>>, vector<1x128xf32>
    %add3A = vector.broadcast %get3A_8 : vector<1x128xf32> to vector<4096x128xf32>
    %add3A_9 = arith.addf %dot_general3A_5, %add3A : vector<4096x128xf32>
    %slice3A = vector.extract_strided_slice %add3A_9 {offsets = [0, 0], sizes = [64, 128], strides = [1, 1]} : vector<4096x128xf32> to vector<64x128xf32>
    %slice3A_10 = vector.extract_strided_slice %add3A_9 {offsets = [64, 0], sizes = [64, 128], strides = [1, 1]} : vector<4096x128xf32> to vector<64x128xf32>
    %slice3A_11 = vector.extract_strided_slice %slice3A {offsets = [0, 0], sizes = [64, 64], strides = [1, 1]} : vector<64x128xf32> to vector<64x64xf32>
    %slice3A_12 = vector.extract_strided_slice %slice3A_10 {offsets = [0, 0], sizes = [64, 64], strides = [1, 1]} : vector<64x128xf32> to vector<64x64xf32>
    %concatenate3A = tpu.concatenate %slice3A_11, %slice3A_12 in 1 : vector<64x64xf32>, vector<64x64xf32> -> vector<64x128xf32>
    %swap3A = arith.constant 0 : index
    %swap3A_13 = arith.constant 0 : index
    %swap3A_14 = vector.load %arg4[%swap3A, %swap3A_13] : memref<2048x128xf32, #tpu.memory_space<vmem>>, vector<64x128xf32>
    tpu.vector_store %arg4[%swap3A, %swap3A_13], %concatenate3A {strides = array<i32>} : memref<2048x128xf32, #tpu.memory_space<vmem>>, vector<64x128xf32>,
    %slice3A_15 = vector.extract_strided_slice %slice3A {offsets = [0, 64], sizes = [64, 64], strides = [1, 1]} : vector<64x128xf32> to vector<64x64xf32>
    %slice3A_16 = vector.extract_strided_slice %slice3A_10 {offsets = [0, 64], sizes = [64, 64], strides = [1, 1]} : vector<64x128xf32> to vector<64x64xf32>
    %concatenate3A_17 = tpu.concatenate %slice3A_15, %slice3A_16 in 1 : vector<64x64xf32>, vector<64x64xf32> -> vector<64x128xf32>
    %swap3A_18 = arith.constant 0 : index
    %swap3A_19 = arith.constant 0 : index
    %swap3A_20 = vector.load %arg5[%swap3A_18, %swap3A_19] : memref<2048x128xf32, #tpu.memory_space<vmem>>, vector<64x128xf32>
    tpu.vector_store %arg5[%swap3A_18, %swap3A_19], %concatenate3A_17 {strides = array<i32>} : memref<2048x128xf32, #tpu.memory_space<vmem>>, vector<64x128xf32>,
    %slice3A_21 = vector.extract_strided_slice %add3A_9 {offsets = [128, 0], sizes = [64, 128], strides = [1, 1]} : vector<4096x128xf32> to vector<64x128xf32>
    %slice3A_22 = vector.extract_strided_slice %add3A_9 {offsets = [192, 0], sizes = [64, 128], strides = [1, 1]} : vector<4096x128xf32> to vector<64x128xf32>
    %slice3A_23 = vector.extract_strided_slice %slice3A_21 {offsets = [0, 0], sizes = [64, 64], strides = [1, 1]} : vector<64x128xf32> to vector<64x64xf32>
    %slice3A_24 = vector.extract_strided_slice %slice3A_22 {offsets = [0, 0], sizes = [64, 64], strides = [1, 1]} : vector<64x128xf32> to vector<64x64xf32>
    %concatenate3A_25 = tpu.concatenate %slice3A_23, %slice3A_24 in 1 : vector<64x64xf32>, vector<64x64xf32> -> vector<64x128xf32>
    %swap3A_26 = arith.constant 64 : index
    %swap3A_27 = arith.constant 0 : index
    %swap3A_28 = vector.load %arg4[%swap3A_26, %swap3A_27] : memref<2048x128xf32, #tpu.memory_space<vmem>>, vector<64x128xf32>
    tpu.vector_store %arg4[%swap3A_26, %swap3A_27], %concatenate3A_25 {strides = array<i32>} : memref<2048x128xf32, #tpu.memory_space<vmem>>, vector<64x128xf32>,
    %slice3A_29 = vector.extract_strided_slice %slice3A_21 {offsets = [0, 64], sizes = [64, 64], strides = [1, 1]} : vector<64x128xf32> to vector<64x64xf32>
    %slice3A_30 = vector.extract_strided_slice %slice3A_22 {offsets = [0, 64], sizes = [64, 64], strides = [1, 1]} : vector<64x128xf32> to vector<64x64xf32>
    %concatenate3A_31 = tpu.concatenate %slice3A_29, %slice3A_30 in 1 : vector<64x64xf32>, vector<64x64xf32> -> vector<64x128xf32>
    %swap3A_32 = arith.constant 64 : index
    %swap3A_33 = arith.constant 0 : index
    %swap3A_34 = vector.load %arg5[%swap3A_32, %swap3A_33] : memref<2048x128xf32, #tpu.memory_space<vmem>>, vector<64x128xf32>
    tpu.vector_store %arg5[%swap3A_32, %swap3A_33], %concatenate3A_31 {strides = array<i32>} : memref<2048x128xf32, #tpu.memory_space<vmem>>, vector<64x128xf32>,
    %slice3A_35 = vector.extract_strided_slice %add3A_9 {offsets = [256, 0], sizes = [64, 128], strides = [1, 1]} : vector<4096x128xf32> to vector<64x128xf32>
    %slice3A_36 = vector.extract_strided_slice %add3A_9 {offsets = [320, 0], sizes = [64, 128], strides = [1, 1]} : vector<4096x128xf32> to vector<64x128xf32>
    %slice3A_37 = vector.extract_strided_slice %slice3A_35 {offsets = [0, 0], sizes = [64, 64], strides = [1, 1]} : vector<64x128xf32> to vector<64x64xf32>
    %slice3A_38 = vector.extract_strided_slice %slice3A_36 {offsets = [0, 0], sizes = [64, 64], strides = [1, 1]} : vector<64x128xf32> to vector<64x64xf32>
    %concatenate3A_39 = tpu.concatenate %slice3A_37, %slice3A_38 in 1 : vector<64x64xf32>, vector<64x64xf32> -> vector<64x128xf32>
    %swap3A_40 = arith.constant 128 : index
    %swap3A_41 = arith.constant 0 : index
    %swap3A_42 = vector.load %arg4[%swap3A_40, %swap3A_41] : memref<2048x128xf32, #tpu.memory_space<vmem>>, vector<64x128xf32>
    tpu.vector_store %arg4[%swap3A_40, %swap3A_41], %concatenate3A_39 {strides = array<i32>} : memref<2048x128xf32, #tpu.memory_space<vmem>>, vector<64x128xf32>,
    %slice3A_43 = vector.extract_strided_slice %slice3A_35 {offsets = [0, 64], sizes = [64, 64], strides = [1, 1]} : vector<64x128xf32> to vector<64x64xf32>
    %slice3A_44 = vector.extract_strided_slice %slice3A_36 {offsets = [0, 64], sizes = [64, 64], strides = [1, 1]} : vector<64x128xf32> to vector<64x64xf32>
    %concatenate3A_45 = tpu.concatenate %slice3A_43, %slice3A_44 in 1 : vector<64x64xf32>, vector<64x64xf32> -> vector<64x128xf32>
    %swap3A_46 = arith.constant 128 : index
    %swap3A_47 = arith.constant 0 : index
    %swap3A_48 = vector.load %arg5[%swap3A_46, %swap3A_47] : memref<2048x128xf32, #tpu.memory_space<vmem>>, vector<64x128xf32>
    tpu.vector_store %arg5[%swap3A_46, %swap3A_47], %concatenate3A_45 {strides = array<i32>} : memref<2048x128xf32, #tpu.memory_space<vmem>>, vector<64x128xf32>,
    %slice3A_49 = vector.extract_strided_slice %add3A_9 {offsets = [384, 0], sizes = [64, 128], strides = [1, 1]} : vector<4096x128xf32> to vector<64x128xf32>
    %slice3A_50 = vector.extract_strided_slice %add3A_9 {offsets = [448, 0], sizes = [64, 128], strides = [1, 1]} : vector<4096x128xf32> to vector<64x128xf32>
    %slice3A_51 = vector.extract_strided_slice %slice3A_49 {offsets = [0, 0], sizes = [64, 64], strides = [1, 1]} : vector<64x128xf32> to vector<64x64xf32>
    %slice3A_52 = vector.extract_strided_slice %slice3A_50 {offsets = [0, 0], sizes = [64, 64], strides = [1, 1]} : vector<64x128xf32> to vector<64x64xf32>
    %concatenate3A_53 = tpu.concatenate %slice3A_51, %slice3A_52 in 1 : vector<64x64xf32>, vector<64x64xf32> -> vector<64x128xf32>
    %swap3A_54 = arith.constant 192 : index
    %swap3A_55 = arith.constant 0 : index
    %swap3A_56 = vector.load %arg4[%swap3A_54, %swap3A_55] : memref<2048x128xf32, #tpu.memory_space<vmem>>, vector<64x128xf32>
    tpu.vector_store %arg4[%swap3A_54, %swap3A_55], %concatenate3A_53 {strides = array<i32>} : memref<2048x128xf32, #tpu.memory_space<vmem>>, vector<64x128xf32>,
    %slice3A_57 = vector.extract_strided_slice %slice3A_49 {offsets = [0, 64], sizes = [64, 64], strides = [1, 1]} : vector<64x128xf32> to vector<64x64xf32>
    %slice3A_58 = vector.extract_strided_slice %slice3A_50 {offsets = [0, 64], sizes = [64, 64], strides = [1, 1]} : vector<64x128xf32> to vector<64x64xf32>
    %concatenate3A_59 = tpu.concatenate %slice3A_57, %slice3A_58 in 1 : vector<64x64xf32>, vector<64x64xf32> -> vector<64x128xf32>
    %swap3A_60 = arith.constant 192 : index
    %swap3A_61 = arith.constant 0 : index
    %swap3A_62 = vector.load %arg5[%swap3A_60, %swap3A_61] : memref<2048x128xf32, #tpu.memory_space<vmem>>, vector<64x128xf32>
    tpu.vector_store %arg5[%swap3A_60, %swap3A_61], %concatenate3A_59 {strides = array<i32>} : memref<2048x128xf32, #tpu.memory_space<vmem>>, vector<64x128xf32>,
    %slice3A_63 = vector.extract_strided_slice %add3A_9 {offsets = [512, 0], sizes = [64, 128], strides = [1, 1]} : vector<4096x128xf32> to vector<64x128xf32>
    %slice3A_64 = vector.extract_strided_slice %add3A_9 {offsets = [576, 0], sizes = [64, 128], strides = [1, 1]} : vector<4096x128xf32> to vector<64x128xf32>
    %slice3A_65 = vector.extract_strided_slice %slice3A_63 {offsets = [0, 0], sizes = [64, 64], strides = [1, 1]} : vector<64x128xf32> to vector<64x64xf32>
    %slice3A_66 = vector.extract_strided_slice %slice3A_64 {offsets = [0, 0], sizes = [64, 64], strides = [1, 1]} : vector<64x128xf32> to vector<64x64xf32>
    %concatenate3A_67 = tpu.concatenate %slice3A_65, %slice3A_66 in 1 : vector<64x64xf32>, vector<64x64xf32> -> vector<64x128xf32>
    %swap3A_68 = arith.constant 256 : index
    %swap3A_69 = arith.constant 0 : index
    %swap3A_70 = vector.load %arg4[%swap3A_68, %swap3A_69] : memref<2048x128xf32, #tpu.memory_space<vmem>>, vector<64x128xf32>
    tpu.vector_store %arg4[%swap3A_68, %swap3A_69], %concatenate3A_67 {strides = array<i32>} : memref<2048x128xf32, #tpu.memory_space<vmem>>, vector<64x128xf32>,
    %slice3A_71 = vector.extract_strided_slice %slice3A_63 {offsets = [0, 64], sizes = [64, 64], strides = [1, 1]} : vector<64x128xf32> to vector<64x64xf32>
    %slice3A_72 = vector.extract_strided_slice %slice3A_64 {offsets = [0, 64], sizes = [64, 64], strides = [1, 1]} : vector<64x128xf32> to vector<64x64xf32>
    %concatenate3A_73 = tpu.concatenate %slice3A_71, %slice3A_72 in 1 : vector<64x64xf32>, vector<64x64xf32> -> vector<64x128xf32>
    %swap3A_74 = arith.constant 256 : index
    %swap3A_75 = arith.constant 0 : index
    %swap3A_76 = vector.load %arg5[%swap3A_74, %swap3A_75] : memref<2048x128xf32, #tpu.memory_space<vmem>>, vector<64x128xf32>
    tpu.vector_store %arg5[%swap3A_74, %swap3A_75], %concatenate3A_73 {strides = array<i32>} : memref<2048x128xf32, #tpu.memory_space<vmem>>, vector<64x128xf32>,
    %slice3A_77 = vector.extract_strided_slice %add3A_9 {offsets = [640, 0], sizes = [64, 128], strides = [1, 1]} : vector<4096x128xf32> to vector<64x128xf32>
    %slice3A_78 = vector.extract_strided_slice %add3A_9 {offsets = [704, 0], sizes = [64, 128], strides = [1, 1]} : vector<4096x128xf32> to vector<64x128xf32>
    %slice3A_79 = vector.extract_strided_slice %slice3A_77 {offsets = [0, 0], sizes = [64, 64], strides = [1, 1]} : vector<64x128xf32> to vector<64x64xf32>
    %slice3A_80 = vector.extract_strided_slice %slice3A_78 {offsets = [0, 0], sizes = [64, 64], strides = [1, 1]} : vector<64x128xf32> to vector<64x64xf32>
    %concatenate3A_81 = tpu.concatenate %slice3A_79, %slice3A_80 in 1 : vector<64x64xf32>, vector<64x64xf32> -> vector<64x128xf32>
    %swap3A_82 = arith.constant 320 : index
    %swap3A_83 = arith.constant 0 : index
    %swap3A_84 = vector.load %arg4[%swap3A_82, %swap3A_83] : memref<2048x128xf32, #tpu.memory_space<vmem>>, vector<64x128xf32>
    tpu.vector_store %arg4[%swap3A_82, %swap3A_83], %concatenate3A_81 {strides = array<i32>} : memref<2048x128xf32, #tpu.memory_space<vmem>>, vector<64x128xf32>,
    %slice3A_85 = vector.extract_strided_slice %slice3A_77 {offsets = [0, 64], sizes = [64, 64], strides = [1, 1]} : vector<64x128xf32> to vector<64x64xf32>
    %slice3A_86 = vector.extract_strided_slice %slice3A_78 {offsets = [0, 64], sizes = [64, 64], strides = [1, 1]} : vector<64x128xf32> to vector<64x64xf32>
    %concatenate3A_87 = tpu.concatenate %slice3A_85, %slice3A_86 in 1 : vector<64x64xf32>, vector<64x64xf32> -> vector<64x128xf32>
    %swap3A_88 = arith.constant 320 : index
    %swap3A_89 = arith.constant 0 : index
    %swap3A_90 = vector.load %arg5[%swap3A_88, %swap3A_89] : memref<2048x128xf32, #tpu.memory_space<vmem>>, vector<64x128xf32>
    tpu.vector_store %arg5[%swap3A_88, %swap3A_89], %concatenate3A_87 {strides = array<i32>} : memref<2048x128xf32, #tpu.memory_space<vmem>>, vector<64x128xf32>,
    %slice3A_91 = vector.extract_strided_slice %add3A_9 {offsets = [768, 0], sizes = [64, 128], strides = [1, 1]} : vector<4096x128xf32> to vector<64x128xf32>
    %slice3A_92 = vector.extract_strided_slice %add3A_9 {offsets = [832, 0], sizes = [64, 128], strides = [1, 1]} : vector<4096x128xf32> to vector<64x128xf32>
    %slice3A_93 = vector.extract_strided_slice %slice3A_91 {offsets = [0, 0], sizes = [64, 64], strides = [1, 1]} : vector<64x128xf32> to vector<64x64xf32>
    %slice3A_94 = vector.extract_strided_slice %slice3A_92 {offsets = [0, 0], sizes = [64, 64], strides = [1, 1]} : vector<64x128xf32> to vector<64x64xf32>
    %concatenate3A_95 = tpu.concatenate %slice3A_93, %slice3A_94 in 1 : vector<64x64xf32>, vector<64x64xf32> -> vector<64x128xf32>
    %swap3A_96 = arith.constant 384 : index
    %swap3A_97 = arith.constant 0 : index
    %swap3A_98 = vector.load %arg4[%swap3A_96, %swap3A_97] : memref<2048x128xf32, #tpu.memory_space<vmem>>, vector<64x128xf32>
    tpu.vector_store %arg4[%swap3A_96, %swap3A_97], %concatenate3A_95 {strides = array<i32>} : memref<2048x128xf32, #tpu.memory_space<vmem>>, vector<64x128xf32>,
    %slice3A_99 = vector.extract_strided_slice %slice3A_91 {offsets = [0, 64], sizes = [64, 64], strides = [1, 1]} : vector<64x128xf32> to vector<64x64xf32>
    %slice3A_100 = vector.extract_strided_slice %slice3A_92 {offsets = [0, 64], sizes = [64, 64], strides = [1, 1]} : vector<64x128xf32> to vector<64x64xf32>
    %concatenate3A_101 = tpu.concatenate %slice3A_99, %slice3A_100 in 1 : vector<64x64xf32>, vector<64x64xf32> -> vector<64x128xf32>
    %swap3A_102 = arith.constant 384 : index
    %swap3A_103 = arith.constant 0 : index
    %swap3A_104 = vector.load %arg5[%swap3A_102, %swap3A_103] : memref<2048x128xf32, #tpu.memory_space<vmem>>, vector<64x128xf32>
    tpu.vector_store %arg5[%swap3A_102, %swap3A_103], %concatenate3A_101 {strides = array<i32>} : memref<2048x128xf32, #tpu.memory_space<vmem>>, vector<64x128xf32>,
    %slice3A_105 = vector.extract_strided_slice %add3A_9 {offsets = [896, 0], sizes = [64, 128], strides = [1, 1]} : vector<4096x128xf32> to vector<64x128xf32>
    %slice3A_106 = vector.extract_strided_slice %add3A_9 {offsets = [960, 0], sizes = [64, 128], strides = [1, 1]} : vector<4096x128xf32> to vector<64x128xf32>
    %slice3A_107 = vector.extract_strided_slice %slice3A_105 {offsets = [0, 0], sizes = [64, 64], strides = [1, 1]} : vector<64x128xf32> to vector<64x64xf32>
    %slice3A_108 = vector.extract_strided_slice %slice3A_106 {offsets = [0, 0], sizes = [64, 64], strides = [1, 1]} : vector<64x128xf32> to vector<64x64xf32>
    %concatenate3A_109 = tpu.concatenate %slice3A_107, %slice3A_108 in 1 : vector<64x64xf32>, vector<64x64xf32> -> vector<64x128xf32>
    %swap3A_110 = arith.constant 448 : index
    %swap3A_111 = arith.constant 0 : index
    %swap3A_112 = vector.load %arg4[%swap3A_110, %swap3A_111] : memref<2048x128xf32, #tpu.memory_space<vmem>>, vector<64x128xf32>
    tpu.vector_store %arg4[%swap3A_110, %swap3A_111], %concatenate3A_109 {strides = array<i32>} : memref<2048x128xf32, #tpu.memory_space<vmem>>, vector<64x128xf32>,
    %slice3A_113 = vector.extract_strided_slice %slice3A_105 {offsets = [0, 64], sizes = [64, 64], strides = [1, 1]} : vector<64x128xf32> to vector<64x64xf32>
    %slice3A_114 = vector.extract_strided_slice %slice3A_106 {offsets = [0, 64], sizes = [64, 64], strides = [1, 1]} : vector<64x128xf32> to vector<64x64xf32>
    %concatenate3A_115 = tpu.concatenate %slice3A_113, %slice3A_114 in 1 : vector<64x64xf32>, vector<64x64xf32> -> vector<64x128xf32>
    %swap3A_116 = arith.constant 448 : index
    %swap3A_117 = arith.constant 0 : index
    %swap3A_118 = vector.load %arg5[%swap3A_116, %swap3A_117] : memref<2048x128xf32, #tpu.memory_space<vmem>>, vector<64x128xf32>
    tpu.vector_store %arg5[%swap3A_116, %swap3A_117], %concatenate3A_115 {strides = array<i32>} : memref<2048x128xf32, #tpu.memory_space<vmem>>, vector<64x128xf32>,
    %slice3A_119 = vector.extract_strided_slice %add3A_9 {offsets = [1024, 0], sizes = [64, 128], strides = [1, 1]} : vector<4096x128xf32> to vector<64x128xf32>
    %slice3A_120 = vector.extract_strided_slice %add3A_9 {offsets = [1088, 0], sizes = [64, 128], strides = [1, 1]} : vector<4096x128xf32> to vector<64x128xf32>
    %slice3A_121 = vector.extract_strided_slice %slice3A_119 {offsets = [0, 0], sizes = [64, 64], strides = [1, 1]} : vector<64x128xf32> to vector<64x64xf32>
    %slice3A_122 = vector.extract_strided_slice %slice3A_120 {offsets = [0, 0], sizes = [64, 64], strides = [1, 1]} : vector<64x128xf32> to vector<64x64xf32>
    %concatenate3A_123 = tpu.concatenate %slice3A_121, %slice3A_122 in 1 : vector<64x64xf32>, vector<64x64xf32> -> vector<64x128xf32>
    %swap3A_124 = arith.constant 512 : index
    %swap3A_125 = arith.constant 0 : index
    %swap3A_126 = vector.load %arg4[%swap3A_124, %swap3A_125] : memref<2048x128xf32, #tpu.memory_space<vmem>>, vector<64x128xf32>
    tpu.vector_store %arg4[%swap3A_124, %swap3A_125], %concatenate3A_123 {strides = array<i32>} : memref<2048x128xf32, #tpu.memory_space<vmem>>, vector<64x128xf32>,
    %slice3A_127 = vector.extract_strided_slice %slice3A_119 {offsets = [0, 64], sizes = [64, 64], strides = [1, 1]} : vector<64x128xf32> to vector<64x64xf32>
    %slice3A_128 = vector.extract_strided_slice %slice3A_120 {offsets = [0, 64], sizes = [64, 64], strides = [1, 1]} : vector<64x128xf32> to vector<64x64xf32>
    %concatenate3A_129 = tpu.concatenate %slice3A_127, %slice3A_128 in 1 : vector<64x64xf32>, vector<64x64xf32> -> vector<64x128xf32>
    %swap3A_130 = arith.constant 512 : index
    %swap3A_131 = arith.constant 0 : index
    %swap3A_132 = vector.load %arg5[%swap3A_130, %swap3A_131] : memref<2048x128xf32, #tpu.memory_space<vmem>>, vector<64x128xf32>
    tpu.vector_store %arg5[%swap3A_130, %swap3A_131], %concatenate3A_129 {strides = array<i32>} : memref<2048x128xf32, #tpu.memory_space<vmem>>, vector<64x128xf32>,
    %slice3A_133 = vector.extract_strided_slice %add3A_9 {offsets = [1152, 0], sizes = [64, 128], strides = [1, 1]} : vector<4096x128xf32> to vector<64x128xf32>
    %slice3A_134 = vector.extract_strided_slice %add3A_9 {offsets = [1216, 0], sizes = [64, 128], strides = [1, 1]} : vector<4096x128xf32> to vector<64x128xf32>
    %slice3A_135 = vector.extract_strided_slice %slice3A_133 {offsets = [0, 0], sizes = [64, 64], strides = [1, 1]} : vector<64x128xf32> to vector<64x64xf32>
    %slice3A_136 = vector.extract_strided_slice %slice3A_134 {offsets = [0, 0], sizes = [64, 64], strides = [1, 1]} : vector<64x128xf32> to vector<64x64xf32>
    %concatenate3A_137 = tpu.concatenate %slice3A_135, %slice3A_136 in 1 : vector<64x64xf32>, vector<64x64xf32> -> vector<64x128xf32>
    %swap3A_138 = arith.constant 576 : index
    %swap3A_139 = arith.constant 0 : index
    %swap3A_140 = vector.load %arg4[%swap3A_138, %swap3A_139] : memref<2048x128xf32, #tpu.memory_space<vmem>>, vector<64x128xf32>
    tpu.vector_store %arg4[%swap3A_138, %swap3A_139], %concatenate3A_137 {strides = array<i32>} : memref<2048x128xf32, #tpu.memory_space<vmem>>, vector<64x128xf32>,
    %slice3A_141 = vector.extract_strided_slice %slice3A_133 {offsets = [0, 64], sizes = [64, 64], strides = [1, 1]} : vector<64x128xf32> to vector<64x64xf32>
    %slice3A_142 = vector.extract_strided_slice %slice3A_134 {offsets = [0, 64], sizes = [64, 64], strides = [1, 1]} : vector<64x128xf32> to vector<64x64xf32>
    %concatenate3A_143 = tpu.concatenate %slice3A_141, %slice3A_142 in 1 : vector<64x64xf32>, vector<64x64xf32> -> vector<64x128xf32>
    %swap3A_144 = arith.constant 576 : index
    %swap3A_145 = arith.constant 0 : index
    %swap3A_146 = vector.load %arg5[%swap3A_144, %swap3A_145] : memref<2048x128xf32, #tpu.memory_space<vmem>>, vector<64x128xf32>
    tpu.vector_store %arg5[%swap3A_144, %swap3A_145], %concatenate3A_143 {strides = array<i32>} : memref<2048x128xf32, #tpu.memory_space<vmem>>, vector<64x128xf32>,
    %slice3A_147 = vector.extract_strided_slice %add3A_9 {offsets = [1280, 0], sizes = [64, 128], strides = [1, 1]} : vector<4096x128xf32> to vector<64x128xf32>
    %slice3A_148 = vector.extract_strided_slice %add3A_9 {offsets = [1344, 0], sizes = [64, 128], strides = [1, 1]} : vector<4096x128xf32> to vector<64x128xf32>
    %slice3A_149 = vector.extract_strided_slice %slice3A_147 {offsets = [0, 0], sizes = [64, 64], strides = [1, 1]} : vector<64x128xf32> to vector<64x64xf32>
    %slice3A_150 = vector.extract_strided_slice %slice3A_148 {offsets = [0, 0], sizes = [64, 64], strides = [1, 1]} : vector<64x128xf32> to vector<64x64xf32>
    %concatenate3A_151 = tpu.concatenate %slice3A_149, %slice3A_150 in 1 : vector<64x64xf32>, vector<64x64xf32> -> vector<64x128xf32>
    %swap3A_152 = arith.constant 640 : index
    %swap3A_153 = arith.constant 0 : index
    %swap3A_154 = vector.load %arg4[%swap3A_152, %swap3A_153] : memref<2048x128xf32, #tpu.memory_space<vmem>>, vector<64x128xf32>
    tpu.vector_store %arg4[%swap3A_152, %swap3A_153], %concatenate3A_151 {strides = array<i32>} : memref<2048x128xf32, #tpu.memory_space<vmem>>, vector<64x128xf32>,
    %slice3A_155 = vector.extract_strided_slice %slice3A_147 {offsets = [0, 64], sizes = [64, 64], strides = [1, 1]} : vector<64x128xf32> to vector<64x64xf32>
    %slice3A_156 = vector.extract_strided_slice %slice3A_148 {offsets = [0, 64], sizes = [64, 64], strides = [1, 1]} : vector<64x128xf32> to vector<64x64xf32>
    %concatenate3A_157 = tpu.concatenate %slice3A_155, %slice3A_156 in 1 : vector<64x64xf32>, vector<64x64xf32> -> vector<64x128xf32>
    %swap3A_158 = arith.constant 640 : index
    %swap3A_159 = arith.constant 0 : index
    %swap3A_160 = vector.load %arg5[%swap3A_158, %swap3A_159] : memref<2048x128xf32, #tpu.memory_space<vmem>>, vector<64x128xf32>
    tpu.vector_store %arg5[%swap3A_158, %swap3A_159], %concatenate3A_157 {strides = array<i32>} : memref<2048x128xf32, #tpu.memory_space<vmem>>, vector<64x128xf32>,
    %slice3A_161 = vector.extract_strided_slice %add3A_9 {offsets = [1408, 0], sizes = [64, 128], strides = [1, 1]} : vector<4096x128xf32> to vector<64x128xf32>
    %slice3A_162 = vector.extract_strided_slice %add3A_9 {offsets = [1472, 0], sizes = [64, 128], strides = [1, 1]} : vector<4096x128xf32> to vector<64x128xf32>
    %slice3A_163 = vector.extract_strided_slice %slice3A_161 {offsets = [0, 0], sizes = [64, 64], strides = [1, 1]} : vector<64x128xf32> to vector<64x64xf32>
    %slice3A_164 = vector.extract_strided_slice %slice3A_162 {offsets = [0, 0], sizes = [64, 64], strides = [1, 1]} : vector<64x128xf32> to vector<64x64xf32>
    %concatenate3A_165 = tpu.concatenate %slice3A_163, %slice3A_164 in 1 : vector<64x64xf32>, vector<64x64xf32> -> vector<64x128xf32>
    %swap3A_166 = arith.constant 704 : index
    %swap3A_167 = arith.constant 0 : index
    %swap3A_168 = vector.load %arg4[%swap3A_166, %swap3A_167] : memref<2048x128xf32, #tpu.memory_space<vmem>>, vector<64x128xf32>
    tpu.vector_store %arg4[%swap3A_166, %swap3A_167], %concatenate3A_165 {strides = array<i32>} : memref<2048x128xf32, #tpu.memory_space<vmem>>, vector<64x128xf32>,
    %slice3A_169 = vector.extract_strided_slice %slice3A_161 {offsets = [0, 64], sizes = [64, 64], strides = [1, 1]} : vector<64x128xf32> to vector<64x64xf32>
    %slice3A_170 = vector.extract_strided_slice %slice3A_162 {offsets = [0, 64], sizes = [64, 64], strides = [1, 1]} : vector<64x128xf32> to vector<64x64xf32>
    %concatenate3A_171 = tpu.concatenate %slice3A_169, %slice3A_170 in 1 : vector<64x64xf32>, vector<64x64xf32> -> vector<64x128xf32>
    %swap3A_172 = arith.constant 704 : index
    %swap3A_173 = arith.constant 0 : index
    %swap3A_174 = vector.load %arg5[%swap3A_172, %swap3A_173] : memref<2048x128xf32, #tpu.memory_space<vmem>>, vector<64x128xf32>
    tpu.vector_store %arg5[%swap3A_172, %swap3A_173], %concatenate3A_171 {strides = array<i32>} : memref<2048x128xf32, #tpu.memory_space<vmem>>, vector<64x128xf32>,
    %slice3A_175 = vector.extract_strided_slice %add3A_9 {offsets = [1536, 0], sizes = [64, 128], strides = [1, 1]} : vector<4096x128xf32> to vector<64x128xf32>
    %slice3A_176 = vector.extract_strided_slice %add3A_9 {offsets = [1600, 0], sizes = [64, 128], strides = [1, 1]} : vector<4096x128xf32> to vector<64x128xf32>
    %slice3A_177 = vector.extract_strided_slice %slice3A_175 {offsets = [0, 0], sizes = [64, 64], strides = [1, 1]} : vector<64x128xf32> to vector<64x64xf32>
    %slice3A_178 = vector.extract_strided_slice %slice3A_176 {offsets = [0, 0], sizes = [64, 64], strides = [1, 1]} : vector<64x128xf32> to vector<64x64xf32>
    %concatenate3A_179 = tpu.concatenate %slice3A_177, %slice3A_178 in 1 : vector<64x64xf32>, vector<64x64xf32> -> vector<64x128xf32>
    %swap3A_180 = arith.constant 768 : index
    %swap3A_181 = arith.constant 0 : index
    %swap3A_182 = vector.load %arg4[%swap3A_180, %swap3A_181] : memref<2048x128xf32, #tpu.memory_space<vmem>>, vector<64x128xf32>
    tpu.vector_store %arg4[%swap3A_180, %swap3A_181], %concatenate3A_179 {strides = array<i32>} : memref<2048x128xf32, #tpu.memory_space<vmem>>, vector<64x128xf32>,
    %slice3A_183 = vector.extract_strided_slice %slice3A_175 {offsets = [0, 64], sizes = [64, 64], strides = [1, 1]} : vector<64x128xf32> to vector<64x64xf32>
    %slice3A_184 = vector.extract_strided_slice %slice3A_176 {offsets = [0, 64], sizes = [64, 64], strides = [1, 1]} : vector<64x128xf32> to vector<64x64xf32>
    %concatenate3A_185 = tpu.concatenate %slice3A_183, %slice3A_184 in 1 : vector<64x64xf32>, vector<64x64xf32> -> vector<64x128xf32>
    %swap3A_186 = arith.constant 768 : index
    %swap3A_187 = arith.constant 0 : index
    %swap3A_188 = vector.load %arg5[%swap3A_186, %swap3A_187] : memref<2048x128xf32, #tpu.memory_space<vmem>>, vector<64x128xf32>
    tpu.vector_store %arg5[%swap3A_186, %swap3A_187], %concatenate3A_185 {strides = array<i32>} : memref<2048x128xf32, #tpu.memory_space<vmem>>, vector<64x128xf32>,
    %slice3A_189 = vector.extract_strided_slice %add3A_9 {offsets = [1664, 0], sizes = [64, 128], strides = [1, 1]} : vector<4096x128xf32> to vector<64x128xf32>
    %slice3A_190 = vector.extract_strided_slice %add3A_9 {offsets = [1728, 0], sizes = [64, 128], strides = [1, 1]} : vector<4096x128xf32> to vector<64x128xf32>
    %slice3A_191 = vector.extract_strided_slice %slice3A_189 {offsets = [0, 0], sizes = [64, 64], strides = [1, 1]} : vector<64x128xf32> to vector<64x64xf32>
    %slice3A_192 = vector.extract_strided_slice %slice3A_190 {offsets = [0, 0], sizes = [64, 64], strides = [1, 1]} : vector<64x128xf32> to vector<64x64xf32>
    %concatenate3A_193 = tpu.concatenate %slice3A_191, %slice3A_192 in 1 : vector<64x64xf32>, vector<64x64xf32> -> vector<64x128xf32>
    %swap3A_194 = arith.constant 832 : index
    %swap3A_195 = arith.constant 0 : index
    %swap3A_196 = vector.load %arg4[%swap3A_194, %swap3A_195] : memref<2048x128xf32, #tpu.memory_space<vmem>>, vector<64x128xf32>
    tpu.vector_store %arg4[%swap3A_194, %swap3A_195], %concatenate3A_193 {strides = array<i32>} : memref<2048x128xf32, #tpu.memory_space<vmem>>, vector<64x128xf32>,
    %slice3A_197 = vector.extract_strided_slice %slice3A_189 {offsets = [0, 64], sizes = [64, 64], strides = [1, 1]} : vector<64x128xf32> to vector<64x64xf32>
    %slice3A_198 = vector.extract_strided_slice %slice3A_190 {offsets = [0, 64], sizes = [64, 64], strides = [1, 1]} : vector<64x128xf32> to vector<64x64xf32>
    %concatenate3A_199 = tpu.concatenate %slice3A_197, %slice3A_198 in 1 : vector<64x64xf32>, vector<64x64xf32> -> vector<64x128xf32>
    %swap3A_200 = arith.constant 832 : index
    %swap3A_201 = arith.constant 0 : index
    %swap3A_202 = vector.load %arg5[%swap3A_200, %swap3A_201] : memref<2048x128xf32, #tpu.memory_space<vmem>>, vector<64x128xf32>
    tpu.vector_store %arg5[%swap3A_200, %swap3A_201], %concatenate3A_199 {strides = array<i32>} : memref<2048x128xf32, #tpu.memory_space<vmem>>, vector<64x128xf32>,
    %slice3A_203 = vector.extract_strided_slice %add3A_9 {offsets = [1792, 0], sizes = [64, 128], strides = [1, 1]} : vector<4096x128xf32> to vector<64x128xf32>
    %slice3A_204 = vector.extract_strided_slice %add3A_9 {offsets = [1856, 0], sizes = [64, 128], strides = [1, 1]} : vector<4096x128xf32> to vector<64x128xf32>
    %slice3A_205 = vector.extract_strided_slice %slice3A_203 {offsets = [0, 0], sizes = [64, 64], strides = [1, 1]} : vector<64x128xf32> to vector<64x64xf32>
    %slice3A_206 = vector.extract_strided_slice %slice3A_204 {offsets = [0, 0], sizes = [64, 64], strides = [1, 1]} : vector<64x128xf32> to vector<64x64xf32>
    %concatenate3A_207 = tpu.concatenate %slice3A_205, %slice3A_206 in 1 : vector<64x64xf32>, vector<64x64xf32> -> vector<64x128xf32>
    %swap3A_208 = arith.constant 896 : index
    %swap3A_209 = arith.constant 0 : index
    %swap3A_210 = vector.load %arg4[%swap3A_208, %swap3A_209] : memref<2048x128xf32, #tpu.memory_space<vmem>>, vector<64x128xf32>
    tpu.vector_store %arg4[%swap3A_208, %swap3A_209], %concatenate3A_207 {strides = array<i32>} : memref<2048x128xf32, #tpu.memory_space<vmem>>, vector<64x128xf32>,
    %slice3A_211 = vector.extract_strided_slice %slice3A_203 {offsets = [0, 64], sizes = [64, 64], strides = [1, 1]} : vector<64x128xf32> to vector<64x64xf32>
    %slice3A_212 = vector.extract_strided_slice %slice3A_204 {offsets = [0, 64], sizes = [64, 64], strides = [1, 1]} : vector<64x128xf32> to vector<64x64xf32>
    %concatenate3A_213 = tpu.concatenate %slice3A_211, %slice3A_212 in 1 : vector<64x64xf32>, vector<64x64xf32> -> vector<64x128xf32>
    %swap3A_214 = arith.constant 896 : index
    %swap3A_215 = arith.constant 0 : index
    %swap3A_216 = vector.load %arg5[%swap3A_214, %swap3A_215] : memref<2048x128xf32, #tpu.memory_space<vmem>>, vector<64x128xf32>
    tpu.vector_store %arg5[%swap3A_214, %swap3A_215], %concatenate3A_213 {strides = array<i32>} : memref<2048x128xf32, #tpu.memory_space<vmem>>, vector<64x128xf32>,
    %slice3A_217 = vector.extract_strided_slice %add3A_9 {offsets = [1920, 0], sizes = [64, 128], strides = [1, 1]} : vector<4096x128xf32> to vector<64x128xf32>
    %slice3A_218 = vector.extract_strided_slice %add3A_9 {offsets = [1984, 0], sizes = [64, 128], strides = [1, 1]} : vector<4096x128xf32> to vector<64x128xf32>
    %slice3A_219 = vector.extract_strided_slice %slice3A_217 {offsets = [0, 0], sizes = [64, 64], strides = [1, 1]} : vector<64x128xf32> to vector<64x64xf32>
    %slice3A_220 = vector.extract_strided_slice %slice3A_218 {offsets = [0, 0], sizes = [64, 64], strides = [1, 1]} : vector<64x128xf32> to vector<64x64xf32>
    %concatenate3A_221 = tpu.concatenate %slice3A_219, %slice3A_220 in 1 : vector<64x64xf32>, vector<64x64xf32> -> vector<64x128xf32>
    %swap3A_222 = arith.constant 960 : index
    %swap3A_223 = arith.constant 0 : index
    %swap3A_224 = vector.load %arg4[%swap3A_222, %swap3A_223] : memref<2048x128xf32, #tpu.memory_space<vmem>>, vector<64x128xf32>
    tpu.vector_store %arg4[%swap3A_222, %swap3A_223], %concatenate3A_221 {strides = array<i32>} : memref<2048x128xf32, #tpu.memory_space<vmem>>, vector<64x128xf32>,
    %slice3A_225 = vector.extract_strided_slice %slice3A_217 {offsets = [0, 64], sizes = [64, 64], strides = [1, 1]} : vector<64x128xf32> to vector<64x64xf32>
    %slice3A_226 = vector.extract_strided_slice %slice3A_218 {offsets = [0, 64], sizes = [64, 64], strides = [1, 1]} : vector<64x128xf32> to vector<64x64xf32>
    %concatenate3A_227 = tpu.concatenate %slice3A_225, %slice3A_226 in 1 : vector<64x64xf32>, vector<64x64xf32> -> vector<64x128xf32>
    %swap3A_228 = arith.constant 960 : index
    %swap3A_229 = arith.constant 0 : index
    %swap3A_230 = vector.load %arg5[%swap3A_228, %swap3A_229] : memref<2048x128xf32, #tpu.memory_space<vmem>>, vector<64x128xf32>
    tpu.vector_store %arg5[%swap3A_228, %swap3A_229], %concatenate3A_227 {strides = array<i32>} : memref<2048x128xf32, #tpu.memory_space<vmem>>, vector<64x128xf32>,
    %slice3A_231 = vector.extract_strided_slice %add3A_9 {offsets = [2048, 0], sizes = [64, 128], strides = [1, 1]} : vector<4096x128xf32> to vector<64x128xf32>
    %slice3A_232 = vector.extract_strided_slice %add3A_9 {offsets = [2112, 0], sizes = [64, 128], strides = [1, 1]} : vector<4096x128xf32> to vector<64x128xf32>
    %slice3A_233 = vector.extract_strided_slice %slice3A_231 {offsets = [0, 0], sizes = [64, 64], strides = [1, 1]} : vector<64x128xf32> to vector<64x64xf32>
    %slice3A_234 = vector.extract_strided_slice %slice3A_232 {offsets = [0, 0], sizes = [64, 64], strides = [1, 1]} : vector<64x128xf32> to vector<64x64xf32>
    %concatenate3A_235 = tpu.concatenate %slice3A_233, %slice3A_234 in 1 : vector<64x64xf32>, vector<64x64xf32> -> vector<64x128xf32>
    %swap3A_236 = arith.constant 1024 : index
    %swap3A_237 = arith.constant 0 : index
    %swap3A_238 = vector.load %arg4[%swap3A_236, %swap3A_237] : memref<2048x128xf32, #tpu.memory_space<vmem>>, vector<64x128xf32>
    tpu.vector_store %arg4[%swap3A_236, %swap3A_237], %concatenate3A_235 {strides = array<i32>} : memref<2048x128xf32, #tpu.memory_space<vmem>>, vector<64x128xf32>,
    %slice3A_239 = vector.extract_strided_slice %slice3A_231 {offsets = [0, 64], sizes = [64, 64], strides = [1, 1]} : vector<64x128xf32> to vector<64x64xf32>
    %slice3A_240 = vector.extract_strided_slice %slice3A_232 {offsets = [0, 64], sizes = [64, 64], strides = [1, 1]} : vector<64x128xf32> to vector<64x64xf32>
    %concatenate3A_241 = tpu.concatenate %slice3A_239, %slice3A_240 in 1 : vector<64x64xf32>, vector<64x64xf32> -> vector<64x128xf32>
    %swap3A_242 = arith.constant 1024 : index
    %swap3A_243 = arith.constant 0 : index
    %swap3A_244 = vector.load %arg5[%swap3A_242, %swap3A_243] : memref<2048x128xf32, #tpu.memory_space<vmem>>, vector<64x128xf32>
    tpu.vector_store %arg5[%swap3A_242, %swap3A_243], %concatenate3A_241 {strides = array<i32>} : memref<2048x128xf32, #tpu.memory_space<vmem>>, vector<64x128xf32>,
    %slice3A_245 = vector.extract_strided_slice %add3A_9 {offsets = [2176, 0], sizes = [64, 128], strides = [1, 1]} : vector<4096x128xf32> to vector<64x128xf32>
    %slice3A_246 = vector.extract_strided_slice %add3A_9 {offsets = [2240, 0], sizes = [64, 128], strides = [1, 1]} : vector<4096x128xf32> to vector<64x128xf32>
    %slice3A_247 = vector.extract_strided_slice %slice3A_245 {offsets = [0, 0], sizes = [64, 64], strides = [1, 1]} : vector<64x128xf32> to vector<64x64xf32>
    %slice3A_248 = vector.extract_strided_slice %slice3A_246 {offsets = [0, 0], sizes = [64, 64], strides = [1, 1]} : vector<64x128xf32> to vector<64x64xf32>
    %concatenate3A_249 = tpu.concatenate %slice3A_247, %slice3A_248 in 1 : vector<64x64xf32>, vector<64x64xf32> -> vector<64x128xf32>
    %swap3A_250 = arith.constant 1088 : index
    %swap3A_251 = arith.constant 0 : index
    %swap3A_252 = vector.load %arg4[%swap3A_250, %swap3A_251] : memref<2048x128xf32, #tpu.memory_space<vmem>>, vector<64x128xf32>
    tpu.vector_store %arg4[%swap3A_250, %swap3A_251], %concatenate3A_249 {strides = array<i32>} : memref<2048x128xf32, #tpu.memory_space<vmem>>, vector<64x128xf32>,
    %slice3A_253 = vector.extract_strided_slice %slice3A_245 {offsets = [0, 64], sizes = [64, 64], strides = [1, 1]} : vector<64x128xf32> to vector<64x64xf32>
    %slice3A_254 = vector.extract_strided_slice %slice3A_246 {offsets = [0, 64], sizes = [64, 64], strides = [1, 1]} : vector<64x128xf32> to vector<64x64xf32>
    %concatenate3A_255 = tpu.concatenate %slice3A_253, %slice3A_254 in 1 : vector<64x64xf32>, vector<64x64xf32> -> vector<64x128xf32>
    %swap3A_256 = arith.constant 1088 : index
    %swap3A_257 = arith.constant 0 : index
    %swap3A_258 = vector.load %arg5[%swap3A_256, %swap3A_257] : memref<2048x128xf32, #tpu.memory_space<vmem>>, vector<64x128xf32>
    tpu.vector_store %arg5[%swap3A_256, %swap3A_257], %concatenate3A_255 {strides = array<i32>} : memref<2048x128xf32, #tpu.memory_space<vmem>>, vector<64x128xf32>,
    %slice3A_259 = vector.extract_strided_slice %add3A_9 {offsets = [2304, 0], sizes = [64, 128], strides = [1, 1]} : vector<4096x128xf32> to vector<64x128xf32>
    %slice3A_260 = vector.extract_strided_slice %add3A_9 {offsets = [2368, 0], sizes = [64, 128], strides = [1, 1]} : vector<4096x128xf32> to vector<64x128xf32>
    %slice3A_261 = vector.extract_strided_slice %slice3A_259 {offsets = [0, 0], sizes = [64, 64], strides = [1, 1]} : vector<64x128xf32> to vector<64x64xf32>
    %slice3A_262 = vector.extract_strided_slice %slice3A_260 {offsets = [0, 0], sizes = [64, 64], strides = [1, 1]} : vector<64x128xf32> to vector<64x64xf32>
    %concatenate3A_263 = tpu.concatenate %slice3A_261, %slice3A_262 in 1 : vector<64x64xf32>, vector<64x64xf32> -> vector<64x128xf32>
    %swap3A_264 = arith.constant 1152 : index
    %swap3A_265 = arith.constant 0 : index
    %swap3A_266 = vector.load %arg4[%swap3A_264, %swap3A_265] : memref<2048x128xf32, #tpu.memory_space<vmem>>, vector<64x128xf32>
    tpu.vector_store %arg4[%swap3A_264, %swap3A_265], %concatenate3A_263 {strides = array<i32>} : memref<2048x128xf32, #tpu.memory_space<vmem>>, vector<64x128xf32>,
    %slice3A_267 = vector.extract_strided_slice %slice3A_259 {offsets = [0, 64], sizes = [64, 64], strides = [1, 1]} : vector<64x128xf32> to vector<64x64xf32>
    %slice3A_268 = vector.extract_strided_slice %slice3A_260 {offsets = [0, 64], sizes = [64, 64], strides = [1, 1]} : vector<64x128xf32> to vector<64x64xf32>
    %concatenate3A_269 = tpu.concatenate %slice3A_267, %slice3A_268 in 1 : vector<64x64xf32>, vector<64x64xf32> -> vector<64x128xf32>
    %swap3A_270 = arith.constant 1152 : index
    %swap3A_271 = arith.constant 0 : index
    %swap3A_272 = vector.load %arg5[%swap3A_270, %swap3A_271] : memref<2048x128xf32, #tpu.memory_space<vmem>>, vector<64x128xf32>
    tpu.vector_store %arg5[%swap3A_270, %swap3A_271], %concatenate3A_269 {strides = array<i32>} : memref<2048x128xf32, #tpu.memory_space<vmem>>, vector<64x128xf32>,
    %slice3A_273 = vector.extract_strided_slice %add3A_9 {offsets = [2432, 0], sizes = [64, 128], strides = [1, 1]} : vector<4096x128xf32> to vector<64x128xf32>
    %slice3A_274 = vector.extract_strided_slice %add3A_9 {offsets = [2496, 0], sizes = [64, 128], strides = [1, 1]} : vector<4096x128xf32> to vector<64x128xf32>
    %slice3A_275 = vector.extract_strided_slice %slice3A_273 {offsets = [0, 0], sizes = [64, 64], strides = [1, 1]} : vector<64x128xf32> to vector<64x64xf32>
    %slice3A_276 = vector.extract_strided_slice %slice3A_274 {offsets = [0, 0], sizes = [64, 64], strides = [1, 1]} : vector<64x128xf32> to vector<64x64xf32>
    %concatenate3A_277 = tpu.concatenate %slice3A_275, %slice3A_276 in 1 : vector<64x64xf32>, vector<64x64xf32> -> vector<64x128xf32>
    %swap3A_278 = arith.constant 1216 : index
    %swap3A_279 = arith.constant 0 : index
    %swap3A_280 = vector.load %arg4[%swap3A_278, %swap3A_279] : memref<2048x128xf32, #tpu.memory_space<vmem>>, vector<64x128xf32>
    tpu.vector_store %arg4[%swap3A_278, %swap3A_279], %concatenate3A_277 {strides = array<i32>} : memref<2048x128xf32, #tpu.memory_space<vmem>>, vector<64x128xf32>,
    %slice3A_281 = vector.extract_strided_slice %slice3A_273 {offsets = [0, 64], sizes = [64, 64], strides = [1, 1]} : vector<64x128xf32> to vector<64x64xf32>
    %slice3A_282 = vector.extract_strided_slice %slice3A_274 {offsets = [0, 64], sizes = [64, 64], strides = [1, 1]} : vector<64x128xf32> to vector<64x64xf32>
    %concatenate3A_283 = tpu.concatenate %slice3A_281, %slice3A_282 in 1 : vector<64x64xf32>, vector<64x64xf32> -> vector<64x128xf32>
    %swap3A_284 = arith.constant 1216 : index
    %swap3A_285 = arith.constant 0 : index
    %swap3A_286 = vector.load %arg5[%swap3A_284, %swap3A_285] : memref<2048x128xf32, #tpu.memory_space<vmem>>, vector<64x128xf32>
    tpu.vector_store %arg5[%swap3A_284, %swap3A_285], %concatenate3A_283 {strides = array<i32>} : memref<2048x128xf32, #tpu.memory_space<vmem>>, vector<64x128xf32>,
    %slice3A_287 = vector.extract_strided_slice %add3A_9 {offsets = [2560, 0], sizes = [64, 128], strides = [1, 1]} : vector<4096x128xf32> to vector<64x128xf32>
    %slice3A_288 = vector.extract_strided_slice %add3A_9 {offsets = [2624, 0], sizes = [64, 128], strides = [1, 1]} : vector<4096x128xf32> to vector<64x128xf32>
    %slice3A_289 = vector.extract_strided_slice %slice3A_287 {offsets = [0, 0], sizes = [64, 64], strides = [1, 1]} : vector<64x128xf32> to vector<64x64xf32>
    %slice3A_290 = vector.extract_strided_slice %slice3A_288 {offsets = [0, 0], sizes = [64, 64], strides = [1, 1]} : vector<64x128xf32> to vector<64x64xf32>
    %concatenate3A_291 = tpu.concatenate %slice3A_289, %slice3A_290 in 1 : vector<64x64xf32>, vector<64x64xf32> -> vector<64x128xf32>
    %swap3A_292 = arith.constant 1280 : index
    %swap3A_293 = arith.constant 0 : index
    %swap3A_294 = vector.load %arg4[%swap3A_292, %swap3A_293] : memref<2048x128xf32, #tpu.memory_space<vmem>>, vector<64x128xf32>
    tpu.vector_store %arg4[%swap3A_292, %swap3A_293], %concatenate3A_291 {strides = array<i32>} : memref<2048x128xf32, #tpu.memory_space<vmem>>, vector<64x128xf32>,
    %slice3A_295 = vector.extract_strided_slice %slice3A_287 {offsets = [0, 64], sizes = [64, 64], strides = [1, 1]} : vector<64x128xf32> to vector<64x64xf32>
    %slice3A_296 = vector.extract_strided_slice %slice3A_288 {offsets = [0, 64], sizes = [64, 64], strides = [1, 1]} : vector<64x128xf32> to vector<64x64xf32>
    %concatenate3A_297 = tpu.concatenate %slice3A_295, %slice3A_296 in 1 : vector<64x64xf32>, vector<64x64xf32> -> vector<64x128xf32>
    %swap3A_298 = arith.constant 1280 : index
    %swap3A_299 = arith.constant 0 : index
    %swap3A_300 = vector.load %arg5[%swap3A_298, %swap3A_299] : memref<2048x128xf32, #tpu.memory_space<vmem>>, vector<64x128xf32>
    tpu.vector_store %arg5[%swap3A_298, %swap3A_299], %concatenate3A_297 {strides = array<i32>} : memref<2048x128xf32, #tpu.memory_space<vmem>>, vector<64x128xf32>,
    %slice3A_301 = vector.extract_strided_slice %add3A_9 {offsets = [2688, 0], sizes = [64, 128], strides = [1, 1]} : vector<4096x128xf32> to vector<64x128xf32>
    %slice3A_302 = vector.extract_strided_slice %add3A_9 {offsets = [2752, 0], sizes = [64, 128], strides = [1, 1]} : vector<4096x128xf32> to vector<64x128xf32>
    %slice3A_303 = vector.extract_strided_slice %slice3A_301 {offsets = [0, 0], sizes = [64, 64], strides = [1, 1]} : vector<64x128xf32> to vector<64x64xf32>
    %slice3A_304 = vector.extract_strided_slice %slice3A_302 {offsets = [0, 0], sizes = [64, 64], strides = [1, 1]} : vector<64x128xf32> to vector<64x64xf32>
    %concatenate3A_305 = tpu.concatenate %slice3A_303, %slice3A_304 in 1 : vector<64x64xf32>, vector<64x64xf32> -> vector<64x128xf32>
    %swap3A_306 = arith.constant 1344 : index
    %swap3A_307 = arith.constant 0 : index
    %swap3A_308 = vector.load %arg4[%swap3A_306, %swap3A_307] : memref<2048x128xf32, #tpu.memory_space<vmem>>, vector<64x128xf32>
    tpu.vector_store %arg4[%swap3A_306, %swap3A_307], %concatenate3A_305 {strides = array<i32>} : memref<2048x128xf32, #tpu.memory_space<vmem>>, vector<64x128xf32>,
    %slice3A_309 = vector.extract_strided_slice %slice3A_301 {offsets = [0, 64], sizes = [64, 64], strides = [1, 1]} : vector<64x128xf32> to vector<64x64xf32>
    %slice3A_310 = vector.extract_strided_slice %slice3A_302 {offsets = [0, 64], sizes = [64, 64], strides = [1, 1]} : vector<64x128xf32> to vector<64x64xf32>
    %concatenate3A_311 = tpu.concatenate %slice3A_309, %slice3A_310 in 1 : vector<64x64xf32>, vector<64x64xf32> -> vector<64x128xf32>
    %swap3A_312 = arith.constant 1344 : index
    %swap3A_313 = arith.constant 0 : index
    %swap3A_314 = vector.load %arg5[%swap3A_312, %swap3A_313] : memref<2048x128xf32, #tpu.memory_space<vmem>>, vector<64x128xf32>
    tpu.vector_store %arg5[%swap3A_312, %swap3A_313], %concatenate3A_311 {strides = array<i32>} : memref<2048x128xf32, #tpu.memory_space<vmem>>, vector<64x128xf32>,
    %slice3A_315 = vector.extract_strided_slice %add3A_9 {offsets = [2816, 0], sizes = [64, 128], strides = [1, 1]} : vector<4096x128xf32> to vector<64x128xf32>
    %slice3A_316 = vector.extract_strided_slice %add3A_9 {offsets = [2880, 0], sizes = [64, 128], strides = [1, 1]} : vector<4096x128xf32> to vector<64x128xf32>
    %slice3A_317 = vector.extract_strided_slice %slice3A_315 {offsets = [0, 0], sizes = [64, 64], strides = [1, 1]} : vector<64x128xf32> to vector<64x64xf32>
    %slice3A_318 = vector.extract_strided_slice %slice3A_316 {offsets = [0, 0], sizes = [64, 64], strides = [1, 1]} : vector<64x128xf32> to vector<64x64xf32>
    %concatenate3A_319 = tpu.concatenate %slice3A_317, %slice3A_318 in 1 : vector<64x64xf32>, vector<64x64xf32> -> vector<64x128xf32>
    %swap3A_320 = arith.constant 1408 : index
    %swap3A_321 = arith.constant 0 : index
    %swap3A_322 = vector.load %arg4[%swap3A_320, %swap3A_321] : memref<2048x128xf32, #tpu.memory_space<vmem>>, vector<64x128xf32>
    tpu.vector_store %arg4[%swap3A_320, %swap3A_321], %concatenate3A_319 {strides = array<i32>} : memref<2048x128xf32, #tpu.memory_space<vmem>>, vector<64x128xf32>,
    %slice3A_323 = vector.extract_strided_slice %slice3A_315 {offsets = [0, 64], sizes = [64, 64], strides = [1, 1]} : vector<64x128xf32> to vector<64x64xf32>
    %slice3A_324 = vector.extract_strided_slice %slice3A_316 {offsets = [0, 64], sizes = [64, 64], strides = [1, 1]} : vector<64x128xf32> to vector<64x64xf32>
    %concatenate3A_325 = tpu.concatenate %slice3A_323, %slice3A_324 in 1 : vector<64x64xf32>, vector<64x64xf32> -> vector<64x128xf32>
    %swap3A_326 = arith.constant 1408 : index
    %swap3A_327 = arith.constant 0 : index
    %swap3A_328 = vector.load %arg5[%swap3A_326, %swap3A_327] : memref<2048x128xf32, #tpu.memory_space<vmem>>, vector<64x128xf32>
    tpu.vector_store %arg5[%swap3A_326, %swap3A_327], %concatenate3A_325 {strides = array<i32>} : memref<2048x128xf32, #tpu.memory_space<vmem>>, vector<64x128xf32>,
    %slice3A_329 = vector.extract_strided_slice %add3A_9 {offsets = [2944, 0], sizes = [64, 128], strides = [1, 1]} : vector<4096x128xf32> to vector<64x128xf32>
    %slice3A_330 = vector.extract_strided_slice %add3A_9 {offsets = [3008, 0], sizes = [64, 128], strides = [1, 1]} : vector<4096x128xf32> to vector<64x128xf32>
    %slice3A_331 = vector.extract_strided_slice %slice3A_329 {offsets = [0, 0], sizes = [64, 64], strides = [1, 1]} : vector<64x128xf32> to vector<64x64xf32>
    %slice3A_332 = vector.extract_strided_slice %slice3A_330 {offsets = [0, 0], sizes = [64, 64], strides = [1, 1]} : vector<64x128xf32> to vector<64x64xf32>
    %concatenate3A_333 = tpu.concatenate %slice3A_331, %slice3A_332 in 1 : vector<64x64xf32>, vector<64x64xf32> -> vector<64x128xf32>
    %swap3A_334 = arith.constant 1472 : index
    %swap3A_335 = arith.constant 0 : index
    %swap3A_336 = vector.load %arg4[%swap3A_334, %swap3A_335] : memref<2048x128xf32, #tpu.memory_space<vmem>>, vector<64x128xf32>
    tpu.vector_store %arg4[%swap3A_334, %swap3A_335], %concatenate3A_333 {strides = array<i32>} : memref<2048x128xf32, #tpu.memory_space<vmem>>, vector<64x128xf32>,
    %slice3A_337 = vector.extract_strided_slice %slice3A_329 {offsets = [0, 64], sizes = [64, 64], strides = [1, 1]} : vector<64x128xf32> to vector<64x64xf32>
    %slice3A_338 = vector.extract_strided_slice %slice3A_330 {offsets = [0, 64], sizes = [64, 64], strides = [1, 1]} : vector<64x128xf32> to vector<64x64xf32>
    %concatenate3A_339 = tpu.concatenate %slice3A_337, %slice3A_338 in 1 : vector<64x64xf32>, vector<64x64xf32> -> vector<64x128xf32>
    %swap3A_340 = arith.constant 1472 : index
    %swap3A_341 = arith.constant 0 : index
    %swap3A_342 = vector.load %arg5[%swap3A_340, %swap3A_341] : memref<2048x128xf32, #tpu.memory_space<vmem>>, vector<64x128xf32>
    tpu.vector_store %arg5[%swap3A_340, %swap3A_341], %concatenate3A_339 {strides = array<i32>} : memref<2048x128xf32, #tpu.memory_space<vmem>>, vector<64x128xf32>,
    %slice3A_343 = vector.extract_strided_slice %add3A_9 {offsets = [3072, 0], sizes = [64, 128], strides = [1, 1]} : vector<4096x128xf32> to vector<64x128xf32>
    %slice3A_344 = vector.extract_strided_slice %add3A_9 {offsets = [3136, 0], sizes = [64, 128], strides = [1, 1]} : vector<4096x128xf32> to vector<64x128xf32>
    %slice3A_345 = vector.extract_strided_slice %slice3A_343 {offsets = [0, 0], sizes = [64, 64], strides = [1, 1]} : vector<64x128xf32> to vector<64x64xf32>
    %slice3A_346 = vector.extract_strided_slice %slice3A_344 {offsets = [0, 0], sizes = [64, 64], strides = [1, 1]} : vector<64x128xf32> to vector<64x64xf32>
    %concatenate3A_347 = tpu.concatenate %slice3A_345, %slice3A_346 in 1 : vector<64x64xf32>, vector<64x64xf32> -> vector<64x128xf32>
    %swap3A_348 = arith.constant 1536 : index
    %swap3A_349 = arith.constant 0 : index
    %swap3A_350 = vector.load %arg4[%swap3A_348, %swap3A_349] : memref<2048x128xf32, #tpu.memory_space<vmem>>, vector<64x128xf32>
    tpu.vector_store %arg4[%swap3A_348, %swap3A_349], %concatenate3A_347 {strides = array<i32>} : memref<2048x128xf32, #tpu.memory_space<vmem>>, vector<64x128xf32>,
    %slice3A_351 = vector.extract_strided_slice %slice3A_343 {offsets = [0, 64], sizes = [64, 64], strides = [1, 1]} : vector<64x128xf32> to vector<64x64xf32>
    %slice3A_352 = vector.extract_strided_slice %slice3A_344 {offsets = [0, 64], sizes = [64, 64], strides = [1, 1]} : vector<64x128xf32> to vector<64x64xf32>
    %concatenate3A_353 = tpu.concatenate %slice3A_351, %slice3A_352 in 1 : vector<64x64xf32>, vector<64x64xf32> -> vector<64x128xf32>
    %swap3A_354 = arith.constant 1536 : index
    %swap3A_355 = arith.constant 0 : index
    %swap3A_356 = vector.load %arg5[%swap3A_354, %swap3A_355] : memref<2048x128xf32, #tpu.memory_space<vmem>>, vector<64x128xf32>
    tpu.vector_store %arg5[%swap3A_354, %swap3A_355], %concatenate3A_353 {strides = array<i32>} : memref<2048x128xf32, #tpu.memory_space<vmem>>, vector<64x128xf32>,
    %slice3A_357 = vector.extract_strided_slice %add3A_9 {offsets = [3200, 0], sizes = [64, 128], strides = [1, 1]} : vector<4096x128xf32> to vector<64x128xf32>
    %slice3A_358 = vector.extract_strided_slice %add3A_9 {offsets = [3264, 0], sizes = [64, 128], strides = [1, 1]} : vector<4096x128xf32> to vector<64x128xf32>
    %slice3A_359 = vector.extract_strided_slice %slice3A_357 {offsets = [0, 0], sizes = [64, 64], strides = [1, 1]} : vector<64x128xf32> to vector<64x64xf32>
    %slice3A_360 = vector.extract_strided_slice %slice3A_358 {offsets = [0, 0], sizes = [64, 64], strides = [1, 1]} : vector<64x128xf32> to vector<64x64xf32>
    %concatenate3A_361 = tpu.concatenate %slice3A_359, %slice3A_360 in 1 : vector<64x64xf32>, vector<64x64xf32> -> vector<64x128xf32>
    %swap3A_362 = arith.constant 1600 : index
    %swap3A_363 = arith.constant 0 : index
    %swap3A_364 = vector.load %arg4[%swap3A_362, %swap3A_363] : memref<2048x128xf32, #tpu.memory_space<vmem>>, vector<64x128xf32>
    tpu.vector_store %arg4[%swap3A_362, %swap3A_363], %concatenate3A_361 {strides = array<i32>} : memref<2048x128xf32, #tpu.memory_space<vmem>>, vector<64x128xf32>,
    %slice3A_365 = vector.extract_strided_slice %slice3A_357 {offsets = [0, 64], sizes = [64, 64], strides = [1, 1]} : vector<64x128xf32> to vector<64x64xf32>
    %slice3A_366 = vector.extract_strided_slice %slice3A_358 {offsets = [0, 64], sizes = [64, 64], strides = [1, 1]} : vector<64x128xf32> to vector<64x64xf32>
    %concatenate3A_367 = tpu.concatenate %slice3A_365, %slice3A_366 in 1 : vector<64x64xf32>, vector<64x64xf32> -> vector<64x128xf32>
    %swap3A_368 = arith.constant 1600 : index
    %swap3A_369 = arith.constant 0 : index
    %swap3A_370 = vector.load %arg5[%swap3A_368, %swap3A_369] : memref<2048x128xf32, #tpu.memory_space<vmem>>, vector<64x128xf32>
    tpu.vector_store %arg5[%swap3A_368, %swap3A_369], %concatenate3A_367 {strides = array<i32>} : memref<2048x128xf32, #tpu.memory_space<vmem>>, vector<64x128xf32>,
    %slice3A_371 = vector.extract_strided_slice %add3A_9 {offsets = [3328, 0], sizes = [64, 128], strides = [1, 1]} : vector<4096x128xf32> to vector<64x128xf32>
    %slice3A_372 = vector.extract_strided_slice %add3A_9 {offsets = [3392, 0], sizes = [64, 128], strides = [1, 1]} : vector<4096x128xf32> to vector<64x128xf32>
    %slice3A_373 = vector.extract_strided_slice %slice3A_371 {offsets = [0, 0], sizes = [64, 64], strides = [1, 1]} : vector<64x128xf32> to vector<64x64xf32>
    %slice3A_374 = vector.extract_strided_slice %slice3A_372 {offsets = [0, 0], sizes = [64, 64], strides = [1, 1]} : vector<64x128xf32> to vector<64x64xf32>
    %concatenate3A_375 = tpu.concatenate %slice3A_373, %slice3A_374 in 1 : vector<64x64xf32>, vector<64x64xf32> -> vector<64x128xf32>
    %swap3A_376 = arith.constant 1664 : index
    %swap3A_377 = arith.constant 0 : index
    %swap3A_378 = vector.load %arg4[%swap3A_376, %swap3A_377] : memref<2048x128xf32, #tpu.memory_space<vmem>>, vector<64x128xf32>
    tpu.vector_store %arg4[%swap3A_376, %swap3A_377], %concatenate3A_375 {strides = array<i32>} : memref<2048x128xf32, #tpu.memory_space<vmem>>, vector<64x128xf32>,
    %slice3A_379 = vector.extract_strided_slice %slice3A_371 {offsets = [0, 64], sizes = [64, 64], strides = [1, 1]} : vector<64x128xf32> to vector<64x64xf32>
    %slice3A_380 = vector.extract_strided_slice %slice3A_372 {offsets = [0, 64], sizes = [64, 64], strides = [1, 1]} : vector<64x128xf32> to vector<64x64xf32>
    %concatenate3A_381 = tpu.concatenate %slice3A_379, %slice3A_380 in 1 : vector<64x64xf32>, vector<64x64xf32> -> vector<64x128xf32>
    %swap3A_382 = arith.constant 1664 : index
    %swap3A_383 = arith.constant 0 : index
    %swap3A_384 = vector.load %arg5[%swap3A_382, %swap3A_383] : memref<2048x128xf32, #tpu.memory_space<vmem>>, vector<64x128xf32>
    tpu.vector_store %arg5[%swap3A_382, %swap3A_383], %concatenate3A_381 {strides = array<i32>} : memref<2048x128xf32, #tpu.memory_space<vmem>>, vector<64x128xf32>,
    %slice3A_385 = vector.extract_strided_slice %add3A_9 {offsets = [3456, 0], sizes = [64, 128], strides = [1, 1]} : vector<4096x128xf32> to vector<64x128xf32>
    %slice3A_386 = vector.extract_strided_slice %add3A_9 {offsets = [3520, 0], sizes = [64, 128], strides = [1, 1]} : vector<4096x128xf32> to vector<64x128xf32>
    %slice3A_387 = vector.extract_strided_slice %slice3A_385 {offsets = [0, 0], sizes = [64, 64], strides = [1, 1]} : vector<64x128xf32> to vector<64x64xf32>
    %slice3A_388 = vector.extract_strided_slice %slice3A_386 {offsets = [0, 0], sizes = [64, 64], strides = [1, 1]} : vector<64x128xf32> to vector<64x64xf32>
    %concatenate3A_389 = tpu.concatenate %slice3A_387, %slice3A_388 in 1 : vector<64x64xf32>, vector<64x64xf32> -> vector<64x128xf32>
    %swap3A_390 = arith.constant 1728 : index
    %swap3A_391 = arith.constant 0 : index
    %swap3A_392 = vector.load %arg4[%swap3A_390, %swap3A_391] : memref<2048x128xf32, #tpu.memory_space<vmem>>, vector<64x128xf32>
    tpu.vector_store %arg4[%swap3A_390, %swap3A_391], %concatenate3A_389 {strides = array<i32>} : memref<2048x128xf32, #tpu.memory_space<vmem>>, vector<64x128xf32>,
    %slice3A_393 = vector.extract_strided_slice %slice3A_385 {offsets = [0, 64], sizes = [64, 64], strides = [1, 1]} : vector<64x128xf32> to vector<64x64xf32>
    %slice3A_394 = vector.extract_strided_slice %slice3A_386 {offsets = [0, 64], sizes = [64, 64], strides = [1, 1]} : vector<64x128xf32> to vector<64x64xf32>
    %concatenate3A_395 = tpu.concatenate %slice3A_393, %slice3A_394 in 1 : vector<64x64xf32>, vector<64x64xf32> -> vector<64x128xf32>
    %swap3A_396 = arith.constant 1728 : index
    %swap3A_397 = arith.constant 0 : index
    %swap3A_398 = vector.load %arg5[%swap3A_396, %swap3A_397] : memref<2048x128xf32, #tpu.memory_space<vmem>>, vector<64x128xf32>
    tpu.vector_store %arg5[%swap3A_396, %swap3A_397], %concatenate3A_395 {strides = array<i32>} : memref<2048x128xf32, #tpu.memory_space<vmem>>, vector<64x128xf32>,
    %slice3A_399 = vector.extract_strided_slice %add3A_9 {offsets = [3584, 0], sizes = [64, 128], strides = [1, 1]} : vector<4096x128xf32> to vector<64x128xf32>
    %slice3A_400 = vector.extract_strided_slice %add3A_9 {offsets = [3648, 0], sizes = [64, 128], strides = [1, 1]} : vector<4096x128xf32> to vector<64x128xf32>
    %slice3A_401 = vector.extract_strided_slice %slice3A_399 {offsets = [0, 0], sizes = [64, 64], strides = [1, 1]} : vector<64x128xf32> to vector<64x64xf32>
    %slice3A_402 = vector.extract_strided_slice %slice3A_400 {offsets = [0, 0], sizes = [64, 64], strides = [1, 1]} : vector<64x128xf32> to vector<64x64xf32>
    %concatenate3A_403 = tpu.concatenate %slice3A_401, %slice3A_402 in 1 : vector<64x64xf32>, vector<64x64xf32> -> vector<64x128xf32>
    %swap3A_404 = arith.constant 1792 : index
    %swap3A_405 = arith.constant 0 : index
    %swap3A_406 = vector.load %arg4[%swap3A_404, %swap3A_405] : memref<2048x128xf32, #tpu.memory_space<vmem>>, vector<64x128xf32>
    tpu.vector_store %arg4[%swap3A_404, %swap3A_405], %concatenate3A_403 {strides = array<i32>} : memref<2048x128xf32, #tpu.memory_space<vmem>>, vector<64x128xf32>,
    %slice3A_407 = vector.extract_strided_slice %slice3A_399 {offsets = [0, 64], sizes = [64, 64], strides = [1, 1]} : vector<64x128xf32> to vector<64x64xf32>
    %slice3A_408 = vector.extract_strided_slice %slice3A_400 {offsets = [0, 64], sizes = [64, 64], strides = [1, 1]} : vector<64x128xf32> to vector<64x64xf32>
    %concatenate3A_409 = tpu.concatenate %slice3A_407, %slice3A_408 in 1 : vector<64x64xf32>, vector<64x64xf32> -> vector<64x128xf32>
    %swap3A_410 = arith.constant 1792 : index
    %swap3A_411 = arith.constant 0 : index
    %swap3A_412 = vector.load %arg5[%swap3A_410, %swap3A_411] : memref<2048x128xf32, #tpu.memory_space<vmem>>, vector<64x128xf32>
    tpu.vector_store %arg5[%swap3A_410, %swap3A_411], %concatenate3A_409 {strides = array<i32>} : memref<2048x128xf32, #tpu.memory_space<vmem>>, vector<64x128xf32>,
    %slice3A_413 = vector.extract_strided_slice %add3A_9 {offsets = [3712, 0], sizes = [64, 128], strides = [1, 1]} : vector<4096x128xf32> to vector<64x128xf32>
    %slice3A_414 = vector.extract_strided_slice %add3A_9 {offsets = [3776, 0], sizes = [64, 128], strides = [1, 1]} : vector<4096x128xf32> to vector<64x128xf32>
    %slice3A_415 = vector.extract_strided_slice %slice3A_413 {offsets = [0, 0], sizes = [64, 64], strides = [1, 1]} : vector<64x128xf32> to vector<64x64xf32>
    %slice3A_416 = vector.extract_strided_slice %slice3A_414 {offsets = [0, 0], sizes = [64, 64], strides = [1, 1]} : vector<64x128xf32> to vector<64x64xf32>
    %concatenate3A_417 = tpu.concatenate %slice3A_415, %slice3A_416 in 1 : vector<64x64xf32>, vector<64x64xf32> -> vector<64x128xf32>
    %swap3A_418 = arith.constant 1856 : index
    %swap3A_419 = arith.constant 0 : index
    %swap3A_420 = vector.load %arg4[%swap3A_418, %swap3A_419] : memref<2048x128xf32, #tpu.memory_space<vmem>>, vector<64x128xf32>
    tpu.vector_store %arg4[%swap3A_418, %swap3A_419], %concatenate3A_417 {strides = array<i32>} : memref<2048x128xf32, #tpu.memory_space<vmem>>, vector<64x128xf32>,
    %slice3A_421 = vector.extract_strided_slice %slice3A_413 {offsets = [0, 64], sizes = [64, 64], strides = [1, 1]} : vector<64x128xf32> to vector<64x64xf32>
    %slice3A_422 = vector.extract_strided_slice %slice3A_414 {offsets = [0, 64], sizes = [64, 64], strides = [1, 1]} : vector<64x128xf32> to vector<64x64xf32>
    %concatenate3A_423 = tpu.concatenate %slice3A_421, %slice3A_422 in 1 : vector<64x64xf32>, vector<64x64xf32> -> vector<64x128xf32>
    %swap3A_424 = arith.constant 1856 : index
    %swap3A_425 = arith.constant 0 : index
    %swap3A_426 = vector.load %arg5[%swap3A_424, %swap3A_425] : memref<2048x128xf32, #tpu.memory_space<vmem>>, vector<64x128xf32>
    tpu.vector_store %arg5[%swap3A_424, %swap3A_425], %concatenate3A_423 {strides = array<i32>} : memref<2048x128xf32, #tpu.memory_space<vmem>>, vector<64x128xf32>,
    %slice3A_427 = vector.extract_strided_slice %add3A_9 {offsets = [3840, 0], sizes = [64, 128], strides = [1, 1]} : vector<4096x128xf32> to vector<64x128xf32>
    %slice3A_428 = vector.extract_strided_slice %add3A_9 {offsets = [3904, 0], sizes = [64, 128], strides = [1, 1]} : vector<4096x128xf32> to vector<64x128xf32>
    %slice3A_429 = vector.extract_strided_slice %slice3A_427 {offsets = [0, 0], sizes = [64, 64], strides = [1, 1]} : vector<64x128xf32> to vector<64x64xf32>
    %slice3A_430 = vector.extract_strided_slice %slice3A_428 {offsets = [0, 0], sizes = [64, 64], strides = [1, 1]} : vector<64x128xf32> to vector<64x64xf32>
    %concatenate3A_431 = tpu.concatenate %slice3A_429, %slice3A_430 in 1 : vector<64x64xf32>, vector<64x64xf32> -> vector<64x128xf32>
    %swap3A_432 = arith.constant 1920 : index
    %swap3A_433 = arith.constant 0 : index
    %swap3A_434 = vector.load %arg4[%swap3A_432, %swap3A_433] : memref<2048x128xf32, #tpu.memory_space<vmem>>, vector<64x128xf32>
    tpu.vector_store %arg4[%swap3A_432, %swap3A_433], %concatenate3A_431 {strides = array<i32>} : memref<2048x128xf32, #tpu.memory_space<vmem>>, vector<64x128xf32>,
    %slice3A_435 = vector.extract_strided_slice %slice3A_427 {offsets = [0, 64], sizes = [64, 64], strides = [1, 1]} : vector<64x128xf32> to vector<64x64xf32>
    %slice3A_436 = vector.extract_strided_slice %slice3A_428 {offsets = [0, 64], sizes = [64, 64], strides = [1, 1]} : vector<64x128xf32> to vector<64x64xf32>
    %concatenate3A_437 = tpu.concatenate %slice3A_435, %slice3A_436 in 1 : vector<64x64xf32>, vector<64x64xf32> -> vector<64x128xf32>
    %swap3A_438 = arith.constant 1920 : index
    %swap3A_439 = arith.constant 0 : index
    %swap3A_440 = vector.load %arg5[%swap3A_438, %swap3A_439] : memref<2048x128xf32, #tpu.memory_space<vmem>>, vector<64x128xf32>
    tpu.vector_store %arg5[%swap3A_438, %swap3A_439], %concatenate3A_437 {strides = array<i32>} : memref<2048x128xf32, #tpu.memory_space<vmem>>, vector<64x128xf32>,
    %slice3A_441 = vector.extract_strided_slice %add3A_9 {offsets = [3968, 0], sizes = [64, 128], strides = [1, 1]} : vector<4096x128xf32> to vector<64x128xf32>
    %slice3A_442 = vector.extract_strided_slice %add3A_9 {offsets = [4032, 0], sizes = [64, 128], strides = [1, 1]} : vector<4096x128xf32> to vector<64x128xf32>
    %slice3A_443 = vector.extract_strided_slice %slice3A_441 {offsets = [0, 0], sizes = [64, 64], strides = [1, 1]} : vector<64x128xf32> to vector<64x64xf32>
    %slice3A_444 = vector.extract_strided_slice %slice3A_442 {offsets = [0, 0], sizes = [64, 64], strides = [1, 1]} : vector<64x128xf32> to vector<64x64xf32>
    %concatenate3A_445 = tpu.concatenate %slice3A_443, %slice3A_444 in 1 : vector<64x64xf32>, vector<64x64xf32> -> vector<64x128xf32>
    %swap3A_446 = arith.constant 1984 : index
    %swap3A_447 = arith.constant 0 : index
    %swap3A_448 = vector.load %arg4[%swap3A_446, %swap3A_447] : memref<2048x128xf32, #tpu.memory_space<vmem>>, vector<64x128xf32>
    tpu.vector_store %arg4[%swap3A_446, %swap3A_447], %concatenate3A_445 {strides = array<i32>} : memref<2048x128xf32, #tpu.memory_space<vmem>>, vector<64x128xf32>,
    %slice3A_449 = vector.extract_strided_slice %slice3A_441 {offsets = [0, 64], sizes = [64, 64], strides = [1, 1]} : vector<64x128xf32> to vector<64x64xf32>
    %slice3A_450 = vector.extract_strided_slice %slice3A_442 {offsets = [0, 64], sizes = [64, 64], strides = [1, 1]} : vector<64x128xf32> to vector<64x64xf32>
    %concatenate3A_451 = tpu.concatenate %slice3A_449, %slice3A_450 in 1 : vector<64x64xf32>, vector<64x64xf32> -> vector<64x128xf32>
    %swap3A_452 = arith.constant 1984 : index
    %swap3A_453 = arith.constant 0 : index
    %swap3A_454 = vector.load %arg5[%swap3A_452, %swap3A_453] : memref<2048x128xf32, #tpu.memory_space<vmem>>, vector<64x128xf32>
    tpu.vector_store %arg5[%swap3A_452, %swap3A_453], %concatenate3A_451 {strides = array<i32>} : memref<2048x128xf32, #tpu.memory_space<vmem>>, vector<64x128xf32>,
    return
  }
  func.func @transform_0(%arg0: i32) -> (i32, i32) {
    %c0_i32 = arith.constant 0 : i32
    %c0_i32_0 = arith.constant 0 : i32
    return %arg0, %c0_i32 : i32, i32
  }
  func.func @transform_1(%arg0: i32) -> (i32, i32) {
    %c0_i32 = arith.constant 0 : i32
    %c0_i32_0 = arith.constant 0 : i32
    %c0_i32_1 = arith.constant 0 : i32
    return %c0_i32, %c0_i32_0 : i32, i32
  }
  func.func @transform_2(%arg0: i32) -> (i32, i32) {
    %c0_i32 = arith.constant 0 : i32
    %c0_i32_0 = arith.constant 0 : i32
    %c0_i32_1 = arith.constant 0 : i32
    return %c0_i32, %c0_i32_0 : i32, i32
  }
  func.func @transform_3(%arg0: i32) -> (i32, i32) {
    %c0_i32 = arith.constant 0 : i32
    %c0_i32_0 = arith.constant 0 : i32
    return %arg0, %c0_i32 : i32, i32
  }
  func.func @transform_4(%arg0: i32) -> (i32, i32) {
    %c0_i32 = arith.constant 0 : i32
    %c0_i32_0 = arith.constant 0 : i32
    return %arg0, %c0_i32 : i32, i32
  }
}

module attributes {stable_mosaic.version = 14 : i64} {
  func.func @_pass1_body(%arg0: i32, %arg1: memref<1000x128xf32, #tpu.memory_space<vmem>>, %arg2: memref<1x1000x64xf32, #tpu.memory_space<vmem>>, %arg3: memref<1x1000x64xf32, #tpu.memory_space<vmem>>, %arg4: memref<256x256xf32, #tpu.memory_space<vmem>>, %arg5: memref<1x256xf32, #tpu.memory_space<vmem>>, %arg6: memref<1000x256xf32, #tpu.memory_space<vmem>>, %arg7: memref<2x256xf32, #tpu.memory_space<vmem>>) attributes {dimension_semantics = [#tpu.dimension_semantics<arbitrary>], iteration_bounds = array<i64: 10>, scalar_prefetch = 0 : i64, scratch_operands = 0 : i64, tpu.core_type = #tpu.core_type<tc>, window_params = [{transform_indices = @transform_0, window_bounds = array<i64: 1000, 128>}, {transform_indices = @transform_1, window_bounds = array<i64: 1, 1000, 64>}, {transform_indices = @transform_2, window_bounds = array<i64: 1, 1000, 64>}, {pipeline_mode = #tpu.pipeline_mode<synchronous>, transform_indices = @transform_3, window_bounds = array<i64: 256, 256>}, {pipeline_mode = #tpu.pipeline_mode<synchronous>, transform_indices = @transform_4, window_bounds = array<i64: 1, 256>}, {transform_indices = @transform_5, window_bounds = array<i64: 1000, 256>}, {pipeline_mode = #tpu.pipeline_mode<synchronous>, transform_indices = @transform_6, window_bounds = array<i64: 2, 256>}]} {
    %get3A = arith.constant 0 : index
    %get3A_0 = arith.constant 0 : index
    %get3A_1 = vector.load %arg1[%get3A, %get3A_0] : memref<1000x128xf32, #tpu.memory_space<vmem>>, vector<1000x128xf32>
    %get3A_2 = arith.constant 0 : index
    %get3A_3 = arith.constant 0 : index
    %get3A_4 = arith.constant 0 : index
    %get3A_5 = vector.load %arg2[%get3A_2, %get3A_3, %get3A_4] : memref<1x1000x64xf32, #tpu.memory_space<vmem>>, vector<1x1000x64xf32>
    %get3A_6 = vector.shape_cast %get3A_5 : vector<1x1000x64xf32> to vector<1000x64xf32>
    %get3A_7 = arith.constant 0 : index
    %get3A_8 = arith.constant 0 : index
    %get3A_9 = arith.constant 0 : index
    %get3A_10 = vector.load %arg3[%get3A_7, %get3A_8, %get3A_9] : memref<1x1000x64xf32, #tpu.memory_space<vmem>>, vector<1x1000x64xf32>
    %get3A_11 = vector.shape_cast %get3A_10 : vector<1x1000x64xf32> to vector<1000x64xf32>
    %concatenate3A = tpu.concatenate %get3A_1, %get3A_6, %get3A_11 in 1 : vector<1000x128xf32>, vector<1000x64xf32>, vector<1000x64xf32> -> vector<1000x256xf32>
    %get3A_12 = arith.constant 0 : index
    %get3A_13 = arith.constant 0 : index
    %get3A_14 = vector.load %arg4[%get3A_12, %get3A_13] : memref<256x256xf32, #tpu.memory_space<vmem>>, vector<256x256xf32>
    %dot_general3A = arith.constant dense<0.000000e+00> : vector<1000x256xf32>
    %dot_general3A_15 = tpu.matmul %concatenate3A, %get3A_14, %dot_general3A {dimension_numbers = #tpu.dot_dimension_numbers<[1], [0], [0], [1], [0, 0, 1, 1], [], []>, transpose_lhs_hint = false} : vector<1000x256xf32>, vector<256x256xf32>, vector<1000x256xf32> -> vector<1000x256xf32>
    %get3A_16 = arith.constant 0 : index
    %get3A_17 = arith.constant 0 : index
    %get3A_18 = vector.load %arg5[%get3A_16, %get3A_17] : memref<1x256xf32, #tpu.memory_space<vmem>>, vector<1x256xf32>
    %add3A = vector.broadcast %get3A_18 : vector<1x256xf32> to vector<1000x256xf32>
    %add3A_19 = arith.addf %dot_general3A_15, %add3A : vector<1000x256xf32>
    %add3A_20 = arith.addf %add3A_19, %concatenate3A : vector<1000x256xf32>
    %swap3A = arith.constant 0 : index
    %swap3A_21 = arith.constant 0 : index
    %swap3A_22 = vector.load %arg6[%swap3A, %swap3A_21] : memref<1000x256xf32, #tpu.memory_space<vmem>>, vector<1000x256xf32>
    tpu.vector_store %arg6[%swap3A, %swap3A_21], %add3A_20 {strides = array<i32>} : memref<1000x256xf32, #tpu.memory_space<vmem>>, vector<1000x256xf32>,
    %eq3A = arith.constant 0 : i32
    %eq3A_23 = arith.cmpi eq, %arg0, %eq3A : i32
    %convert_element_type3A = arith.extui %eq3A_23 : i1 to i32
    %cond3A = arith.constant 0 : i32
    %cond3A_24 = arith.cmpi ne, %convert_element_type3A, %cond3A : i32
    scf.if %cond3A_24 {
      %broadcast_in_dim3A_37 = arith.constant 0.000000e+00 : f32
      %broadcast_in_dim3A_38 = vector.broadcast %broadcast_in_dim3A_37 : f32 to vector<2x256xf32>
      %swap3A_39 = arith.constant 0 : index
      %swap3A_40 = arith.constant 0 : index
      %swap3A_41 = vector.load %arg7[%swap3A_39, %swap3A_40] : memref<2x256xf32, #tpu.memory_space<vmem>>, vector<2x256xf32>
      tpu.vector_store %arg7[%swap3A_39, %swap3A_40], %broadcast_in_dim3A_38 {strides = array<i32>} : memref<2x256xf32, #tpu.memory_space<vmem>>, vector<2x256xf32>,
    } else {
    }
    %reduce_sum3A = arith.constant dense<0.000000e+00> : vector<256xf32>
    %reduce_sum3A_25 = vector.multi_reduction <add>, %add3A_20, %reduce_sum3A [0] : vector<1000x256xf32> to vector<256xf32>
    %broadcast_in_dim3A = vector.shape_cast %reduce_sum3A_25 : vector<256xf32> to vector<1x256xf32>
    %mul3A = arith.mulf %add3A_20, %add3A_20 : vector<1000x256xf32>
    %reduce_sum3A_26 = arith.constant dense<0.000000e+00> : vector<256xf32>
    %reduce_sum3A_27 = vector.multi_reduction <add>, %mul3A, %reduce_sum3A_26 [0] : vector<1000x256xf32> to vector<256xf32>
    %broadcast_in_dim3A_28 = vector.shape_cast %reduce_sum3A_27 : vector<256xf32> to vector<1x256xf32>
    %get3A_29 = arith.constant 0 : index
    %get3A_30 = arith.constant 0 : index
    %get3A_31 = vector.load %arg7[%get3A_29, %get3A_30] : memref<2x256xf32, #tpu.memory_space<vmem>>, vector<2x256xf32>
    %concatenate3A_32 = tpu.concatenate %broadcast_in_dim3A, %broadcast_in_dim3A_28 in 0 : vector<1x256xf32>, vector<1x256xf32> -> vector<2x256xf32>
    %add3A_33 = arith.addf %get3A_31, %concatenate3A_32 : vector<2x256xf32>
    %swap3A_34 = arith.constant 0 : index
    %swap3A_35 = arith.constant 0 : index
    %swap3A_36 = vector.load %arg7[%swap3A_34, %swap3A_35] : memref<2x256xf32, #tpu.memory_space<vmem>>, vector<2x256xf32>
    tpu.vector_store %arg7[%swap3A_34, %swap3A_35], %add3A_33 {strides = array<i32>} : memref<2x256xf32, #tpu.memory_space<vmem>>, vector<2x256xf32>,
    return
  }
  func.func @transform_0(%arg0: i32) -> (i32, i32) {
    %c0_i32 = arith.constant 0 : i32
    %c0_i32_0 = arith.constant 0 : i32
    return %arg0, %c0_i32 : i32, i32
  }
  func.func @transform_1(%arg0: i32) -> (i32, i32, i32) {
    %c0_i32 = arith.constant 0 : i32
    %c0_i32_0 = arith.constant 0 : i32
    %c0_i32_1 = arith.constant 0 : i32
    return %c0_i32, %arg0, %c0_i32_0 : i32, i32, i32
  }
  func.func @transform_2(%arg0: i32) -> (i32, i32, i32) {
    %c1_i32 = arith.constant 1 : i32
    %c0_i32 = arith.constant 0 : i32
    %c0_i32_0 = arith.constant 0 : i32
    return %c1_i32, %arg0, %c0_i32 : i32, i32, i32
  }
  func.func @transform_3(%arg0: i32) -> (i32, i32) {
    %c0_i32 = arith.constant 0 : i32
    %c0_i32_0 = arith.constant 0 : i32
    %c0_i32_1 = arith.constant 0 : i32
    return %c0_i32, %c0_i32_0 : i32, i32
  }
  func.func @transform_4(%arg0: i32) -> (i32, i32) {
    %c0_i32 = arith.constant 0 : i32
    %c0_i32_0 = arith.constant 0 : i32
    %c0_i32_1 = arith.constant 0 : i32
    return %c0_i32, %c0_i32_0 : i32, i32
  }
  func.func @transform_5(%arg0: i32) -> (i32, i32) {
    %c0_i32 = arith.constant 0 : i32
    %c0_i32_0 = arith.constant 0 : i32
    return %arg0, %c0_i32 : i32, i32
  }
  func.func @transform_6(%arg0: i32) -> (i32, i32) {
    %c0_i32 = arith.constant 0 : i32
    %c0_i32_0 = arith.constant 0 : i32
    %c0_i32_1 = arith.constant 0 : i32
    return %c0_i32, %c0_i32_0 : i32, i32
  }
}

module attributes {stable_mosaic.version = 14 : i64} {
  func.func @_pass2_body(%arg0: i32, %arg1: memref<1000x256xf32, #tpu.memory_space<vmem>>, %arg2: memref<2x256xf32, #tpu.memory_space<vmem>>, %arg3: memref<1x256xf32, #tpu.memory_space<vmem>>, %arg4: memref<1x256xf32, #tpu.memory_space<vmem>>, %arg5: memref<1000x256xf32, #tpu.memory_space<vmem>>) attributes {dimension_semantics = [#tpu.dimension_semantics<arbitrary>], iteration_bounds = array<i64: 10>, scalar_prefetch = 0 : i64, scratch_operands = 0 : i64, tpu.core_type = #tpu.core_type<tc>, window_params = [{transform_indices = @transform_0, window_bounds = array<i64: 1000, 256>}, {pipeline_mode = #tpu.pipeline_mode<synchronous>, transform_indices = @transform_1, window_bounds = array<i64: 2, 256>}, {pipeline_mode = #tpu.pipeline_mode<synchronous>, transform_indices = @transform_2, window_bounds = array<i64: 1, 256>}, {pipeline_mode = #tpu.pipeline_mode<synchronous>, transform_indices = @transform_3, window_bounds = array<i64: 1, 256>}, {transform_indices = @transform_4, window_bounds = array<i64: 1000, 256>}]} {
    %get3A = arith.constant 0 : index
    %get3A_0 = arith.constant 0 : index
    %get3A_1 = vector.load %arg2[%get3A, %get3A_0] : memref<2x256xf32, #tpu.memory_space<vmem>>, vector<1x256xf32>
    %mul3A = arith.constant 9.99999974E-5 : f32
    %mul3A_2 = vector.broadcast %mul3A : f32 to vector<1x256xf32>
    %mul3A_3 = arith.mulf %get3A_1, %mul3A_2 : vector<1x256xf32>
    %get3A_4 = arith.constant 1 : index
    %get3A_5 = arith.constant 0 : index
    %get3A_6 = vector.load %arg2[%get3A_4, %get3A_5] : memref<2x256xf32, #tpu.memory_space<vmem>>, vector<1x256xf32>
    %mul3A_7 = arith.constant 9.99999974E-5 : f32
    %mul3A_8 = vector.broadcast %mul3A_7 : f32 to vector<1x256xf32>
    %mul3A_9 = arith.mulf %get3A_6, %mul3A_8 : vector<1x256xf32>
    %mul3A_10 = arith.mulf %mul3A_3, %mul3A_3 : vector<1x256xf32>
    %sub3A = arith.subf %mul3A_9, %mul3A_10 : vector<1x256xf32>
    %add3A = arith.constant 9.99999974E-6 : f32
    %add3A_11 = vector.broadcast %add3A : f32 to vector<1x256xf32>
    %add3A_12 = arith.addf %sub3A, %add3A_11 : vector<1x256xf32>
    %rsqrt3A = math.rsqrt %add3A_12 : vector<1x256xf32>
    %get3A_13 = arith.constant 0 : index
    %get3A_14 = arith.constant 0 : index
    %get3A_15 = vector.load %arg1[%get3A_13, %get3A_14] : memref<1000x256xf32, #tpu.memory_space<vmem>>, vector<1000x256xf32>
    %sub3A_16 = vector.broadcast %mul3A_3 : vector<1x256xf32> to vector<1000x256xf32>
    %sub3A_17 = arith.subf %get3A_15, %sub3A_16 : vector<1000x256xf32>
    %get3A_18 = arith.constant 0 : index
    %get3A_19 = arith.constant 0 : index
    %get3A_20 = vector.load %arg3[%get3A_18, %get3A_19] : memref<1x256xf32, #tpu.memory_space<vmem>>, vector<1x256xf32>
    %mul3A_21 = arith.mulf %rsqrt3A, %get3A_20 : vector<1x256xf32>
    %mul3A_22 = vector.broadcast %mul3A_21 : vector<1x256xf32> to vector<1000x256xf32>
    %mul3A_23 = arith.mulf %sub3A_17, %mul3A_22 : vector<1000x256xf32>
    %get3A_24 = arith.constant 0 : index
    %get3A_25 = arith.constant 0 : index
    %get3A_26 = vector.load %arg4[%get3A_24, %get3A_25] : memref<1x256xf32, #tpu.memory_space<vmem>>, vector<1x256xf32>
    %add3A_27 = vector.broadcast %get3A_26 : vector<1x256xf32> to vector<1000x256xf32>
    %add3A_28 = arith.addf %mul3A_23, %add3A_27 : vector<1000x256xf32>
    %swap3A = arith.constant 0 : index
    %swap3A_29 = arith.constant 0 : index
    %swap3A_30 = vector.load %arg5[%swap3A, %swap3A_29] : memref<1000x256xf32, #tpu.memory_space<vmem>>, vector<1000x256xf32>
    tpu.vector_store %arg5[%swap3A, %swap3A_29], %add3A_28 {strides = array<i32>} : memref<1000x256xf32, #tpu.memory_space<vmem>>, vector<1000x256xf32>,
    return
  }
  func.func @transform_0(%arg0: i32) -> (i32, i32) {
    %c0_i32 = arith.constant 0 : i32
    %c0_i32_0 = arith.constant 0 : i32
    return %arg0, %c0_i32 : i32, i32
  }
  func.func @transform_1(%arg0: i32) -> (i32, i32) {
    %c0_i32 = arith.constant 0 : i32
    %c0_i32_0 = arith.constant 0 : i32
    %c0_i32_1 = arith.constant 0 : i32
    return %c0_i32, %c0_i32_0 : i32, i32
  }
  func.func @transform_2(%arg0: i32) -> (i32, i32) {
    %c0_i32 = arith.constant 0 : i32
    %c0_i32_0 = arith.constant 0 : i32
    %c0_i32_1 = arith.constant 0 : i32
    return %c0_i32, %c0_i32_0 : i32, i32
  }
  func.func @transform_3(%arg0: i32) -> (i32, i32) {
    %c0_i32 = arith.constant 0 : i32
    %c0_i32_0 = arith.constant 0 : i32
    %c0_i32_1 = arith.constant 0 : i32
    return %c0_i32, %c0_i32_0 : i32, i32
  }
  func.func @transform_4(%arg0: i32) -> (i32, i32) {
    %c0_i32 = arith.constant 0 : i32
    %c0_i32_0 = arith.constant 0 : i32
    return %arg0, %c0_i32 : i32, i32
  }
}

</mosaic_0001>

<sc_bundles>
// kernel: kernel.7.cloned.1.call-start
scs
__scs_entry_jumppad:
0x0: {  	(pc) =	sbr.rel $0x88, $3  }
0x1: {  	(tag) =	ssettag $0x0;
	lr =	simm.s32 $0x1  }
0x2: {  	[smem:$0x3F98] =	sst lr;
	_ =	strace $0xD0000000  }
0x3: {  	_ = 	snop  }
0x4: {  	_ = 	snop  }
0x5: {  	_ = 	snop  }
0x6: {  	_ = 	snop  }
0x7: {  	_ = 	snop  }
__scs_overlays_trampoline_lowered:
0x8: {  	[smem:$0x3FA7] =	sst s0  }
0x9: {  	[smem:$0x3FA8] =	sst s1  }
0xa: {  	[smem:$0x3FA9] =	sst s2  }
0xb: {  	[smem:$0x3FAA] =	sst s3  }
0xc: {  	[smem:$0x3FAB] =	sst s4  }
0xd: {  	[smem:$0x3FAC] =	sst s5  }
0xe: {  	[smem:$0x3FAD] =	sst s6  }
0xf: {  	[smem:$0x3FAE] =	sst s7  }
0x10: {  	[smem:$0x3FAF] =	sst s8  }
0x11: {  	[smem:$0x3FB0] =	sst s9;
	s0 =	simm.s32 @!p0 $0x0  }
0x12: {  	s1 =	sld [smem:$0x3F96];
	s0 =	simm.s32 @p0 $0x1  }
0x13: {  	[smem:$0x3FB1] =	sst s0;
	s0 =	simm.s32 @!p1 $0x0  }
0x14: {  	s2 =	sld [smem:$0x3F95];
	s0 =	simm.s32 @p1 $0x1  }
0x15: {  	[smem:$0x3FB2] =	sst s0;
	s0 =	simm.s32 @!p2 $0x0  }
0x16: {  	s3 =	sld [smem:$0x3FDB];
	s0 =	simm.s32 @p2 $0x1  }
0x17: {  	s4 =	simm.s32 $0x1BF5;
	[smem:$0x3FB4] =	sst s0  }
0x18: {  	s0 =	sld [smem:$0x3F97];
	_ =	swait.ge [sflag:s4], $0x0  }
0x19: {  	s7 =	sld [smem:$0x3F98]  }
0x1a: {  	s8 =	sadd.s32 $0xFFFFE003, lr  }
0x1b: {  	s9 =	sadd.s32 $0xFFFFFEF7, lr;
	s5 =	simm.s32 $0xFFFFFFFF;
	p2 =	slt.u32 s8, $0xFFFFF086  }
0x1c: {  	p1 =	slt.u32 s9, $0xF7A;
	s5 =	simm.s32 @!p2 $0x0  }
0x1d: {  	s5 =	simm.s32 @p1 $0x1;
	p0 =	seq.s32 s7, s2  }
0x1e: {  	s7 =	smul.u32 @!p0 $0xF7A, s2;
	p2 =	seq.s32 @!p0 s5, $0x0  }
0x1f: {  	s9 =	smul.u32 $0xF7A, s1;
	s8 =	simm.s32 @!p0 $0x1BF5;
	p2 =	por !p2, p0  }
0x20: {  	[sflag:s8] =	ssyncset.s32 @!p0 $0xFFFFF086;
	s6 =	sadd.s32 @!p0 s3, s7;
	s7 =	simm.s32 @!p0 $0x108  }
0x21: {  	s3 =	sadd.s32 s3, s9;
	s6 =	sadd.s32 @!p0 $0x88, s6;
	s7 =	simm.s32 @p2 $0x1082  }
0x22: {  	[simem:s7], [sflag:s8] =	dma.local @!p0 [hbm:s6], $0xF7A  }
0x23: {  	s9 =	sor.u32 $0xD0000000, s2;
	s6 =	simm.s32 $0x108;
	_ =	swait.ge @!p0 [sflag:s8], $0x0  }
0x24: {  	s3 =	sadd.s32 $0x88, s3;
	s6 =	simm.s32 @!p1 $0x1082;
	[sflag:s4] =	ssyncset.s32 $0xFFFFF086  }
0x25: {  	[simem:s6], [sflag:s4] =	dma.local [hbm:s3], $0xF7A  }
0x26: {  	[smem:$0x3F98] =	sst s1;
	(tag) =	ssettag s2;
	_ =	strace s9  }
0x27: {  	s1 =	sld [smem:$0x3FA8]  }
0x28: {  	s2 =	sld [smem:$0x3FA9]  }
0x29: {  	s4 =	sld [smem:$0x3FAB]  }
0x2a: {  	p0 =	seq.s32 s5, $0x0;
	s5 =	sld [smem:$0x3FAC]  }
0x2b: {  	s6 =	sld [smem:$0x3FAD]  }
0x2c: {  	s7 =	sld [smem:$0x3FAE]  }
0x2d: {  	s3 =	simm.s32 $0x108;
	s8 =	sld [smem:$0x3FAF]  }
0x2e: {  	s3 =	simm.s32 @!p0 $0x1082;
	s9 =	sld [smem:$0x3FB0]  }
0x2f: {  	lr =	sadd.s32 s0, s3;
	s0 =	sld [smem:$0x3FA7]  }
0x30: {  	s3 =	sld [smem:$0x3FAA]  }
0x31: {  	[smem:$0x3FB3] =	sst s10  }
0x32: {  	s10 =	sld [smem:$0x3FB1];
	_ =	sdelay $0x3  }
0x33: {  	p0 =	seq.s32 s10, $0x1;
	s10 =	sld [smem:$0x3FB3];
	_ =	sdelay $0x3  }
0x34: {  	[smem:$0x3FB3] =	sst s10  }
0x35: {  	s10 =	sld [smem:$0x3FB2];
	_ =	sdelay $0x3  }
0x36: {  	p1 =	seq.s32 s10, $0x1;
	s10 =	sld [smem:$0x3FB3];
	_ =	sdelay $0x3  }
0x37: {  	[smem:$0x3FB3] =	sst s10  }
0x38: {  	s10 =	sld [smem:$0x3FB4]  }
0x39: {  	_ = 	snop;
	(pc) =	sbr.ind lr, $3  }
0x3a: {  	_ = 	snop  }
0x3b: {  	_ = 	snop  }
0x3c: {  	p2 =	seq.s32 s10, $0x1;
	s10 =	sld [smem:$0x3FB3]  }
0x3d: {  	_ =	shalt  }
0x3e: {  	_ =	shalt  }
0x3f: {  	_ =	shalt  }
0x40: {  	_ =	shalt  }
0x41: {  	_ =	shalt  }
0x42: {  	_ =	shalt  }
0x43: {  	_ =	shalt  }
0x44: {  	_ =	shalt  }
0x45: {  	_ =	shalt  }
0x46: {  	_ =	shalt  }
0x47: {  	_ =	shalt  }
0x48: {  	_ =	shalt  }
0x49: {  	_ =	shalt  }
0x4a: {  	_ =	shalt  }
0x4b: {  	_ =	shalt  }
0x4c: {  	_ =	shalt  }
0x4d: {  	_ =	shalt  }
0x4e: {  	_ =	shalt  }
0x4f: {  	_ =	shalt  }
0x50: {  	_ =	shalt  }
0x51: {  	_ =	shalt  }
0x52: {  	_ =	shalt  }
0x53: {  	_ =	shalt  }
0x54: {  	_ =	shalt  }
0x55: {  	_ =	shalt  }
0x56: {  	_ =	shalt  }
0x57: {  	_ =	shalt  }
0x58: {  	_ =	shalt  }
0x59: {  	_ =	shalt  }
0x5a: {  	_ =	shalt  }
0x5b: {  	_ =	shalt  }
0x5c: {  	_ =	shalt  }
0x5d: {  	_ =	shalt  }
0x5e: {  	_ =	shalt  }
0x5f: {  	_ =	shalt  }
0x60: {  	_ =	shalt  }
0x61: {  	_ =	shalt  }
0x62: {  	_ =	shalt  }
0x63: {  	_ =	shalt  }
0x64: {  	_ =	shalt  }
0x65: {  	_ =	shalt  }
0x66: {  	_ =	shalt  }
0x67: {  	_ =	shalt  }
0x68: {  	_ =	shalt  }
0x69: {  	_ =	shalt  }
0x6a: {  	_ =	shalt  }
0x6b: {  	_ =	shalt  }
0x6c: {  	_ =	shalt  }
0x6d: {  	_ =	shalt  }
0x6e: {  	_ =	shalt  }
0x6f: {  	_ =	shalt  }
0x70: {  	_ =	shalt  }
0x71: {  	_ =	shalt  }
0x72: {  	_ =	shalt  }
0x73: {  	_ =	shalt  }
0x74: {  	_ =	shalt  }
0x75: {  	_ =	shalt  }
0x76: {  	_ =	shalt  }
0x77: {  	_ =	shalt  }
0x78: {  	_ =	shalt  }
0x79: {  	_ =	shalt  }
0x7a: {  	_ =	shalt  }
0x7b: {  	_ =	shalt  }
0x7c: {  	_ =	shalt  }
0x7d: {  	_ =	shalt  }
0x7e: {  	_ =	shalt  }
0x7f: {  	_ =	shalt  }
0x80: {  	_ =	shalt  }
0x81: {  	_ =	shalt  }
0x82: {  	_ =	shalt  }
0x83: {  	_ =	shalt  }
0x84: {  	_ =	shalt  }
0x85: {  	_ =	shalt  }
0x86: {  	_ =	shalt  }
0x87: {  	_ =	shalt  }
.Lfunc_end0:
.L_simem_size_0:
called_computation_lowered:
.L_overlay_start_0:
0x88: {  	s2 =	sld [smem:$0x3FD9]  }
0x89: {  	s3 =	sld [smem:$0x3FFE];
	_ =	sdelay $0x1  }
0x8a: {  	s1 =	srdreg.scid  }
0x8b: {  	s0 =	sand.u32 $0x1, s1  }
0x8c: {  	s17 =	sshll.u32 s0, $0xA;
	s2 =	sadd.s32 s3, s2  }
0x8d: {  	s2 =	sadd.s32 s2, s17  }
0x8e: {  	[smem:$0x3FBF] =	sst s2  }
0x8f: {  	_ = 	snop  }
0x90: {  	s2 =	sld [smem:$0x3FD0];
	(tm) =	ssettm $0x1  }
0x91: {  	s18 =	sld [smem:$0x3FFB];
	_ =	sdelay $0x3  }
0x92: {  	_ =	strace s18  }
0x93: {  	s3 =	sld [smem:$0x3FFC];
	_ =	sdelay $0x3  }
0x94: {  	_ =	strace s3  }
0x95: {  	s3 =	sld [smem:$0x3FFD];
	_ =	sdelay $0x3  }
0x96: {  	_ =	strace s3  }
0x97: {  	_ =	strace $0x8FFFFFFF  }
0x98: {  	s19 =	sld [smem:$0x3FDB];
	_ =	sdelay $0x1  }
0x99: {  	s4 =	simm.s32 $_scs_section_size  }
0x9a: {  	s5 =	simm.s32 $_size__tile_overlayer_lowered;
	s6 =	simm.s32 $_tile_overlayer_lowered  }
0x9b: {  	s22 =	simm.s32 $0x1BFF;
	s21 =	sshll.u32 s6, $0x1;
	s3 =	sadd.s32 s4, s19  }
0x9c: {  	s7 =	simm.s32 $0x0;
	s20 =	sshll.u32 s5, $0x1;
	s5 =	sadd.s32 s21, s3  }
0x9d: {  	[timem:s7], [sflag:s22] =	dma.local [hbm:s5], s20  }
0x9e: {  	_ =	swait.ge [sflag:s22], s20  }
0x9f: {  	s4 =	ssub.s32 $0x0, s20;
	[sflag:s22] =	ssyncset.done $0x0  }
0xa0: {  	[sflag:s22] =	ssyncadd.s32 s4;
	_ =	sdelay $0x1  }
0xa1: {  	s23 =	simm.s32 $0x1B8B  }
0xa2: {  	_ =	swait.ge [sflag:s23], $0x1  }
0xa3: {  	[sflag:s23] =	ssyncset.done $0x0  }
0xa4: {  	s25 =	simm.s32 $0x1B8E;
	s24 =	sld [smem:$0x3FFE];
	[sflag:s23] =	ssyncadd.s32 $0xFFFFFFFF  }
0xa5: {  	s26 =	simm.s32 $execute0_lowered;
	[smem:$0x3FD2] =	sst s25  }
0xa6: {  	s5 =	sshll.u32 s26, $0x1;
	_ =	strace $0x80000046;
	[dreg:$0x1] =	wrdreg $0xFFFFFFFF  }
0xa7: {  	s28 =	simm.s32 $_size_execute0_lowered;
	s3 =	sadd.s32 s3, s5;
	[dreg:$0x0] =	wrdreg $0x0  }
0xa8: {  	s5 =	sshll.u32 s28, $0x1;
	[dreg:$0x2] =	wrdreg s3  }
0xa9: {  	[dreg:$0x3] =	wrdreg s5  }
0xaa: {  	[dreg:$0x4] =	wrdreg $0xC0  }
0xab: {  	_ =	task [dreg:s7], $0x5FFFF  }
0xac: {  	[dreg:$0x1] =	wrdreg $0xFFFFFFFF  }
0xad: {  	[dreg:$0x0] =	wrdreg $0x60  }
0xae: {  	[dreg:$0x2] =	wrdreg s24  }
0xaf: {  	[dreg:$0x3] =	wrdreg s2  }
0xb0: {  	[dreg:$0x4] =	wrdreg $0x111000  }
0xb1: {  	[dreg:$0x5] =	wrdreg $0x9  }
0xb2: {  	_ =	task.clear_ibuf [dreg:s7], $0x6FFFF;
	_ =	strace $0x90000046  }
0xb3: {  	s29 =	simm.s32 $0x9;
	_ =	strace $0x80000048  }
0xb4: {  	_ =	swait.ge [sflag:s29], $0x1  }
0xb5: {  	[sflag:s29] =	ssyncadd.s32 $0xFFFFFFFF  }
0xb6: {  	_ =	strace $0x90000048  }
0xb7: {  	_ =	sfence  }
0xb8: {  	s30 =	sld [smem:$0x0];
	_ =	sdelay $0x2  }
0xb9: {  	s31 =	sshll.u32 s1, $0xD;
	s1 =	sshrl.u32 s1, $0x2  }
0xba: {  	s3 =	sand.u32 $0x4000, s31;
	s1 =	sadd.s32 s1, s30  }
0xbb: {  	s0 =	sor.u32 s3, s0;
	s1 =	sshll.u32 s1, $0x11  }
0xbc: {  	s0 =	sor.u32 s1, s0  }
0xbd: {  	s0 =	sadd.s32 $0x8F2B, s0  }
0xbe: {  	[sflag:s0] =	ssyncadd.remote.s32 $0x1  }
0xbf: {  	_ =	sfence.sel $0xFFFF  }
0xc0: {  	[dreg:$0x0] =	wrdreg $0xFFFFFFFF;
	(pc) =	sbr.abs _section_cstart, $3  }
0xc1: {  	[dreg:$0x1] =	wrdreg $0xFFFFFFFF  }
0xc2: {  	_ =	task.clear_ibuf [dreg:s7], $0x2FFFF;
	_ =	strace $0x9FFFFFFF  }
0xc3: {  	(tm) =	ssettm $0x7FFFFFFF  }
tec
execute0_lowered:
.L_overlay_start_1:
0x0: {  	(tag) =	ssettag $0x1  }
0x1: {  	s0 =	rddreg [dreg:$0x0]  }
0x2: {  	s1 =	rddreg [dreg:$0x1]  }
0x3: {  	s2 =	rddreg [dreg:$0x2]  }
0x4: {  	s3 =	simm.s32 $0x0;
	s12 =	stileid.u32;
	s6 =	srdreg.scid  }
0x5: {  	s16 =	simm.s32 $0x5;
	s17 =	simm.s32 $0x80;
	s18 =	simm.s32 $0x5100  }
0x6: {  	s19 =	simm.s32 $0x9100;
	s28 =	simm.s32 $0x3;
	s5 =	smul.u32 $0xA00, s12  }
0x7: {  	s29 =	simm.s32 $0xF100;
	s31 =	simm.s32 $0x0;
	s8 =	smul.u32 $0x27800, s12  }
0x8: {  	[smem:$0x7FF] =	sst s3;
	s4 =	sadd.s32 $0x4E3600, s0;
	s11 =	smul.u32 $0x13C0, s12  }
0x9: {  	s6 =	sand.u32 $0x1, s6;
	s10 =	sadd.s32 $0x1600, s0;
	s24 =	smul.u32 $0x28000, s12  }
0xa: {  	s22 =	sshll.u32 s12, $0x6;
	_ =	strace $0x80000047;
	s13 =	smul.u32 $0x2710, s6  }
0xb: {  	s7 =	ssub.s32 $0x2, s6;
	[dreg:$0x4] =	wrdreg s10;
	s23 =	smul.u32 $0x13C00, s6  }
0xc: {  	p0 =	seq.s32 s6, $0x0;
	s9 =	sadd.s32 s5, s0;
	s5 =	sadd.s32 $0x50A800, s0  }
0xd: {  	s20 =	sshrl.u32 s7, $0x1;
	s21 =	sshrl.u32 s8, $0x2;
	s8 =	sor.u32 $0x1C05, s22  }
0xe: {  	s22 =	simm.s32 $0xB100;
	s10 =	ssub.s32 s7, s20;
	s7 =	smul.u32 $0x5000, s12  }
0xf: {  	s14 =	sadd.s32 s21, s2;
	s9 =	sadd.s32 $0x514800, s9;
	s12 =	simm.s32 $0x51E800  }
0x10: {  	s20 =	simm.s32 $0x5000;
	s21 =	simm.s32 $0x7100;
	[dreg:$0x5] =	wrdreg s9  }
0x11: {  	s9 =	sadd.s32 s11, s23;
	s12 =	simm.s32 @!p0 $0x79E800;
	s26 =	smax.u32 s10, $0x1  }
.Ltmp0:
0x12: {  	s23 =	simm.s32 $0x5080;
	s15 =	sshrl.u32 s7, $0x3;
	(pc) =	sbr.rel .LBB2_1-.Ltmp0, $4  }
0x13: {  	s1 =	sadd.s32 s1, s9;
	s12 =	sadd.s32 s12, s0;
	[dreg:$0x8] =	wrdreg s26  }
0x14: {  	s26 =	simm.s32 $0x2;
	s25 =	sadd.s32 s5, s15;
	[dreg:$0x7] =	wrdreg s1  }
0x15: {  	s30 =	sadd.s32 s12, s24;
	s15 =	sshrl.u32 s14, $0x3;
	[dreg:$0x6] =	wrdreg s25  }
0x16: {  	v0 =	vmov s13;
	s24 =	simm.s32 $0x1;
	[dreg:$0x9] =	wrdreg s30;
	s25 =	simm.s32 $0xD100  }
.LBB2_10:
0x17: {  	[spmem:s2] =	stream.indirect.scatter.add.f32 [tilespmem:s29], [sflag:$0x4], $0x40, s23, s17, $0xb8;
	[tilespmem:$0x1AF00] =	vst v63  }
0x18: {  	s0 =	simm.s32 $0x4  }
0x19: {  	_ =	swait.ge [sflag:s0], $0x2000  }
0x1a: {  	[sflag:s0] =	ssyncset.done $0x0  }
0x1b: {  	[sflag:s0] =	ssyncadd.s32 $0xFFFFE000  }
0x1c: {  	[bflag:$0x0] =	sbarrier.arrive $0xFFFF  }
0x1d: {  	s14 =	rddreg [dreg:$0x7]  }
0x1e: {  	[hbm:s14], [sflag:s8] =	dma.local [spmem:s15], $0x13C0  }
0x1f: {  	_ =	swait.ge [sflag:s16], $0x13C0  }
0x20: {  	s31 =	sadd.s32 $0x1, s31;
	s30 =	rddreg [dreg:$0x8]  }
0x21: {  	p0 =	sne.s32 s31, s30  }
.Ltmp1:
0x22: {  	_ = 	snop;
	(pc) =	sbr.rel @!p0 .LBB2_11-.Ltmp1, $3  }
0x23: {  	_ =	sdelay $0x1  }
0x24: {  	[sflag:s16] =	ssyncset.done $0x0  }
0x25: {  	[sflag:s16] =	ssyncadd.s32 $0xFFFFEC40  }
.LBB2_1:
0x26: {  	s0 =	rddreg [dreg:$0x4]  }
0x27: {  	[spmem:s15], [sflag:s8] =	dma.local [hbm:s0], $0x13C0  }
0x28: {  	_ =	swait.ge [sflag:s16], $0x13C0  }
0x29: {  	[sflag:s16] =	ssyncset.done $0x0  }
0x2a: {  	s30 =	rddreg [dreg:$0x5];
	[sflag:s16] =	ssyncadd.s32 $0xFFFFEC40  }
0x2b: {  	[tilespmem:s3], [sflag:$0x5] =	stream.linear.gather [hbm4b:s30+s3], $0x5000, $0x38;
	[tilespmem:$0x1AF00] =	vst v63  }
0x2c: {  	_ =	swait.ge [sflag:s16], $0x5000  }
0x2d: {  	[sflag:s16] =	ssyncset.done $0x0  }
0x2e: {  	s0 =	simm.s32 $0x100;
	[sflag:s16] =	ssyncadd.s32 $0xFFFFB000  }
0x2f: {  	v1 =	vld [tilespmem:s0+$0xFFFFFF10]  }
0x30: {  	v7 =	vld [tilespmem:s0+$0xF0]  }
0x31: {  	v2 =	vld [tilespmem:s0+$0xFFFFFF20]  }
0x32: {  	v8 =	vld [tilespmem:s0+$0xFFFFFF80]  }
0x33: {  	v3 =	vld [tilespmem:s0+$0xFFFFFF30]  }
0x34: {  	v9 =	vld [tilespmem:s0+$0xFFFFFF90];
	v1 =	vadd.s32 v0, v1  }
0x35: {  	v4 =	vld [tilespmem:s0+$0xFFFFFF40];
	v7 =	vadd.s32 v0, v7;
	[tilespmem:s0+$0xFFFFFF10] =	vst v1  }
0x36: {  	v5 =	vld [tilespmem:s0+$0xFFFFFF50];
	v2 =	vadd.s32 v0, v2;
	[tilespmem:s0+$0xF0] =	vst v7  }
0x37: {  	v6 =	vld [tilespmem:s0+$0xFFFFFF60];
	[tilespmem:s0+$0xFFFFFF20] =	vst v2;
	v2 =	vadd.s32 v0, v8  }
0x38: {  	v1 =	vld [tilespmem:s0+$0xFFFFFF70];
	[tilespmem:s0+$0xFFFFFF80] =	vst v2;
	v2 =	vadd.s32 v0, v3  }
0x39: {  	v10 =	vld [tilespmem:s0+$0xFFFFFFA0];
	[tilespmem:s0+$0xFFFFFF30] =	vst v2;
	v2 =	vadd.s32 v0, v9  }
0x3a: {  	v11 =	vld [tilespmem:s0+$0xFFFFFFB0];
	[tilespmem:s0+$0xFFFFFF90] =	vst v2;
	v2 =	vadd.s32 v0, v4  }
0x3b: {  	v7 =	vld [tilespmem:s0+$0xFFFFFFC0];
	[tilespmem:s0+$0xFFFFFF40] =	vst v2;
	v2 =	vadd.s32 v0, v5  }
0x3c: {  	v5 =	vld [tilespmem:s0+$0x0];
	[tilespmem:s0+$0xFFFFFF50] =	vst v2;
	v2 =	vadd.s32 v0, v6  }
0x3d: {  	v8 =	vld [tilespmem:s0+$0xFFFFFFD0];
	v1 =	vadd.s32 v0, v1;
	[tilespmem:s0+$0xFFFFFF60] =	vst v2  }
0x3e: {  	v2 =	vld [tilespmem:s0+$0x10];
	[tilespmem:s0+$0xFFFFFF70] =	vst v1;
	v1 =	vadd.s32 v0, v10  }
0x3f: {  	v3 =	vld [tilespmem:s0+$0xFFFFFFE0];
	[tilespmem:s0+$0xFFFFFFA0] =	vst v1;
	v1 =	vadd.s32 v0, v11  }
0x40: {  	v4 =	vld [tilespmem:s0+$0xFFFFFFF0];
	[tilespmem:s0+$0xFFFFFFB0] =	vst v1;
	v1 =	vadd.s32 v0, v7  }
0x41: {  	v6 =	vld [tilespmem:s0+$0x20];
	[tilespmem:s0+$0xFFFFFFC0] =	vst v1;
	v1 =	vadd.s32 v0, v5  }
0x42: {  	v5 =	vld [tilespmem:s0+$0x50];
	[tilespmem:s0+$0x0] =	vst v1;
	v1 =	vadd.s32 v0, v8  }
0x43: {  	v63 =	vld [tilespmem:s0+$0x30];
	[tilespmem:s0+$0xFFFFFFD0] =	vst v1;
	v1 =	vadd.s32 v0, v2  }
0x44: {  	v7 =	vld [tilespmem:s0+$0x40];
	[tilespmem:s0+$0x10] =	vst v1;
	v1 =	vadd.s32 v0, v3  }
0x45: {  	v2 =	vld [tilespmem:s0+$0x60];
	[tilespmem:s0+$0xFFFFFFE0] =	vst v1;
	v1 =	vadd.s32 v0, v4  }
0x46: {  	v3 =	vld [tilespmem:s0+$0x80];
	[tilespmem:s0+$0xFFFFFFF0] =	vst v1;
	v1 =	vadd.s32 v0, v6  }
0x47: {  	v4 =	vld [tilespmem:s0+$0x70];
	v5 =	vadd.s32 v0, v5;
	[tilespmem:s0+$0x20] =	vst v1  }
0x48: {  	v6 =	vld [tilespmem:s0+$0x90];
	v1 =	vadd.s32 v0, v63;
	[tilespmem:s0+$0x50] =	vst v5  }
0x49: {  	[tilespmem:s0+$0x30] =	vst v1;
	v1 =	vadd.s32 v0, v7;
	v7 =	vld [tilespmem:s0+$0xA0]  }
0x4a: {  	v5 =	vadd.s32 v0, v2;
	[tilespmem:s0+$0x40] =	vst v1;
	v1 =	vld [tilespmem:s0+$0xB0]  }
0x4b: {  	v2 =	vld [tilespmem:s0+$0xC0];
	[tilespmem:s0+$0x60] =	vst v5;
	v5 =	vadd.s32 v0, v3  }
0x4c: {  	v3 =	vld [tilespmem:s0+$0xD0];
	v4 =	vadd.s32 v0, v4;
	[tilespmem:s0+$0x80] =	vst v5  }
0x4d: {  	[tilespmem:s0+$0x70] =	vst v4;
	v6 =	vadd.s32 v0, v6;
	v4 =	vld [tilespmem:s0+$0xE0]  }
0x4e: {  	s1 =	simm.s32 $0x0;
	s6 =	simm.s32 $0x300;
	v5 =	vld [tilespmem:s0+$0xFFFFFF00];
	[tilespmem:s0+$0x90] =	vst v6;
	v6 =	vadd.s32 v0, v7  }
.LBB2_2:
0x4f: {  	v7 =	vld [tilespmem:s6+$0xF0];
	s1 =	sadd.s32 $0x4, s1;
	[tilespmem:s0+$0xA0] =	vst v6;
	v1 =	vadd.s32 v0, v1  }
0x50: {  	v6 =	vld [tilespmem:s6+$0xFFFFFF10];
	p0 =	slt.u32 s1, $0x9C;
	[tilespmem:s0+$0xB0] =	vst v1;
	v1 =	vadd.s32 v0, v2  }
0x51: {  	v2 =	vld [tilespmem:s6+$0xFFFFFF20];
	[tilespmem:s0+$0xC0] =	vst v1;
	v1 =	vadd.s32 v0, v3  }
0x52: {  	v3 =	vld [tilespmem:s6+$0xFFFFFF30];
	[tilespmem:s0+$0xD0] =	vst v1;
	v1 =	vadd.s32 v0, v4  }
0x53: {  	v4 =	vld [tilespmem:s6+$0xFFFFFF40];
	v5 =	vadd.s32 v0, v5;
	[tilespmem:s0+$0xE0] =	vst v1  }
0x54: {  	v1 =	vld [tilespmem:s6+$0xFFFFFF50];
	v7 =	vadd.s32 v0, v7;
	[tilespmem:s0+$0xFFFFFF00] =	vst v5;
	s0 =	smov.u32 s6  }
0x55: {  	v5 =	vadd.s32 v0, v6;
	v6 =	vld [tilespmem:s6+$0xFFFFFF60];
	[tilespmem:s6+$0xF0] =	vst v7  }
0x56: {  	[tilespmem:s6+$0xFFFFFF10] =	vst v5;
	v2 =	vadd.s32 v0, v2;
	v5 =	vld [tilespmem:s6+$0xFFFFFF70]  }
0x57: {  	[tilespmem:s6+$0xFFFFFF20] =	vst v2;
	v2 =	vadd.s32 v0, v3;
	v3 =	vld [tilespmem:s6+$0xFFFFFF80]  }
0x58: {  	[tilespmem:s6+$0xFFFFFF30] =	vst v2;
	v2 =	vadd.s32 v0, v4;
	v4 =	vld [tilespmem:s6+$0xFFFFFF90]  }
0x59: {  	[tilespmem:s6+$0xFFFFFF40] =	vst v2;
	v1 =	vadd.s32 v0, v1;
	v2 =	vld [tilespmem:s6+$0xFFFFFFA0]  }
0x5a: {  	[tilespmem:s6+$0xFFFFFF50] =	vst v1;
	v1 =	vadd.s32 v0, v6;
	v6 =	vld [tilespmem:s6+$0xFFFFFFB0]  }
0x5b: {  	[tilespmem:s6+$0xFFFFFF60] =	vst v1;
	v1 =	vadd.s32 v0, v5;
	v5 =	vld [tilespmem:s6+$0xFFFFFFC0]  }
0x5c: {  	[tilespmem:s6+$0xFFFFFF70] =	vst v1;
	v1 =	vadd.s32 v0, v3;
	v3 =	vld [tilespmem:s6+$0xFFFFFFD0]  }
0x5d: {  	[tilespmem:s6+$0xFFFFFF80] =	vst v1;
	v1 =	vadd.s32 v0, v4;
	v4 =	vld [tilespmem:s6+$0xFFFFFFE0]  }
0x5e: {  	[tilespmem:s6+$0xFFFFFF90] =	vst v1;
	v1 =	vadd.s32 v0, v2;
	v2 =	vld [tilespmem:s6+$0xFFFFFFF0]  }
0x5f: {  	[tilespmem:s6+$0xFFFFFFA0] =	vst v1;
	v1 =	vadd.s32 v0, v6;
	v6 =	vld [tilespmem:s6+$0x0]  }
0x60: {  	[tilespmem:s6+$0xFFFFFFB0] =	vst v1;
	v1 =	vadd.s32 v0, v5;
	v5 =	vld [tilespmem:s6+$0x10]  }
0x61: {  	[tilespmem:s6+$0xFFFFFFC0] =	vst v1;
	v1 =	vadd.s32 v0, v3;
	v3 =	vld [tilespmem:s6+$0x20]  }
0x62: {  	[tilespmem:s6+$0xFFFFFFD0] =	vst v1;
	v1 =	vadd.s32 v0, v4;
	v4 =	vld [tilespmem:s6+$0x30]  }
0x63: {  	[tilespmem:s6+$0xFFFFFFE0] =	vst v1;
	v1 =	vadd.s32 v0, v2;
	v2 =	vld [tilespmem:s6+$0x40]  }
0x64: {  	[tilespmem:s6+$0xFFFFFFF0] =	vst v1;
	v1 =	vadd.s32 v0, v6;
	v6 =	vld [tilespmem:s6+$0x50]  }
0x65: {  	[tilespmem:s6+$0x0] =	vst v1;
	v1 =	vadd.s32 v0, v5;
	v5 =	vld [tilespmem:s6+$0x60]  }
0x66: {  	[tilespmem:s6+$0x10] =	vst v1;
	v1 =	vadd.s32 v0, v3;
	v3 =	vld [tilespmem:s6+$0x70]  }
0x67: {  	[tilespmem:s6+$0x20] =	vst v1;
	v1 =	vadd.s32 v0, v4;
	v4 =	vld [tilespmem:s6+$0x80]  }
0x68: {  	[tilespmem:s6+$0x30] =	vst v1;
	v1 =	vadd.s32 v0, v2;
	v7 =	vld [tilespmem:s6+$0x90]  }
0x69: {  	[tilespmem:s6+$0x40] =	vst v1;
	v1 =	vadd.s32 v0, v6;
	v6 =	vld [tilespmem:s6+$0xA0]  }
.Ltmp2:
0x6a: {  	[tilespmem:s6+$0x50] =	vst v1;
	v2 =	vadd.s32 v0, v5;
	v1 =	vld [tilespmem:s6+$0xB0];
	(pc) =	sbr.rel @p0 .LBB2_2-.Ltmp2, $4  }
0x6b: {  	[tilespmem:s6+$0x60] =	vst v2;
	v3 =	vadd.s32 v0, v3;
	v2 =	vld [tilespmem:s6+$0xC0]  }
0x6c: {  	[tilespmem:s6+$0x70] =	vst v3;
	v4 =	vadd.s32 v0, v4;
	v3 =	vld [tilespmem:s6+$0xD0]  }
0x6d: {  	[tilespmem:s6+$0x80] =	vst v4;
	v7 =	vadd.s32 v0, v7;
	v4 =	vld [tilespmem:s6+$0xE0]  }
0x6e: {  	s6 =	sadd.s32 $0x200, s6;
	v5 =	vld [tilespmem:s0+$0xFFFFFF00];
	[tilespmem:s0+$0x90] =	vst v7;
	v6 =	vadd.s32 v0, v6  }
0x6f: {  	[tilespmem:s0+$0xA0] =	vst v6;
	v1 =	vadd.s32 v0, v1  }
0x70: {  	[tilespmem:s0+$0xB0] =	vst v1;
	v1 =	vadd.s32 v0, v2  }
0x71: {  	[tilespmem:s0+$0xC0] =	vst v1;
	v1 =	vadd.s32 v0, v3  }
0x72: {  	[tilespmem:s0+$0xD0] =	vst v1;
	v1 =	vadd.s32 v0, v4  }
0x73: {  	v2 =	vadd.s32 v0, v5;
	[tilespmem:s0+$0xE0] =	vst v1  }
0x74: {  	[tilespmem:s0+$0xFFFFFF00] =	vst v2  }
0x75: {  	s0 =	simm.s32 $0x0;
	[bflag:$0x0] =	sbarrier.arrive $0xFFFF  }
0x76: {  	[tilespmem:s18], [sflag:$0x1] =	stream.indirect.gather [hbm4b:s4+s17], $0x40, s0, s17, $0xb8;
	[tilespmem:$0x1AF00] =	vst v63  }
0x77: {  	s1 =	rddreg [dreg:$0x9]  }
0x78: {  	[tilespmem:s19], [sflag:$0x1] =	stream.linear.gather [hbm4b:s1+s0], $0x2000, $0x38;
	[tilespmem:$0x1AF00] =	vst v63  }
0x79: {  	s30 =	rddreg [dreg:$0x6]  }
0x7a: {  	[tilespmem:s20], [sflag:$0x1] =	stream.linear.gather [hbm4b:s30+s0], $0x80, $0x38;
	[tilespmem:$0x1AF00] =	vst v63  }
.LBB2_4:
0x7b: {  	p0 =	seq.s32 s0, $0x0  }
0x7c: {  	s1 =	sshll.u32 s0, $0x8;
	s6 =	simm.s32 @!p0 $0x4  }
0x7d: {  	s9 =	sor.u32 $0x80, s1;
	_ =	swait.ge @!p0 [sflag:s6], $0x2000  }
0x7e: {  	s13 =	sadd.s32 s7, s9;
	[sflag:s6] =	ssyncset.done @!p0 $0x0  }
0x7f: {  	s14 =	sshll.u32 s13, $0x3;
	[sflag:s6] =	ssyncadd.s32 @!p0 $0xFFFFE000  }
0x80: {  	[tilespmem:s21], [sflag:$0x2] =	stream.indirect.gather [hbm4b:s4+s17], $0x40, s9, s17, $0xb8;
	[tilespmem:$0x1AF00] =	vst v63  }
0x81: {  	s6 =	sshrl.u32 s13, $0x3;
	s9 =	sadd.s32 s12, s14  }
0x82: {  	[tilespmem:s22], [sflag:$0x2] =	stream.linear.gather [hbm4b:s9+s3], $0x2000, $0x38;
	[tilespmem:$0x1AF00] =	vst v63  }
0x83: {  	s6 =	sadd.s32 s5, s6  }
0x84: {  	[tilespmem:s23], [sflag:$0x2] =	stream.linear.gather [hbm4b:s6+s3], $0x80, $0x38;
	[tilespmem:$0x1AF00] =	vst v63  }
0x85: {  	_ =	swait.ge [sflag:s24], $0x2000  }
0x86: {  	[sflag:s24] =	ssyncset.done $0x0  }
0x87: {  	[sflag:s24] =	ssyncadd.s32 $0xFFFFE000  }
0x88: {  	_ =	swait.ge [sflag:s24], $0x80  }
0x89: {  	[sflag:s24] =	ssyncset.done $0x0  }
0x8a: {  	[sflag:s24] =	ssyncadd.s32 $0xFFFFFF80  }
0x8b: {  	_ =	swait.ge [sflag:s24], $0x2000  }
0x8c: {  	[sflag:s24] =	ssyncset.done $0x0  }
0x8d: {  	s14 =	simm.s32 $0x6100;
	[sflag:s24] =	ssyncadd.s32 $0xFFFFE000  }
0x8e: {  	s13 =	simm.s32 $0x9200;
	v1 =	vld [tilespmem:s14+$0xFFFFF0C0]  }
0x8f: {  	v2 =	vld [tilespmem:s13+$0x80];
	_ =	sdelay $0x4  }
0x90: {  	v3 =	vld [tilespmem:s14+$0xFFFFF040];
	v1 =	vadd.f32 v2, v1  }
0x91: {  	v2 =	vld [tilespmem:s13+$0xFFFFFF80]  }
0x92: {  	s6 =	simm.s32 $0xE100;
	v4 =	vld [tilespmem:s13+$0xFFFFFF00];
	v1 =	vmax.f32 v1, $0.0e+00  }
0x93: {  	v5 =	vld [tilespmem:s14+$0xFFFFF000];
	[tilespmem:s6+$0xFFFFF0C0] =	vst v1  }
0x94: {  	v1 =	vld [tilespmem:s14+$0xFFFFF0D0]  }
0x95: {  	v6 =	vld [tilespmem:s13+$0x90]  }
0x96: {  	v7 =	vld [tilespmem:s14+$0xFFFFF080];
	v2 =	vadd.f32 v2, v3  }
0x97: {  	v3 =	vld [tilespmem:s13+$0x0]  }
0x98: {  	v4 =	vadd.f32 v4, v5;
	v2 =	vmax.f32 v2, $0.0e+00  }
0x99: {  	[tilespmem:s6+$0xFFFFF040] =	vst v2  }
0x9a: {  	v4 =	vmax.f32 v4, $0.0e+00;
	v2 =	vld [tilespmem:s14+$0xFFFFF050];
	v1 =	vadd.f32 v6, v1  }
0x9b: {  	[tilespmem:s6+$0xFFFFF000] =	vst v4;
	v5 =	vld [tilespmem:s13+$0xFFFFFF90]  }
0x9c: {  	v4 =	vld [tilespmem:s14+$0xFFFFF010];
	v3 =	vadd.f32 v3, v7;
	v1 =	vmax.f32 v1, $0.0e+00  }
0x9d: {  	v6 =	vld [tilespmem:s13+$0xFFFFFF10];
	[tilespmem:s6+$0xFFFFF0D0] =	vst v1  }
0x9e: {  	v1 =	vmax.f32 v3, $0.0e+00;
	v3 =	vld [tilespmem:s14+$0xFFFFF0E0]  }
0x9f: {  	[tilespmem:s6+$0xFFFFF080] =	vst v1;
	v1 =	vld [tilespmem:s13+$0xA0]  }
0xa0: {  	v7 =	vld [tilespmem:s14+$0xFFFFF090];
	v2 =	vadd.f32 v5, v2  }
0xa1: {  	v5 =	vld [tilespmem:s13+$0x10]  }
0xa2: {  	v2 =	vmax.f32 v2, $0.0e+00  }
0xa3: {  	v4 =	vadd.f32 v6, v4;
	[tilespmem:s6+$0xFFFFF050] =	vst v2  }
0xa4: {  	v2 =	vld [tilespmem:s14+$0xFFFFF060];
	v1 =	vadd.f32 v1, v3  }
0xa5: {  	v4 =	vmax.f32 v4, $0.0e+00;
	v3 =	vld [tilespmem:s13+$0xFFFFFFA0]  }
0xa6: {  	[tilespmem:s6+$0xFFFFF010] =	vst v4;
	v4 =	vadd.f32 v5, v7;
	v1 =	vmax.f32 v1, $0.0e+00  }
0xa7: {  	[tilespmem:s6+$0xFFFFF0E0] =	vst v1  }
0xa8: {  	v1 =	vmax.f32 v4, $0.0e+00;
	v4 =	vld [tilespmem:s14+$0xFFFFF0F0]  }
0xa9: {  	[tilespmem:s6+$0xFFFFF090] =	vst v1;
	v1 =	vld [tilespmem:s13+$0xB0]  }
0xaa: {  	v2 =	vadd.f32 v3, v2;
	v3 =	vld [tilespmem:s14+$0xFFFFF0A0]  }
0xab: {  	v7 =	vld [tilespmem:s13+$0x20]  }
0xac: {  	v6 =	vld [tilespmem:s13+$0xFFFFFF20];
	v2 =	vmax.f32 v2, $0.0e+00  }
0xad: {  	v5 =	vld [tilespmem:s14+$0xFFFFF020];
	[tilespmem:s6+$0xFFFFF060] =	vst v2  }
0xae: {  	v2 =	vld [tilespmem:s14+$0xFFFFF070];
	v1 =	vadd.f32 v1, v4  }
0xaf: {  	v4 =	vld [tilespmem:s13+$0xFFFFFFB0]  }
0xb0: {  	v3 =	vadd.f32 v7, v3;
	v1 =	vmax.f32 v1, $0.0e+00  }
0xb1: {  	[tilespmem:s6+$0xFFFFF0F0] =	vst v1  }
0xb2: {  	v5 =	vadd.f32 v6, v5;
	v1 =	vmax.f32 v3, $0.0e+00;
	v3 =	vld [tilespmem:s14+$0xC0]  }
0xb3: {  	[tilespmem:s6+$0xFFFFF0A0] =	vst v1;
	v1 =	vld [tilespmem:s13+$0xC0]  }
0xb4: {  	v5 =	vmax.f32 v5, $0.0e+00;
	v2 =	vadd.f32 v4, v2;
	v4 =	vld [tilespmem:s14+$0xFFFFF0B0]  }
0xb5: {  	[tilespmem:s6+$0xFFFFF020] =	vst v5;
	v7 =	vld [tilespmem:s13+$0x30]  }
0xb6: {  	v5 =	vld [tilespmem:s14+$0xFFFFF030];
	v2 =	vmax.f32 v2, $0.0e+00  }
0xb7: {  	v6 =	vld [tilespmem:s13+$0xFFFFFF30];
	[tilespmem:s6+$0xFFFFF070] =	vst v2  }
0xb8: {  	v2 =	vld [tilespmem:s14+$0x40];
	v1 =	vadd.f32 v1, v3  }
0xb9: {  	v3 =	vld [tilespmem:s13+$0xFFFFFFC0]  }
0xba: {  	s11 =	simm.s32 $0x9400;
	v4 =	vadd.f32 v7, v4;
	v1 =	vmax.f32 v1, $0.0e+00  }
0xbb: {  	v11 =	vld [tilespmem:s11+$0xFFFFFF00];
	[tilespmem:s6+$0xC0] =	vst v1  }
0xbc: {  	v1 =	vmax.f32 v4, $0.0e+00;
	v4 =	vld [tilespmem:s14+$0xD0]  }
0xbd: {  	v5 =	vadd.f32 v6, v5;
	[tilespmem:s6+$0xFFFFF0B0] =	vst v1;
	v1 =	vld [tilespmem:s13+$0xD0]  }
0xbe: {  	v2 =	vadd.f32 v3, v2;
	v3 =	vld [tilespmem:s14+$0x80]  }
0xbf: {  	s9 =	simm.s32 $0x6200;
	v5 =	vmax.f32 v5, $0.0e+00;
	v7 =	vld [tilespmem:s13+$0x40]  }
0xc0: {  	v52 =	vld [tilespmem:s9+$0xFFFFF000];
	[tilespmem:s6+$0xFFFFF030] =	vst v5  }
0xc1: {  	v5 =	vld [tilespmem:s14+$0x0]  }
0xc2: {  	v6 =	vld [tilespmem:s13+$0xFFFFFF40];
	v1 =	vadd.f32 v1, v4  }
0xc3: {  	v9 =	vld [tilespmem:s9+$0xFFFFF0C0]  }
0xc4: {  	v10 =	vld [tilespmem:s11+$0x80];
	v3 =	vadd.f32 v7, v3;
	v1 =	vmax.f32 v1, $0.0e+00  }
0xc5: {  	v12 =	vld [tilespmem:s11+$0xFFFFFF80];
	v11 =	vadd.f32 v11, v52;
	[tilespmem:s6+$0xD0] =	vst v1  }
0xc6: {  	v1 =	vmax.f32 v3, $0.0e+00;
	v3 =	vld [tilespmem:s14+$0xE0]  }
0xc7: {  	s10 =	simm.s32 $0xE200;
	v11 =	vmax.f32 v11, $0.0e+00;
	v5 =	vadd.f32 v6, v5;
	[tilespmem:s6+$0x80] =	vst v1;
	v1 =	vld [tilespmem:s13+$0xE0]  }
0xc8: {  	v13 =	vld [tilespmem:s9+$0xFFFFF080];
	[tilespmem:s10+$0xFFFFF000] =	vst v11;
	v2 =	vmax.f32 v2, $0.0e+00  }
0xc9: {  	v11 =	vld [tilespmem:s9+$0xFFFFF010];
	[tilespmem:s6+$0x40] =	vst v2;
	v5 =	vmax.f32 v5, $0.0e+00  }
0xca: {  	v2 =	vld [tilespmem:s14+$0x50];
	[tilespmem:s6+$0x0] =	vst v5  }
0xcb: {  	v5 =	vld [tilespmem:s14+$0x10]  }
0xcc: {  	v6 =	vld [tilespmem:s13+$0xFFFFFF50];
	v1 =	vadd.f32 v1, v3  }
0xcd: {  	v3 =	vld [tilespmem:s9+$0xFFFFF040]  }
0xce: {  	v4 =	vld [tilespmem:s13+$0xFFFFFFD0];
	v1 =	vmax.f32 v1, $0.0e+00  }
0xcf: {  	v7 =	vld [tilespmem:s14+$0x90];
	[tilespmem:s6+$0xE0] =	vst v1;
	v1 =	vadd.f32 v10, v9  }
0xd0: {  	v8 =	vld [tilespmem:s13+$0x50]  }
0xd1: {  	v5 =	vadd.f32 v6, v5;
	v6 =	vld [tilespmem:s11+$0x0];
	v1 =	vmax.f32 v1, $0.0e+00  }
0xd2: {  	v54 =	vld [tilespmem:s11+$0xFFFFFF10];
	v3 =	vadd.f32 v12, v3;
	[tilespmem:s10+$0xFFFFF0C0] =	vst v1  }
0xd3: {  	v1 =	vmax.f32 v5, $0.0e+00;
	v5 =	vld [tilespmem:s9+$0xFFFFF0D0]  }
0xd4: {  	v2 =	vadd.f32 v4, v2;
	[tilespmem:s6+$0x10] =	vst v1;
	v1 =	vmax.f32 v3, $0.0e+00;
	v3 =	vld [tilespmem:s11+$0x90]  }
0xd5: {  	v7 =	vadd.f32 v8, v7;
	v50 =	vld [tilespmem:s14+$0xF0]  }
0xd6: {  	v2 =	vmax.f32 v2, $0.0e+00;
	v6 =	vadd.f32 v6, v13;
	v51 =	vld [tilespmem:s13+$0xF0];
	[tilespmem:s10+$0xFFFFF040] =	vst v1  }
0xd7: {  	[tilespmem:s6+$0x50] =	vst v2;
	v7 =	vmax.f32 v7, $0.0e+00;
	v4 =	vld [tilespmem:s9+$0xFFFFF050]  }
0xd8: {  	v2 =	vmax.f32 v6, $0.0e+00;
	[tilespmem:s6+$0x90] =	vst v7;
	v53 =	vld [tilespmem:s11+$0xFFFFFF90]  }
0xd9: {  	v7 =	vld [tilespmem:s13+$0xFFFFFFE0];
	[tilespmem:s10+$0xFFFFF080] =	vst v2;
	v2 =	vadd.f32 v3, v5  }
0xda: {  	v57 =	vld [tilespmem:s14+$0xA0]  }
0xdb: {  	v58 =	vld [tilespmem:s13+$0x60];
	v2 =	vmax.f32 v2, $0.0e+00  }
0xdc: {  	v1 =	vld [tilespmem:s14+$0x20];
	[tilespmem:s10+$0xFFFFF0D0] =	vst v2  }
0xdd: {  	v4 =	vadd.f32 v53, v4;
	v2 =	vld [tilespmem:s9+$0xFFFFF0E0]  }
0xde: {  	v55 =	vld [tilespmem:s11+$0xA0]  }
0xdf: {  	v5 =	vld [tilespmem:s9+$0xFFFFF090];
	v4 =	vmax.f32 v4, $0.0e+00  }
0xe0: {  	[tilespmem:s10+$0xFFFFF050] =	vst v4;
	v4 =	vld [tilespmem:s11+$0x10]  }
0xe1: {  	v11 =	vadd.f32 v54, v11;
	v8 =	vld [tilespmem:s9+$0xFFFFF060]  }
0xe2: {  	v56 =	vld [tilespmem:s11+$0xFFFFFFA0]  }
0xe3: {  	v11 =	vmax.f32 v11, $0.0e+00;
	v6 =	vld [tilespmem:s13+$0xFFFFFF60];
	v2 =	vadd.f32 v55, v2  }
0xe4: {  	[tilespmem:s10+$0xFFFFF010] =	vst v11;
	v3 =	vld [tilespmem:s14+$0x60]  }
0xe5: {  	v4 =	vadd.f32 v4, v5;
	v5 =	vld [tilespmem:s9+$0xFFFFF020];
	v2 =	vmax.f32 v2, $0.0e+00  }
0xe6: {  	[tilespmem:s10+$0xFFFFF0E0] =	vst v2;
	v2 =	vld [tilespmem:s11+$0xFFFFFF20]  }
0xe7: {  	v8 =	vadd.f32 v56, v8;
	v4 =	vmax.f32 v4, $0.0e+00;
	v59 =	vld [tilespmem:s9+$0xFFFFF0F0]  }
0xe8: {  	v1 =	vadd.f32 v6, v1;
	[tilespmem:s10+$0xFFFFF090] =	vst v4;
	v4 =	vld [tilespmem:s11+$0xB0]  }
0xe9: {  	v6 =	vmax.f32 v8, $0.0e+00;
	v8 =	vld [tilespmem:s9+$0xFFFFF0A0]  }
0xea: {  	v1 =	vmax.f32 v1, $0.0e+00;
	[tilespmem:s10+$0xFFFFF060] =	vst v6;
	v6 =	vld [tilespmem:s11+$0x20]  }
0xeb: {  	[tilespmem:s6+$0x20] =	vst v1;
	v1 =	vld [tilespmem:s11+$0xFFFFFFB0];
	v2 =	vadd.f32 v2, v5  }
0xec: {  	v5 =	vld [tilespmem:s9+$0xFFFFF070]  }
0xed: {  	v60 =	vld [tilespmem:s14+$0x30];
	v4 =	vadd.f32 v4, v59;
	v2 =	vmax.f32 v2, $0.0e+00  }
0xee: {  	[tilespmem:s10+$0xFFFFF020] =	vst v2;
	v2 =	vld [tilespmem:s13+$0xFFFFFF70]  }
0xef: {  	v6 =	vadd.f32 v6, v8;
	v4 =	vmax.f32 v4, $0.0e+00;
	v8 =	vld [tilespmem:s9+$0xFFFFF030]  }
0xf0: {  	[tilespmem:s10+$0xFFFFF0F0] =	vst v4;
	v4 =	vld [tilespmem:s11+$0xFFFFFF30]  }
0xf1: {  	v1 =	vadd.f32 v1, v5;
	v5 =	vmax.f32 v6, $0.0e+00;
	v6 =	vld [tilespmem:s9+$0xC0]  }
0xf2: {  	[tilespmem:s10+$0xFFFFF0A0] =	vst v5;
	v5 =	vld [tilespmem:s11+$0xC0]  }
0xf3: {  	v3 =	vadd.f32 v7, v3;
	v1 =	vmax.f32 v1, $0.0e+00;
	v7 =	vld [tilespmem:s9+$0xFFFFF0B0]  }
0xf4: {  	[tilespmem:s10+$0xFFFFF070] =	vst v1;
	v1 =	vld [tilespmem:s11+$0x30]  }
0xf5: {  	v3 =	vmax.f32 v3, $0.0e+00;
	v4 =	vadd.f32 v4, v8;
	v8 =	vld [tilespmem:s9+$0x40]  }
0xf6: {  	[tilespmem:s6+$0x60] =	vst v3;
	v3 =	vld [tilespmem:s11+$0xFFFFFFC0]  }
0xf7: {  	v4 =	vmax.f32 v4, $0.0e+00;
	v5 =	vadd.f32 v5, v6;
	v6 =	vld [tilespmem:s14+$0x70]  }
0xf8: {  	[tilespmem:s10+$0xFFFFF030] =	vst v4;
	v4 =	vld [tilespmem:s13+$0xFFFFFFF0]  }
0xf9: {  	v1 =	vadd.f32 v1, v7;
	v7 =	vld [tilespmem:s9+$0x0];
	v5 =	vmax.f32 v5, $0.0e+00  }
0xfa: {  	[tilespmem:s10+$0xC0] =	vst v5;
	v5 =	vld [tilespmem:s11+$0xFFFFFF40]  }
0xfb: {  	v3 =	vadd.f32 v3, v8;
	v1 =	vmax.f32 v1, $0.0e+00;
	v8 =	vld [tilespmem:s9+$0xD0]  }
0xfc: {  	[tilespmem:s10+$0xFFFFF0B0] =	vst v1;
	v1 =	vld [tilespmem:s11+$0xD0]  }
0xfd: {  	v11 =	vadd.f32 v58, v57;
	v3 =	vmax.f32 v3, $0.0e+00;
	v61 =	vld [tilespmem:s9+$0x80]  }
0xfe: {  	[tilespmem:s10+$0x40] =	vst v3;
	v3 =	vld [tilespmem:s11+$0x40]  }
0xff: {  	v11 =	vmax.f32 v11, $0.0e+00;
	v62 =	vld [tilespmem:s11+$0xFFFFFFD0];
	v5 =	vadd.f32 v5, v7  }
0x100: {  	v9 =	vadd.f32 v51, v50;
	[tilespmem:s6+$0xA0] =	vst v11;
	v7 =	vld [tilespmem:s9+$0x50]  }
0x101: {  	v11 =	vld [tilespmem:s13+$0x70];
	v5 =	vmax.f32 v5, $0.0e+00;
	v1 =	vadd.f32 v1, v8  }
0x102: {  	v9 =	vmax.f32 v9, $0.0e+00;
	v2 =	vadd.f32 v2, v60;
	v8 =	vld [tilespmem:s14+$0xB0];
	[tilespmem:s10+$0x0] =	vst v5  }
0x103: {  	[tilespmem:s6+$0xF0] =	vst v9;
	v63 =	vadd.f32 v3, v61;
	v3 =	vld [tilespmem:s9+$0x10];
	v1 =	vmax.f32 v1, $0.0e+00  }
0x104: {  	v2 =	vmax.f32 v2, $0.0e+00;
	v4 =	vadd.f32 v4, v6;
	v5 =	vld [tilespmem:s11+$0xFFFFFF50];
	[tilespmem:s10+$0xD0] =	vst v1  }
0x105: {  	[tilespmem:s6+$0x30] =	vst v2;
	v1 =	vadd.f32 v62, v7;
	v6 =	vmax.f32 v63, $0.0e+00;
	v2 =	vld [tilespmem:s9+$0xE0]  }
0x106: {  	v7 =	vmax.f32 v4, $0.0e+00;
	[tilespmem:s10+$0x80] =	vst v6;
	v4 =	vld [tilespmem:s11+$0xE0]  }
0x107: {  	[tilespmem:s6+$0x70] =	vst v7;
	v7 =	vmax.f32 v1, $0.0e+00;
	v6 =	vld [tilespmem:s9+$0x90];
	v1 =	vadd.f32 v11, v8  }
0x108: {  	s30 =	simm.s32 $0x6300;
	s13 =	simm.s32 $0x9400;
	s14 =	simm.s32 $0x4;
	[tilespmem:s10+$0x50] =	vst v7;
	v7 =	vld [tilespmem:s11+$0x50]  }
.LBB2_5:
0x109: {  	v8 =	vld [tilespmem:s30+$0xFFFFF0C0];
	v3 =	vadd.f32 v5, v3;
	s11 =	sadd.s32 $0x200, s11;
	v1 =	vmax.f32 v1, $0.0e+00  }
0x10a: {  	v5 =	vld [tilespmem:s11+$0x80];
	[tilespmem:s6+$0xB0] =	vst v1;
	s6 =	smov.u32 s10  }
0x10b: {  	v1 =	vld [tilespmem:s11+$0xFFFFFF00];
	v3 =	vmax.f32 v3, $0.0e+00;
	v2 =	vadd.f32 v4, v2  }
0x10c: {  	v4 =	vld [tilespmem:s30+$0xFFFFF040];
	[tilespmem:s10+$0x10] =	vst v3  }
0x10d: {  	v3 =	vld [tilespmem:s11+$0xFFFFFF80];
	v6 =	vadd.f32 v7, v6;
	v2 =	vmax.f32 v2, $0.0e+00  }
0x10e: {  	v7 =	vld [tilespmem:s30+$0xFFFFF080];
	[tilespmem:s10+$0xE0] =	vst v2  }
0x10f: {  	v2 =	vadd.f32 v5, v8;
	v5 =	vmax.f32 v6, $0.0e+00;
	v6 =	vld [tilespmem:s9+$0xF0]  }
0x110: {  	[tilespmem:s10+$0x90] =	vst v5;
	v5 =	vld [tilespmem:s13+$0xF0]  }
0x111: {  	s14 =	sadd.s32 $0x4, s14;
	s10 =	sadd.s32 $0x100, s10;
	v8 =	vld [tilespmem:s11+$0x0];
	v2 =	vmax.f32 v2, $0.0e+00  }
0x112: {  	p0 =	slt.u32 s14, $0x3C;
	v9 =	vld [tilespmem:s30+$0xFFFFF000];
	v3 =	vadd.f32 v3, v4;
	[tilespmem:s10+$0xFFFFF0C0] =	vst v2  }
0x113: {  	v2 =	vld [tilespmem:s30+$0xFFFFF0D0]  }
0x114: {  	v3 =	vmax.f32 v3, $0.0e+00;
	v4 =	vld [tilespmem:s11+$0x90]  }
0x115: {  	[tilespmem:s10+$0xFFFFF040] =	vst v3;
	v3 =	vld [tilespmem:s9+$0x20];
	v5 =	vadd.f32 v5, v6  }
0x116: {  	v6 =	vld [tilespmem:s30+$0xFFFFF050];
	v7 =	vadd.f32 v8, v7  }
0x117: {  	v1 =	vadd.f32 v1, v9;
	v8 =	vld [tilespmem:s11+$0xFFFFFF90];
	v5 =	vmax.f32 v5, $0.0e+00  }
0x118: {  	v7 =	vmax.f32 v7, $0.0e+00;
	v9 =	vld [tilespmem:s13+$0xFFFFFF60];
	[tilespmem:s6+$0xF0] =	vst v5  }
0x119: {  	v1 =	vmax.f32 v1, $0.0e+00;
	[tilespmem:s10+$0xFFFFF080] =	vst v7;
	v2 =	vadd.f32 v4, v2;
	v4 =	vld [tilespmem:s9+$0x60]  }
0x11a: {  	[tilespmem:s10+$0xFFFFF000] =	vst v1;
	v1 =	vld [tilespmem:s30+$0xFFFFF090]  }
0x11b: {  	v5 =	vld [tilespmem:s30+$0xFFFFF010];
	v2 =	vmax.f32 v2, $0.0e+00  }
0x11c: {  	v7 =	vld [tilespmem:s11+$0xFFFFFF10];
	v6 =	vadd.f32 v8, v6;
	[tilespmem:s10+$0xFFFFF0D0] =	vst v2  }
0x11d: {  	v2 =	vld [tilespmem:s30+$0xFFFFF0E0];
	v3 =	vadd.f32 v9, v3  }
0x11e: {  	v6 =	vmax.f32 v6, $0.0e+00;
	v8 =	vld [tilespmem:s11+$0xA0]  }
0x11f: {  	[tilespmem:s10+$0xFFFFF050] =	vst v6;
	v6 =	vld [tilespmem:s11+$0x10];
	v3 =	vmax.f32 v3, $0.0e+00  }
0x120: {  	v9 =	vld [tilespmem:s30+$0xFFFFF060];
	[tilespmem:s6+$0x20] =	vst v3  }
0x121: {  	v3 =	vadd.f32 v7, v5;
	v5 =	vld [tilespmem:s11+$0xFFFFFFA0]  }
0x122: {  	v7 =	vld [tilespmem:s13+$0xFFFFFFE0]  }
0x123: {  	v3 =	vmax.f32 v3, $0.0e+00;
	v2 =	vadd.f32 v8, v2;
	v8 =	vld [tilespmem:s9+$0xA0]  }
0x124: {  	[tilespmem:s10+$0xFFFFF010] =	vst v3;
	v1 =	vadd.f32 v6, v1;
	v3 =	vld [tilespmem:s13+$0x60]  }
0x125: {  	v6 =	vld [tilespmem:s30+$0xFFFFF020];
	v2 =	vmax.f32 v2, $0.0e+00  }
0x126: {  	v10 =	vld [tilespmem:s11+$0xFFFFFF20];
	v5 =	vadd.f32 v5, v9;
	v1 =	vmax.f32 v1, $0.0e+00;
	[tilespmem:s10+$0xFFFFF0E0] =	vst v2  }
0x127: {  	[tilespmem:s10+$0xFFFFF090] =	vst v1;
	v1 =	vld [tilespmem:s30+$0xFFFFF0F0];
	v2 =	vadd.f32 v7, v4  }
0x128: {  	v4 =	vmax.f32 v5, $0.0e+00;
	v5 =	vld [tilespmem:s11+$0xB0]  }
0x129: {  	[tilespmem:s10+$0xFFFFF060] =	vst v4;
	v4 =	vld [tilespmem:s30+$0xFFFFF0A0];
	v2 =	vmax.f32 v2, $0.0e+00;
	v3 =	vadd.f32 v3, v8  }
0x12a: {  	v7 =	vld [tilespmem:s11+$0x20];
	[tilespmem:s6+$0x60] =	vst v2  }
0x12b: {  	v2 =	vadd.f32 v10, v6;
	v6 =	vld [tilespmem:s30+$0xFFFFF070];
	v3 =	vmax.f32 v3, $0.0e+00  }
0x12c: {  	v8 =	vld [tilespmem:s11+$0xFFFFFFB0];
	[tilespmem:s6+$0xA0] =	vst v3  }
0x12d: {  	v2 =	vmax.f32 v2, $0.0e+00;
	v1 =	vadd.f32 v5, v1;
	v3 =	vld [tilespmem:s9+$0x30]  }
0x12e: {  	[tilespmem:s10+$0xFFFFF020] =	vst v2;
	v2 =	vld [tilespmem:s13+$0xFFFFFF70]  }
0x12f: {  	v5 =	vld [tilespmem:s30+$0xFFFFF030];
	v4 =	vadd.f32 v7, v4;
	v1 =	vmax.f32 v1, $0.0e+00  }
0x130: {  	v7 =	vld [tilespmem:s11+$0xFFFFFF30];
	[tilespmem:s10+$0xFFFFF0F0] =	vst v1  }
0x131: {  	v1 =	vadd.f32 v8, v6;
	v4 =	vmax.f32 v4, $0.0e+00;
	v6 =	vld [tilespmem:s30+$0xC0]  }
0x132: {  	[tilespmem:s10+$0xFFFFF0A0] =	vst v4;
	v4 =	vld [tilespmem:s11+$0xC0]  }
0x133: {  	v1 =	vmax.f32 v1, $0.0e+00;
	v8 =	vld [tilespmem:s30+$0xFFFFF0B0];
	v2 =	vadd.f32 v2, v3  }
0x134: {  	[tilespmem:s10+$0xFFFFF070] =	vst v1;
	v1 =	vld [tilespmem:s11+$0x30]  }
0x135: {  	v3 =	vadd.f32 v7, v5;
	v5 =	vld [tilespmem:s30+$0x40];
	v2 =	vmax.f32 v2, $0.0e+00  }
0x136: {  	v7 =	vld [tilespmem:s11+$0xFFFFFFC0];
	[tilespmem:s6+$0x30] =	vst v2  }
0x137: {  	v2 =	vmax.f32 v3, $0.0e+00;
	v3 =	vadd.f32 v4, v6;
	v4 =	vld [tilespmem:s9+$0x70]  }
0x138: {  	[tilespmem:s10+$0xFFFFF030] =	vst v2;
	v2 =	vld [tilespmem:s13+$0xFFFFFFF0]  }
0x139: {  	v6 =	vld [tilespmem:s30+$0x0];
	v1 =	vadd.f32 v1, v8;
	v3 =	vmax.f32 v3, $0.0e+00  }
0x13a: {  	v8 =	vld [tilespmem:s11+$0xFFFFFF40];
	[tilespmem:s10+$0xC0] =	vst v3  }
0x13b: {  	v3 =	vadd.f32 v7, v5;
	v1 =	vmax.f32 v1, $0.0e+00;
	v5 =	vld [tilespmem:s30+$0xD0]  }
0x13c: {  	[tilespmem:s10+$0xFFFFF0B0] =	vst v1;
	v1 =	vld [tilespmem:s11+$0xD0]  }
0x13d: {  	v3 =	vmax.f32 v3, $0.0e+00;
	v7 =	vld [tilespmem:s30+$0x80];
	v2 =	vadd.f32 v2, v4  }
0x13e: {  	[tilespmem:s10+$0x40] =	vst v3;
	v4 =	vld [tilespmem:s11+$0x40]  }
0x13f: {  	v3 =	vadd.f32 v8, v6;
	v6 =	vld [tilespmem:s30+$0x50];
	v2 =	vmax.f32 v2, $0.0e+00  }
0x140: {  	v8 =	vld [tilespmem:s11+$0xFFFFFFD0];
	[tilespmem:s6+$0x70] =	vst v2  }
0x141: {  	v2 =	vmax.f32 v3, $0.0e+00;
	v1 =	vadd.f32 v1, v5;
	v9 =	vld [tilespmem:s9+$0xB0];
	s9 =	smov.u32 s30  }
0x142: {  	[tilespmem:s10+$0x0] =	vst v2;
	v10 =	vld [tilespmem:s13+$0x70];
	s13 =	smov.u32 s11  }
0x143: {  	v3 =	vld [tilespmem:s30+$0x10];
	v2 =	vadd.f32 v4, v7;
	v1 =	vmax.f32 v1, $0.0e+00  }
.Ltmp3:
0x144: {  	v5 =	vld [tilespmem:s11+$0xFFFFFF50];
	[tilespmem:s10+$0xD0] =	vst v1;
	(pc) =	sbr.rel @p0 .LBB2_5-.Ltmp3, $4  }
0x145: {  	v1 =	vadd.f32 v8, v6;
	v4 =	vmax.f32 v2, $0.0e+00;
	v2 =	vld [tilespmem:s30+$0xE0]  }
0x146: {  	[tilespmem:s10+$0x80] =	vst v4;
	v4 =	vld [tilespmem:s11+$0xE0]  }
0x147: {  	v7 =	vmax.f32 v1, $0.0e+00;
	v6 =	vld [tilespmem:s30+$0x90];
	v1 =	vadd.f32 v10, v9  }
0x148: {  	s30 =	sadd.s32 $0x100, s30;
	[tilespmem:s10+$0x50] =	vst v7;
	v7 =	vld [tilespmem:s11+$0x50]  }
0x149: {  	v3 =	vadd.f32 v5, v3;
	_ =	sdelay $0x1  }
0x14a: {  	v3 =	vmax.f32 v3, $0.0e+00  }
0x14b: {  	[tilespmem:s10+$0x10] =	vst v3  }
0x14c: {  	v3 =	vadd.f32 v7, v6;
	v5 =	vld [tilespmem:s9+$0x20]  }
0x14d: {  	v6 =	vld [tilespmem:s13+$0xFFFFFF60]  }
0x14e: {  	v7 =	vld [tilespmem:s9+$0x60];
	v3 =	vmax.f32 v3, $0.0e+00  }
0x14f: {  	[tilespmem:s10+$0x90] =	vst v3;
	v3 =	vld [tilespmem:s13+$0xFFFFFFE0]  }
0x150: {  	v2 =	vadd.f32 v4, v2;
	v4 =	vld [tilespmem:s9+$0xA0]  }
0x151: {  	v8 =	vld [tilespmem:s13+$0x60]  }
0x152: {  	v2 =	vmax.f32 v2, $0.0e+00;
	v5 =	vadd.f32 v6, v5  }
0x153: {  	[tilespmem:s10+$0xE0] =	vst v2  }
0x154: {  	v2 =	vld [tilespmem:s9+$0xF0];
	v5 =	vmax.f32 v5, $0.0e+00;
	v3 =	vadd.f32 v3, v7  }
0x155: {  	v6 =	vld [tilespmem:s13+$0xF0];
	[tilespmem:s10+$0x20] =	vst v5  }
0x156: {  	v4 =	vadd.f32 v8, v4;
	v5 =	vld [tilespmem:s9+$0x30];
	v3 =	vmax.f32 v3, $0.0e+00  }
0x157: {  	[tilespmem:s10+$0x60] =	vst v3;
	v3 =	vld [tilespmem:s13+$0xFFFFFF70]  }
0x158: {  	v4 =	vmax.f32 v4, $0.0e+00;
	v7 =	vld [tilespmem:s9+$0x70]  }
0x159: {  	[tilespmem:s10+$0xA0] =	vst v4;
	v4 =	vld [tilespmem:s13+$0xFFFFFFF0]  }
0x15a: {  	v8 =	vld [tilespmem:s9+$0xB0]  }
0x15b: {  	v9 =	vld [tilespmem:s13+$0x70];
	_ =	sdelay $0x1  }
0x15c: {  	v2 =	vadd.f32 v6, v2  }
0x15d: {  	v1 =	vmax.f32 v1, $0.0e+00;
	v3 =	vadd.f32 v3, v5  }
0x15e: {  	[tilespmem:s6+$0xB0] =	vst v1;
	v1 =	vmax.f32 v2, $0.0e+00;
	v2 =	vadd.f32 v4, v7  }
0x15f: {  	[tilespmem:s10+$0xF0] =	vst v1;
	v1 =	vmax.f32 v3, $0.0e+00;
	v3 =	vadd.f32 v9, v8  }
0x160: {  	[tilespmem:s10+$0x30] =	vst v1;
	v1 =	vmax.f32 v2, $0.0e+00  }
0x161: {  	[tilespmem:s10+$0x70] =	vst v1;
	v1 =	vmax.f32 v3, $0.0e+00  }
0x162: {  	[tilespmem:s10+$0xB0] =	vst v1  }
0x163: {  	[spmem:s2] =	stream.indirect.scatter.add.f32 [tilespmem:s25], [sflag:$0x3], $0x40, s20, s17, $0xb8;
	[tilespmem:$0x1AF00] =	vst v63  }
0x164: {  	_ =	swait.ge [sflag:s26], $0x2000  }
0x165: {  	[sflag:s26] =	ssyncset.done $0x0  }
0x166: {  	[sflag:s26] =	ssyncadd.s32 $0xFFFFE000  }
0x167: {  	_ =	swait.ge [sflag:s26], $0x80  }
0x168: {  	[sflag:s26] =	ssyncset.done $0x0  }
0x169: {  	[sflag:s26] =	ssyncadd.s32 $0xFFFFFF80  }
0x16a: {  	_ =	swait.ge [sflag:s26], $0x2000  }
0x16b: {  	[sflag:s26] =	ssyncset.done $0x0  }
0x16c: {  	s14 =	simm.s32 $0x81F0;
	[sflag:s26] =	ssyncadd.s32 $0xFFFFE000  }
0x16d: {  	s13 =	simm.s32 $0xB2F0;
	v1 =	vld [tilespmem:s14+$0xFFFFEFD0]  }
0x16e: {  	v2 =	vld [tilespmem:s13+$0xFFFFFF90];
	_ =	sdelay $0x4  }
0x16f: {  	v3 =	vld [tilespmem:s14+$0xFFFFEF50];
	v1 =	vadd.f32 v2, v1  }
0x170: {  	v2 =	vld [tilespmem:s13+$0xFFFFFE90]  }
0x171: {  	s6 =	simm.s32 $0x101F0;
	v4 =	vld [tilespmem:s13+$0xFFFFFE10];
	v1 =	vmax.f32 v1, $0.0e+00  }
0x172: {  	v5 =	vld [tilespmem:s14+$0xFFFFEF10];
	[tilespmem:s6+$0xFFFFEFD0] =	vst v1  }
0x173: {  	v1 =	vld [tilespmem:s14+$0xFFFFEFE0]  }
0x174: {  	v6 =	vld [tilespmem:s13+$0xFFFFFFA0]  }
0x175: {  	v7 =	vld [tilespmem:s14+$0xFFFFEF90];
	v2 =	vadd.f32 v2, v3  }
0x176: {  	v3 =	vld [tilespmem:s13+$0xFFFFFF10]  }
0x177: {  	v4 =	vadd.f32 v4, v5;
	v2 =	vmax.f32 v2, $0.0e+00  }
0x178: {  	[tilespmem:s6+$0xFFFFEF50] =	vst v2  }
0x179: {  	v4 =	vmax.f32 v4, $0.0e+00;
	v2 =	vld [tilespmem:s14+$0xFFFFEF60];
	v1 =	vadd.f32 v6, v1  }
0x17a: {  	[tilespmem:s6+$0xFFFFEF10] =	vst v4;
	v5 =	vld [tilespmem:s13+$0xFFFFFEA0]  }
0x17b: {  	v4 =	vld [tilespmem:s14+$0xFFFFEF20];
	v3 =	vadd.f32 v3, v7;
	v1 =	vmax.f32 v1, $0.0e+00  }
0x17c: {  	v6 =	vld [tilespmem:s13+$0xFFFFFE20];
	[tilespmem:s6+$0xFFFFEFE0] =	vst v1  }
0x17d: {  	v1 =	vmax.f32 v3, $0.0e+00;
	v3 =	vld [tilespmem:s14+$0xFFFFEFF0]  }
0x17e: {  	[tilespmem:s6+$0xFFFFEF90] =	vst v1;
	v1 =	vld [tilespmem:s13+$0xFFFFFFB0]  }
0x17f: {  	v7 =	vld [tilespmem:s14+$0xFFFFEFA0];
	v2 =	vadd.f32 v5, v2  }
0x180: {  	v5 =	vld [tilespmem:s13+$0xFFFFFF20]  }
0x181: {  	v2 =	vmax.f32 v2, $0.0e+00  }
0x182: {  	v4 =	vadd.f32 v6, v4;
	[tilespmem:s6+$0xFFFFEF60] =	vst v2  }
0x183: {  	v2 =	vld [tilespmem:s14+$0xFFFFEF70];
	v1 =	vadd.f32 v1, v3  }
0x184: {  	v4 =	vmax.f32 v4, $0.0e+00;
	v3 =	vld [tilespmem:s13+$0xFFFFFEB0]  }
0x185: {  	[tilespmem:s6+$0xFFFFEF20] =	vst v4;
	v4 =	vadd.f32 v5, v7;
	v1 =	vmax.f32 v1, $0.0e+00  }
0x186: {  	[tilespmem:s6+$0xFFFFEFF0] =	vst v1  }
0x187: {  	v1 =	vmax.f32 v4, $0.0e+00;
	v4 =	vld [tilespmem:s14+$0xFFFFF000]  }
0x188: {  	[tilespmem:s6+$0xFFFFEFA0] =	vst v1;
	v1 =	vld [tilespmem:s13+$0xFFFFFFC0]  }
0x189: {  	v2 =	vadd.f32 v3, v2;
	v3 =	vld [tilespmem:s14+$0xFFFFEFB0]  }
0x18a: {  	v7 =	vld [tilespmem:s13+$0xFFFFFF30]  }
0x18b: {  	v6 =	vld [tilespmem:s13+$0xFFFFFE30];
	v2 =	vmax.f32 v2, $0.0e+00  }
0x18c: {  	v5 =	vld [tilespmem:s14+$0xFFFFEF30];
	[tilespmem:s6+$0xFFFFEF70] =	vst v2  }
0x18d: {  	v2 =	vld [tilespmem:s14+$0xFFFFEF80];
	v1 =	vadd.f32 v1, v4  }
0x18e: {  	v4 =	vld [tilespmem:s13+$0xFFFFFEC0]  }
0x18f: {  	v3 =	vadd.f32 v7, v3;
	v1 =	vmax.f32 v1, $0.0e+00  }
0x190: {  	[tilespmem:s6+$0xFFFFF000] =	vst v1  }
0x191: {  	v5 =	vadd.f32 v6, v5;
	v1 =	vmax.f32 v3, $0.0e+00;
	v3 =	vld [tilespmem:s14+$0xFFFFFFD0]  }
0x192: {  	[tilespmem:s6+$0xFFFFEFB0] =	vst v1;
	v1 =	vld [tilespmem:s13+$0xFFFFFFD0]  }
0x193: {  	v5 =	vmax.f32 v5, $0.0e+00;
	v2 =	vadd.f32 v4, v2;
	v4 =	vld [tilespmem:s14+$0xFFFFEFC0]  }
0x194: {  	[tilespmem:s6+$0xFFFFEF30] =	vst v5;
	v7 =	vld [tilespmem:s13+$0xFFFFFF40]  }
0x195: {  	v5 =	vld [tilespmem:s14+$0xFFFFEF40];
	v2 =	vmax.f32 v2, $0.0e+00  }
0x196: {  	v6 =	vld [tilespmem:s13+$0xFFFFFE40];
	[tilespmem:s6+$0xFFFFEF80] =	vst v2  }
0x197: {  	v2 =	vld [tilespmem:s14+$0xFFFFFF50];
	v1 =	vadd.f32 v1, v3  }
0x198: {  	v3 =	vld [tilespmem:s13+$0xFFFFFED0]  }
0x199: {  	s11 =	simm.s32 $0xB4F0;
	v4 =	vadd.f32 v7, v4;
	v1 =	vmax.f32 v1, $0.0e+00  }
0x19a: {  	v11 =	vld [tilespmem:s11+$0xFFFFFE10];
	[tilespmem:s6+$0xFFFFFFD0] =	vst v1  }
0x19b: {  	v1 =	vmax.f32 v4, $0.0e+00;
	v4 =	vld [tilespmem:s14+$0xFFFFFFE0]  }
0x19c: {  	v5 =	vadd.f32 v6, v5;
	[tilespmem:s6+$0xFFFFEFC0] =	vst v1;
	v1 =	vld [tilespmem:s13+$0xFFFFFFE0]  }
0x19d: {  	v2 =	vadd.f32 v3, v2;
	v3 =	vld [tilespmem:s14+$0xFFFFFF90]  }
0x19e: {  	s9 =	simm.s32 $0x82F0;
	v5 =	vmax.f32 v5, $0.0e+00;
	v7 =	vld [tilespmem:s13+$0xFFFFFF50]  }
0x19f: {  	v52 =	vld [tilespmem:s9+$0xFFFFEF10];
	[tilespmem:s6+$0xFFFFEF40] =	vst v5  }
0x1a0: {  	v5 =	vld [tilespmem:s14+$0xFFFFFF10]  }
0x1a1: {  	v6 =	vld [tilespmem:s13+$0xFFFFFE50];
	v1 =	vadd.f32 v1, v4  }
0x1a2: {  	v49 =	vld [tilespmem:s9+$0xFFFFEFD0]  }
0x1a3: {  	v10 =	vld [tilespmem:s11+$0xFFFFFF90];
	v3 =	vadd.f32 v7, v3;
	v1 =	vmax.f32 v1, $0.0e+00  }
0x1a4: {  	v12 =	vld [tilespmem:s11+$0xFFFFFE90];
	v11 =	vadd.f32 v11, v52;
	[tilespmem:s6+$0xFFFFFFE0] =	vst v1  }
0x1a5: {  	v1 =	vmax.f32 v3, $0.0e+00;
	v3 =	vld [tilespmem:s14+$0xFFFFFFF0]  }
0x1a6: {  	s10 =	simm.s32 $0x102F0;
	v11 =	vmax.f32 v11, $0.0e+00;
	v5 =	vadd.f32 v6, v5;
	[tilespmem:s6+$0xFFFFFF90] =	vst v1;
	v1 =	vld [tilespmem:s13+$0xFFFFFFF0]  }
0x1a7: {  	v13 =	vld [tilespmem:s9+$0xFFFFEF90];
	[tilespmem:s10+$0xFFFFEF10] =	vst v11;
	v2 =	vmax.f32 v2, $0.0e+00  }
0x1a8: {  	v11 =	vld [tilespmem:s9+$0xFFFFEF20];
	[tilespmem:s6+$0xFFFFFF50] =	vst v2;
	v5 =	vmax.f32 v5, $0.0e+00  }
0x1a9: {  	v2 =	vld [tilespmem:s14+$0xFFFFFF60];
	[tilespmem:s6+$0xFFFFFF10] =	vst v5  }
0x1aa: {  	v5 =	vld [tilespmem:s14+$0xFFFFFF20]  }
0x1ab: {  	v6 =	vld [tilespmem:s13+$0xFFFFFE60];
	v1 =	vadd.f32 v1, v3  }
0x1ac: {  	v3 =	vld [tilespmem:s9+$0xFFFFEF50]  }
0x1ad: {  	v4 =	vld [tilespmem:s13+$0xFFFFFEE0];
	v1 =	vmax.f32 v1, $0.0e+00  }
0x1ae: {  	v7 =	vld [tilespmem:s14+$0xFFFFFFA0];
	[tilespmem:s6+$0xFFFFFFF0] =	vst v1;
	v1 =	vadd.f32 v10, v49  }
0x1af: {  	v8 =	vld [tilespmem:s13+$0xFFFFFF60]  }
0x1b0: {  	v5 =	vadd.f32 v6, v5;
	v6 =	vld [tilespmem:s11+$0xFFFFFF10];
	v1 =	vmax.f32 v1, $0.0e+00  }
0x1b1: {  	v54 =	vld [tilespmem:s11+$0xFFFFFE20];
	v3 =	vadd.f32 v12, v3;
	[tilespmem:s10+$0xFFFFEFD0] =	vst v1  }
0x1b2: {  	v1 =	vmax.f32 v5, $0.0e+00;
	v5 =	vld [tilespmem:s9+$0xFFFFEFE0]  }
0x1b3: {  	v2 =	vadd.f32 v4, v2;
	[tilespmem:s6+$0xFFFFFF20] =	vst v1;
	v1 =	vmax.f32 v3, $0.0e+00;
	v3 =	vld [tilespmem:s11+$0xFFFFFFA0]  }
0x1b4: {  	v7 =	vadd.f32 v8, v7;
	v50 =	vld [tilespmem:s14+$0x0]  }
0x1b5: {  	v2 =	vmax.f32 v2, $0.0e+00;
	v6 =	vadd.f32 v6, v13;
	v51 =	vld [tilespmem:s13+$0x0];
	[tilespmem:s10+$0xFFFFEF50] =	vst v1  }
0x1b6: {  	[tilespmem:s6+$0xFFFFFF60] =	vst v2;
	v7 =	vmax.f32 v7, $0.0e+00;
	v4 =	vld [tilespmem:s9+$0xFFFFEF60]  }
0x1b7: {  	v2 =	vmax.f32 v6, $0.0e+00;
	[tilespmem:s6+$0xFFFFFFA0] =	vst v7;
	v53 =	vld [tilespmem:s11+$0xFFFFFEA0]  }
0x1b8: {  	v7 =	vld [tilespmem:s13+$0xFFFFFEF0];
	[tilespmem:s10+$0xFFFFEF90] =	vst v2;
	v2 =	vadd.f32 v3, v5  }
0x1b9: {  	v57 =	vld [tilespmem:s14+$0xFFFFFFB0]  }
0x1ba: {  	v58 =	vld [tilespmem:s13+$0xFFFFFF70];
	v2 =	vmax.f32 v2, $0.0e+00  }
0x1bb: {  	v1 =	vld [tilespmem:s14+$0xFFFFFF30];
	[tilespmem:s10+$0xFFFFEFE0] =	vst v2  }
0x1bc: {  	v4 =	vadd.f32 v53, v4;
	v2 =	vld [tilespmem:s9+$0xFFFFEFF0]  }
0x1bd: {  	v55 =	vld [tilespmem:s11+$0xFFFFFFB0]  }
0x1be: {  	v5 =	vld [tilespmem:s9+$0xFFFFEFA0];
	v4 =	vmax.f32 v4, $0.0e+00  }
0x1bf: {  	[tilespmem:s10+$0xFFFFEF60] =	vst v4;
	v4 =	vld [tilespmem:s11+$0xFFFFFF20]  }
0x1c0: {  	v11 =	vadd.f32 v54, v11;
	v8 =	vld [tilespmem:s9+$0xFFFFEF70]  }
0x1c1: {  	v56 =	vld [tilespmem:s11+$0xFFFFFEB0]  }
0x1c2: {  	v11 =	vmax.f32 v11, $0.0e+00;
	v6 =	vld [tilespmem:s13+$0xFFFFFE70];
	v2 =	vadd.f32 v55, v2  }
0x1c3: {  	[tilespmem:s10+$0xFFFFEF20] =	vst v11;
	v3 =	vld [tilespmem:s14+$0xFFFFFF70]  }
0x1c4: {  	v4 =	vadd.f32 v4, v5;
	v5 =	vld [tilespmem:s9+$0xFFFFEF30];
	v2 =	vmax.f32 v2, $0.0e+00  }
0x1c5: {  	[tilespmem:s10+$0xFFFFEFF0] =	vst v2;
	v2 =	vld [tilespmem:s11+$0xFFFFFE30]  }
0x1c6: {  	v8 =	vadd.f32 v56, v8;
	v4 =	vmax.f32 v4, $0.0e+00;
	v59 =	vld [tilespmem:s9+$0xFFFFF000]  }
0x1c7: {  	v1 =	vadd.f32 v6, v1;
	[tilespmem:s10+$0xFFFFEFA0] =	vst v4;
	v4 =	vld [tilespmem:s11+$0xFFFFFFC0]  }
0x1c8: {  	v6 =	vmax.f32 v8, $0.0e+00;
	v8 =	vld [tilespmem:s9+$0xFFFFEFB0]  }
0x1c9: {  	v1 =	vmax.f32 v1, $0.0e+00;
	[tilespmem:s10+$0xFFFFEF70] =	vst v6;
	v6 =	vld [tilespmem:s11+$0xFFFFFF30]  }
0x1ca: {  	[tilespmem:s6+$0xFFFFFF30] =	vst v1;
	v1 =	vld [tilespmem:s11+$0xFFFFFEC0];
	v2 =	vadd.f32 v2, v5  }
0x1cb: {  	v5 =	vld [tilespmem:s9+$0xFFFFEF80]  }
0x1cc: {  	v60 =	vld [tilespmem:s14+$0xFFFFFF40];
	v4 =	vadd.f32 v4, v59;
	v2 =	vmax.f32 v2, $0.0e+00  }
0x1cd: {  	[tilespmem:s10+$0xFFFFEF30] =	vst v2;
	v2 =	vld [tilespmem:s13+$0xFFFFFE80]  }
0x1ce: {  	v6 =	vadd.f32 v6, v8;
	v4 =	vmax.f32 v4, $0.0e+00;
	v8 =	vld [tilespmem:s9+$0xFFFFEF40]  }
0x1cf: {  	[tilespmem:s10+$0xFFFFF000] =	vst v4;
	v4 =	vld [tilespmem:s11+$0xFFFFFE40]  }
0x1d0: {  	v1 =	vadd.f32 v1, v5;
	v5 =	vmax.f32 v6, $0.0e+00;
	v6 =	vld [tilespmem:s9+$0xFFFFFFD0]  }
0x1d1: {  	[tilespmem:s10+$0xFFFFEFB0] =	vst v5;
	v5 =	vld [tilespmem:s11+$0xFFFFFFD0]  }
0x1d2: {  	v3 =	vadd.f32 v7, v3;
	v1 =	vmax.f32 v1, $0.0e+00;
	v7 =	vld [tilespmem:s9+$0xFFFFEFC0]  }
0x1d3: {  	[tilespmem:s10+$0xFFFFEF80] =	vst v1;
	v1 =	vld [tilespmem:s11+$0xFFFFFF40]  }
0x1d4: {  	v3 =	vmax.f32 v3, $0.0e+00;
	v4 =	vadd.f32 v4, v8;
	v8 =	vld [tilespmem:s9+$0xFFFFFF50]  }
0x1d5: {  	[tilespmem:s6+$0xFFFFFF70] =	vst v3;
	v3 =	vld [tilespmem:s11+$0xFFFFFED0]  }
0x1d6: {  	v4 =	vmax.f32 v4, $0.0e+00;
	v5 =	vadd.f32 v5, v6;
	v6 =	vld [tilespmem:s14+$0xFFFFFF80]  }
0x1d7: {  	[tilespmem:s10+$0xFFFFEF40] =	vst v4;
	v4 =	vld [tilespmem:s13+$0xFFFFFF00]  }
0x1d8: {  	v1 =	vadd.f32 v1, v7;
	v7 =	vld [tilespmem:s9+$0xFFFFFF10];
	v5 =	vmax.f32 v5, $0.0e+00  }
0x1d9: {  	[tilespmem:s10+$0xFFFFFFD0] =	vst v5;
	v5 =	vld [tilespmem:s11+$0xFFFFFE50]  }
0x1da: {  	v3 =	vadd.f32 v3, v8;
	v1 =	vmax.f32 v1, $0.0e+00;
	v8 =	vld [tilespmem:s9+$0xFFFFFFE0]  }
0x1db: {  	[tilespmem:s10+$0xFFFFEFC0] =	vst v1;
	v1 =	vld [tilespmem:s11+$0xFFFFFFE0]  }
0x1dc: {  	v11 =	vadd.f32 v58, v57;
	v3 =	vmax.f32 v3, $0.0e+00;
	v61 =	vld [tilespmem:s9+$0xFFFFFF90]  }
0x1dd: {  	[tilespmem:s10+$0xFFFFFF50] =	vst v3;
	v3 =	vld [tilespmem:s11+$0xFFFFFF50]  }
0x1de: {  	v11 =	vmax.f32 v11, $0.0e+00;
	v62 =	vld [tilespmem:s11+$0xFFFFFEE0];
	v5 =	vadd.f32 v5, v7  }
0x1df: {  	v9 =	vadd.f32 v51, v50;
	[tilespmem:s6+$0xFFFFFFB0] =	vst v11;
	v7 =	vld [tilespmem:s9+$0xFFFFFF60]  }
0x1e0: {  	v11 =	vld [tilespmem:s13+$0xFFFFFF80];
	v5 =	vmax.f32 v5, $0.0e+00;
	v1 =	vadd.f32 v1, v8  }
0x1e1: {  	v9 =	vmax.f32 v9, $0.0e+00;
	v2 =	vadd.f32 v2, v60;
	v8 =	vld [tilespmem:s14+$0xFFFFFFC0];
	[tilespmem:s10+$0xFFFFFF10] =	vst v5  }
0x1e2: {  	[tilespmem:s6+$0x0] =	vst v9;
	v63 =	vadd.f32 v3, v61;
	v3 =	vld [tilespmem:s9+$0xFFFFFF20];
	v1 =	vmax.f32 v1, $0.0e+00  }
0x1e3: {  	v2 =	vmax.f32 v2, $0.0e+00;
	v4 =	vadd.f32 v4, v6;
	v5 =	vld [tilespmem:s11+$0xFFFFFE60];
	[tilespmem:s10+$0xFFFFFFE0] =	vst v1  }
0x1e4: {  	[tilespmem:s6+$0xFFFFFF40] =	vst v2;
	v1 =	vadd.f32 v62, v7;
	v6 =	vmax.f32 v63, $0.0e+00;
	v2 =	vld [tilespmem:s9+$0xFFFFFFF0]  }
0x1e5: {  	v7 =	vmax.f32 v4, $0.0e+00;
	[tilespmem:s10+$0xFFFFFF90] =	vst v6;
	v4 =	vld [tilespmem:s11+$0xFFFFFFF0]  }
0x1e6: {  	[tilespmem:s6+$0xFFFFFF80] =	vst v7;
	v7 =	vmax.f32 v1, $0.0e+00;
	v6 =	vld [tilespmem:s9+$0xFFFFFFA0];
	v1 =	vadd.f32 v11, v8  }
0x1e7: {  	s30 =	simm.s32 $0x83F0;
	s13 =	simm.s32 $0xB4F0;
	s14 =	simm.s32 $0x4;
	[tilespmem:s10+$0xFFFFFF60] =	vst v7;
	v7 =	vld [tilespmem:s11+$0xFFFFFF60]  }
.LBB2_7:
0x1e8: {  	v8 =	vld [tilespmem:s30+$0xFFFFEFD0];
	v3 =	vadd.f32 v5, v3;
	s11 =	sadd.s32 $0x200, s11;
	v1 =	vmax.f32 v1, $0.0e+00  }
0x1e9: {  	v5 =	vld [tilespmem:s11+$0xFFFFFF90];
	[tilespmem:s6+$0xFFFFFFC0] =	vst v1;
	s6 =	smov.u32 s10  }
0x1ea: {  	v1 =	vld [tilespmem:s11+$0xFFFFFE10];
	v3 =	vmax.f32 v3, $0.0e+00;
	v2 =	vadd.f32 v4, v2  }
0x1eb: {  	v4 =	vld [tilespmem:s30+$0xFFFFEF50];
	[tilespmem:s10+$0xFFFFFF20] =	vst v3  }
0x1ec: {  	v3 =	vld [tilespmem:s11+$0xFFFFFE90];
	v6 =	vadd.f32 v7, v6;
	v2 =	vmax.f32 v2, $0.0e+00  }
0x1ed: {  	v7 =	vld [tilespmem:s30+$0xFFFFEF90];
	[tilespmem:s10+$0xFFFFFFF0] =	vst v2  }
0x1ee: {  	v2 =	vadd.f32 v5, v8;
	v5 =	vmax.f32 v6, $0.0e+00;
	v6 =	vld [tilespmem:s9+$0x0]  }
0x1ef: {  	[tilespmem:s10+$0xFFFFFFA0] =	vst v5;
	v5 =	vld [tilespmem:s13+$0x0]  }
0x1f0: {  	s14 =	sadd.s32 $0x4, s14;
	s10 =	sadd.s32 $0x100, s10;
	v8 =	vld [tilespmem:s11+$0xFFFFFF10];
	v2 =	vmax.f32 v2, $0.0e+00  }
0x1f1: {  	p0 =	slt.u32 s14, $0x3C;
	v9 =	vld [tilespmem:s30+$0xFFFFEF10];
	v3 =	vadd.f32 v3, v4;
	[tilespmem:s10+$0xFFFFEFD0] =	vst v2  }
0x1f2: {  	v2 =	vld [tilespmem:s30+$0xFFFFEFE0]  }
0x1f3: {  	v3 =	vmax.f32 v3, $0.0e+00;
	v4 =	vld [tilespmem:s11+$0xFFFFFFA0]  }
0x1f4: {  	[tilespmem:s10+$0xFFFFEF50] =	vst v3;
	v3 =	vld [tilespmem:s9+$0xFFFFFF30];
	v5 =	vadd.f32 v5, v6  }
0x1f5: {  	v6 =	vld [tilespmem:s30+$0xFFFFEF60];
	v7 =	vadd.f32 v8, v7  }
0x1f6: {  	v1 =	vadd.f32 v1, v9;
	v8 =	vld [tilespmem:s11+$0xFFFFFEA0];
	v5 =	vmax.f32 v5, $0.0e+00  }
0x1f7: {  	v7 =	vmax.f32 v7, $0.0e+00;
	v9 =	vld [tilespmem:s13+$0xFFFFFE70];
	[tilespmem:s6+$0x0] =	vst v5  }
0x1f8: {  	v1 =	vmax.f32 v1, $0.0e+00;
	[tilespmem:s10+$0xFFFFEF90] =	vst v7;
	v2 =	vadd.f32 v4, v2;
	v4 =	vld [tilespmem:s9+$0xFFFFFF70]  }
0x1f9: {  	[tilespmem:s10+$0xFFFFEF10] =	vst v1;
	v1 =	vld [tilespmem:s30+$0xFFFFEFA0]  }
0x1fa: {  	v5 =	vld [tilespmem:s30+$0xFFFFEF20];
	v2 =	vmax.f32 v2, $0.0e+00  }
0x1fb: {  	v7 =	vld [tilespmem:s11+$0xFFFFFE20];
	v6 =	vadd.f32 v8, v6;
	[tilespmem:s10+$0xFFFFEFE0] =	vst v2  }
0x1fc: {  	v2 =	vld [tilespmem:s30+$0xFFFFEFF0];
	v3 =	vadd.f32 v9, v3  }
0x1fd: {  	v6 =	vmax.f32 v6, $0.0e+00;
	v8 =	vld [tilespmem:s11+$0xFFFFFFB0]  }
0x1fe: {  	[tilespmem:s10+$0xFFFFEF60] =	vst v6;
	v6 =	vld [tilespmem:s11+$0xFFFFFF20];
	v3 =	vmax.f32 v3, $0.0e+00  }
0x1ff: {  	v9 =	vld [tilespmem:s30+$0xFFFFEF70];
	[tilespmem:s6+$0xFFFFFF30] =	vst v3  }
0x200: {  	v3 =	vadd.f32 v7, v5;
	v5 =	vld [tilespmem:s11+$0xFFFFFEB0]  }
0x201: {  	v7 =	vld [tilespmem:s13+$0xFFFFFEF0]  }
0x202: {  	v3 =	vmax.f32 v3, $0.0e+00;
	v2 =	vadd.f32 v8, v2;
	v8 =	vld [tilespmem:s9+$0xFFFFFFB0]  }
0x203: {  	[tilespmem:s10+$0xFFFFEF20] =	vst v3;
	v1 =	vadd.f32 v6, v1;
	v3 =	vld [tilespmem:s13+$0xFFFFFF70]  }
0x204: {  	v6 =	vld [tilespmem:s30+$0xFFFFEF30];
	v2 =	vmax.f32 v2, $0.0e+00  }
0x205: {  	v10 =	vld [tilespmem:s11+$0xFFFFFE30];
	v5 =	vadd.f32 v5, v9;
	v1 =	vmax.f32 v1, $0.0e+00;
	[tilespmem:s10+$0xFFFFEFF0] =	vst v2  }
0x206: {  	[tilespmem:s10+$0xFFFFEFA0] =	vst v1;
	v1 =	vld [tilespmem:s30+$0xFFFFF000];
	v2 =	vadd.f32 v7, v4  }
0x207: {  	v4 =	vmax.f32 v5, $0.0e+00;
	v5 =	vld [tilespmem:s11+$0xFFFFFFC0]  }
0x208: {  	[tilespmem:s10+$0xFFFFEF70] =	vst v4;
	v4 =	vld [tilespmem:s30+$0xFFFFEFB0];
	v2 =	vmax.f32 v2, $0.0e+00;
	v3 =	vadd.f32 v3, v8  }
0x209: {  	v7 =	vld [tilespmem:s11+$0xFFFFFF30];
	[tilespmem:s6+$0xFFFFFF70] =	vst v2  }
0x20a: {  	v2 =	vadd.f32 v10, v6;
	v6 =	vld [tilespmem:s30+$0xFFFFEF80];
	v3 =	vmax.f32 v3, $0.0e+00  }
0x20b: {  	v8 =	vld [tilespmem:s11+$0xFFFFFEC0];
	[tilespmem:s6+$0xFFFFFFB0] =	vst v3  }
0x20c: {  	v2 =	vmax.f32 v2, $0.0e+00;
	v1 =	vadd.f32 v5, v1;
	v3 =	vld [tilespmem:s9+$0xFFFFFF40]  }
0x20d: {  	[tilespmem:s10+$0xFFFFEF30] =	vst v2;
	v2 =	vld [tilespmem:s13+$0xFFFFFE80]  }
0x20e: {  	v5 =	vld [tilespmem:s30+$0xFFFFEF40];
	v4 =	vadd.f32 v7, v4;
	v1 =	vmax.f32 v1, $0.0e+00  }
0x20f: {  	v7 =	vld [tilespmem:s11+$0xFFFFFE40];
	[tilespmem:s10+$0xFFFFF000] =	vst v1  }
0x210: {  	v1 =	vadd.f32 v8, v6;
	v4 =	vmax.f32 v4, $0.0e+00;
	v6 =	vld [tilespmem:s30+$0xFFFFFFD0]  }
0x211: {  	[tilespmem:s10+$0xFFFFEFB0] =	vst v4;
	v4 =	vld [tilespmem:s11+$0xFFFFFFD0]  }
0x212: {  	v1 =	vmax.f32 v1, $0.0e+00;
	v8 =	vld [tilespmem:s30+$0xFFFFEFC0];
	v2 =	vadd.f32 v2, v3  }
0x213: {  	[tilespmem:s10+$0xFFFFEF80] =	vst v1;
	v1 =	vld [tilespmem:s11+$0xFFFFFF40]  }
0x214: {  	v3 =	vadd.f32 v7, v5;
	v5 =	vld [tilespmem:s30+$0xFFFFFF50];
	v2 =	vmax.f32 v2, $0.0e+00  }
0x215: {  	v7 =	vld [tilespmem:s11+$0xFFFFFED0];
	[tilespmem:s6+$0xFFFFFF40] =	vst v2  }
0x216: {  	v2 =	vmax.f32 v3, $0.0e+00;
	v3 =	vadd.f32 v4, v6;
	v4 =	vld [tilespmem:s9+$0xFFFFFF80]  }
0x217: {  	[tilespmem:s10+$0xFFFFEF40] =	vst v2;
	v2 =	vld [tilespmem:s13+$0xFFFFFF00]  }
0x218: {  	v6 =	vld [tilespmem:s30+$0xFFFFFF10];
	v1 =	vadd.f32 v1, v8;
	v3 =	vmax.f32 v3, $0.0e+00  }
0x219: {  	v8 =	vld [tilespmem:s11+$0xFFFFFE50];
	[tilespmem:s10+$0xFFFFFFD0] =	vst v3  }
0x21a: {  	v3 =	vadd.f32 v7, v5;
	v1 =	vmax.f32 v1, $0.0e+00;
	v5 =	vld [tilespmem:s30+$0xFFFFFFE0]  }
0x21b: {  	[tilespmem:s10+$0xFFFFEFC0] =	vst v1;
	v1 =	vld [tilespmem:s11+$0xFFFFFFE0]  }
0x21c: {  	v3 =	vmax.f32 v3, $0.0e+00;
	v7 =	vld [tilespmem:s30+$0xFFFFFF90];
	v2 =	vadd.f32 v2, v4  }
0x21d: {  	[tilespmem:s10+$0xFFFFFF50] =	vst v3;
	v4 =	vld [tilespmem:s11+$0xFFFFFF50]  }
0x21e: {  	v3 =	vadd.f32 v8, v6;
	v6 =	vld [tilespmem:s30+$0xFFFFFF60];
	v2 =	vmax.f32 v2, $0.0e+00  }
0x21f: {  	v8 =	vld [tilespmem:s11+$0xFFFFFEE0];
	[tilespmem:s6+$0xFFFFFF80] =	vst v2  }
0x220: {  	v2 =	vmax.f32 v3, $0.0e+00;
	v1 =	vadd.f32 v1, v5;
	v9 =	vld [tilespmem:s9+$0xFFFFFFC0];
	s9 =	smov.u32 s30  }
0x221: {  	[tilespmem:s10+$0xFFFFFF10] =	vst v2;
	v10 =	vld [tilespmem:s13+$0xFFFFFF80];
	s13 =	smov.u32 s11  }
0x222: {  	v3 =	vld [tilespmem:s30+$0xFFFFFF20];
	v2 =	vadd.f32 v4, v7;
	v1 =	vmax.f32 v1, $0.0e+00  }
.Ltmp4:
0x223: {  	v5 =	vld [tilespmem:s11+$0xFFFFFE60];
	[tilespmem:s10+$0xFFFFFFE0] =	vst v1;
	(pc) =	sbr.rel @p0 .LBB2_7-.Ltmp4, $4  }
0x224: {  	v1 =	vadd.f32 v8, v6;
	v4 =	vmax.f32 v2, $0.0e+00;
	v2 =	vld [tilespmem:s30+$0xFFFFFFF0]  }
0x225: {  	[tilespmem:s10+$0xFFFFFF90] =	vst v4;
	v4 =	vld [tilespmem:s11+$0xFFFFFFF0]  }
0x226: {  	v7 =	vmax.f32 v1, $0.0e+00;
	v6 =	vld [tilespmem:s30+$0xFFFFFFA0];
	v1 =	vadd.f32 v10, v9  }
0x227: {  	s30 =	sadd.s32 $0x100, s30;
	[tilespmem:s10+$0xFFFFFF60] =	vst v7;
	v7 =	vld [tilespmem:s11+$0xFFFFFF60]  }
0x228: {  	v3 =	vadd.f32 v5, v3;
	_ =	sdelay $0x1  }
0x229: {  	v3 =	vmax.f32 v3, $0.0e+00  }
0x22a: {  	[tilespmem:s10+$0xFFFFFF20] =	vst v3  }
0x22b: {  	v3 =	vadd.f32 v7, v6;
	v56 =	vld [tilespmem:s9+$0xFFFFFF30]  }
0x22c: {  	v57 =	vld [tilespmem:s13+$0xFFFFFE70]  }
0x22d: {  	v58 =	vld [tilespmem:s9+$0xFFFFFF70];
	v3 =	vmax.f32 v3, $0.0e+00  }
0x22e: {  	[tilespmem:s10+$0xFFFFFFA0] =	vst v3;
	v3 =	vld [tilespmem:s13+$0xFFFFFEF0]  }
0x22f: {  	v2 =	vadd.f32 v4, v2;
	v59 =	vld [tilespmem:s9+$0xFFFFFFB0]  }
0x230: {  	v8 =	vld [tilespmem:s13+$0xFFFFFF70]  }
0x231: {  	v2 =	vmax.f32 v2, $0.0e+00;
	v5 =	vadd.f32 v57, v56  }
0x232: {  	[tilespmem:s10+$0xFFFFFFF0] =	vst v2  }
0x233: {  	v2 =	vld [tilespmem:s9+$0x0];
	v5 =	vmax.f32 v5, $0.0e+00;
	v3 =	vadd.f32 v3, v58  }
0x234: {  	v60 =	vld [tilespmem:s13+$0x0];
	[tilespmem:s10+$0xFFFFFF30] =	vst v5  }
0x235: {  	v4 =	vadd.f32 v8, v59;
	v5 =	vld [tilespmem:s9+$0xFFFFFF40];
	v3 =	vmax.f32 v3, $0.0e+00  }
0x236: {  	[tilespmem:s10+$0xFFFFFF70] =	vst v3;
	v3 =	vld [tilespmem:s13+$0xFFFFFE80]  }
0x237: {  	v4 =	vmax.f32 v4, $0.0e+00;
	v61 =	vld [tilespmem:s9+$0xFFFFFF80]  }
0x238: {  	[tilespmem:s10+$0xFFFFFFB0] =	vst v4;
	v62 =	vld [tilespmem:s13+$0xFFFFFF00]  }
0x239: {  	v63 =	vld [tilespmem:s9+$0xFFFFFFC0]  }
0x23a: {  	v9 =	vld [tilespmem:s13+$0xFFFFFF80];
	_ =	sdelay $0x1  }
0x23b: {  	v2 =	vadd.f32 v60, v2  }
0x23c: {  	v1 =	vmax.f32 v1, $0.0e+00;
	v3 =	vadd.f32 v3, v5  }
0x23d: {  	[tilespmem:s6+$0xFFFFFFC0] =	vst v1;
	v1 =	vmax.f32 v2, $0.0e+00;
	v2 =	vadd.f32 v62, v61  }
0x23e: {  	[tilespmem:s10+$0x0] =	vst v1;
	v1 =	vmax.f32 v3, $0.0e+00;
	v3 =	vadd.f32 v9, v63  }
0x23f: {  	p0 =	seq.s32 s0, $0x4F;
	[tilespmem:s10+$0xFFFFFF40] =	vst v1;
	v1 =	vmax.f32 v2, $0.0e+00  }
.Ltmp5:
0x240: {  	[tilespmem:s10+$0xFFFFFF80] =	vst v1;
	v1 =	vmax.f32 v3, $0.0e+00;
	(pc) =	sbr.rel @p0 .LBB2_10-.Ltmp5, $4  }
0x241: {  	[tilespmem:s10+$0xFFFFFFC0] =	vst v1  }
0x242: {  	_ =	swait.ge [sflag:s28], $0x2000  }
0x243: {  	[sflag:s28] =	ssyncset.done $0x0  }
0x244: {  	[sflag:s28] =	ssyncadd.s32 $0xFFFFE000  }
0x245: {  	s1 =	sadd.s32 $0x100, s1  }
0x246: {  	s6 =	sadd.s32 s7, s1  }
0x247: {  	[tilespmem:s18], [sflag:$0x1] =	stream.indirect.gather [hbm4b:s4+s17], $0x40, s1, s17, $0xb8;
	[tilespmem:$0x1AF00] =	vst v63  }
0x248: {  	s14 =	sshll.u32 s6, $0x3  }
0x249: {  	s1 =	sadd.s32 s12, s14  }
0x24a: {  	[tilespmem:s19], [sflag:$0x1] =	stream.linear.gather [hbm4b:s1+s3], $0x2000, $0x38;
	[tilespmem:$0x1AF00] =	vst v63  }
.Ltmp6:
0x24b: {  	s30 =	sshrl.u32 s6, $0x3;
	(pc) =	sbr.rel .LBB2_4-.Ltmp6, $4  }
0x24c: {  	s1 =	sadd.s32 s5, s30  }
0x24d: {  	[tilespmem:s20], [sflag:$0x1] =	stream.linear.gather [hbm4b:s1+s3], $0x80, $0x38;
	[tilespmem:$0x1AF00] =	vst v63  }
0x24e: {  	s0 =	sadd.s32 $0x1, s0  }
0x24f: {  	[spmem:s2] =	stream.indirect.scatter.add.f32 [tilespmem:s29], [sflag:$0x4], $0x40, s23, s17, $0xb8;
	[tilespmem:$0x1AF00] =	vst v63  }
.LBB2_11:
0x250: {  	_ =	sfence.sel $0x180000  }
0x251: {  	[bflag:$0x0] =	sbarrier.arrive $0xFFFF  }
0x252: {  	_ =	strace $0x90000047  }
0x253: {  	s0 =	stileid.u32;
	[bflag:$0x2] =	sbarrier.arrive $0xFFFF  }
0x254: {  	p0 =	sne.s32 s0, $0x0;
	s0 =	rddreg [dreg:$0x3]  }
0x255: {  	s0 =	sadd.s32 @!p0 $0x100000, s0  }
0x256: {  	[sflag:s0] =	ssyncadd.tile.s32 @!p0 $0x1;
	_ =	shalt  }
.Lfunc_end2:
_tile_overlayer_lowered:
.L_overlay_start_2:
0x257: {  	(tag) =	ssettag $0x2  }
0x258: {  	s0 =	rddreg [dreg:$0x0];
	s2 =	stileid.u32  }
0x259: {  	s1 =	rddreg [dreg:$0x1];
	p0 =	sne.s32 s2, $0x0  }
0x25a: {  	s3 =	rddreg [dreg:$0x2];
	[bflag:$0x3] =	sbarrier.arrive $0xFFFF;
	s2 =	simm.s32 @!p0 $0x1C05  }
0x25b: {  	[timem:s3], [sflag:s2] =	dma.local @!p0 [hbm:s0], s1  }
0x25c: {  	s0 =	simm.s32 @!p0 $0x5  }
0x25d: {  	_ =	swait.ge @!p0 [sflag:s0], s1  }
0x25e: {  	s1 =	ssub.s32 @!p0 $0x0, s1;
	[sflag:s0] =	ssyncset.done @!p0 $0x0  }
0x25f: {  	[sflag:s0] =	ssyncadd.s32 @!p0 s1  }
0x260: {  	[bflag:$0x3] =	sbarrier.arrive $0xFFFF  }
0x261: {  	_ =	shalt  }

</sc_bundles>
